<compile_context>
chip_gen: v7x
topology: tpu7x:2x2x1
jax: 0.10.2.dev20260603
libtpu: 0.0.44.dev20260713+nightly
codegen_flags: <defaults>
</compile_context>

<pallas_src>
import jax
import jax.numpy as jnp
from jax import lax
from jax.experimental import pallas as pl
from jax.experimental.pallas import tpu as pltpu
from jax.experimental.pallas import tpu_sc as plsc

N_TOTAL = 16 * 512 * 512
NROW = N_TOTAL // 512
NW = 32
ROW_W = NROW // NW
RPC = 32
NCHUNK = ROW_W // RPC
VPC = RPC * 512 // 16

NB = 512
HI = 16.0
S16 = float(NB * 16 / HI)
Y16 = float(NB * 16)
CLAMP = float(NB * 16 - 1)
HW = 2 * NB * 16
HR = HW // 128
MASK = 2 * NB * 16 - 16

_f32 = jnp.float32


def _sc_hist_body(logits_hbm, labels_hbm, hist_out, aux_out,
                  lbuf0, lbuf1, ybuf0, ybuf1, cnt, srelu, auxbuf, sem):
    lbufs = (lbuf0, lbuf1)
    ybufs = (ybuf0, ybuf1)
    wid = lax.axis_index("s") * 2 + lax.axis_index("c")
    base_row = wid * ROW_W

    zeros16 = jnp.zeros((16,), _f32)
    ones16 = jnp.ones((16,), _f32)
    lane = lax.broadcasted_iota(jnp.int32, (16,), 0)

    def start(c):
        row0 = base_row + c * RPC
        slot = c % 2
        return (
            pltpu.async_copy(logits_hbm.at[pl.ds(row0, RPC), :],
                             lbufs[slot], sem.at[slot]),
            pltpu.async_copy(labels_hbm.at[pl.ds(row0, RPC), :],
                             ybufs[slot], sem.at[slot]),
        )

    pending = {0: start(0), 1: start(1)}

    @plsc.parallel_loop(0, HW // 16, unroll=8)
    def _zero(i):
        cnt[pl.ds(i * 16, 16)] = zeros16
        srelu[pl.ds(i * 16, 16)] = zeros16

    maxv = jnp.zeros((16,), _f32)
    for c in range(NCHUNK):
        if c + 1 < NCHUNK and c + 1 not in pending:
            pending[c + 1] = start(c + 1)
        for h in pending.pop(c):
            h.wait()
        lb_s = lbufs[c % 2]
        yb_s = ybufs[c % 2]

        def vec_body(j, mx, lb_s=lb_s, yb_s=yb_s):
            r = lax.shift_right_logical(j, 5)
            cc = lax.shift_left(j & 31, 4)
            lg = lb_s[r, pl.ds(cc, 16)]
            y = yb_s[r, pl.ds(cc, 16)]
            lgs = lg * S16
            t1 = y + y
            v = t1 - 1.0
            es = S16 - lgs * v
            rs = jnp.maximum(es, 0.0)
            b = jnp.minimum(rs, CLAMP)
            idxf = (t1 * (Y16 * 0.5) + b) + 8388608.0
            bits = plsc.bitcast(idxf, jnp.int32)
            idx = (bits & MASK) | lane
            plsc.addupdate_scatter(cnt, [idx], ones16)
            plsc.addupdate_scatter(srelu, [idx], rs)
            return jnp.maximum(mx, rs)

        maxv = plsc.parallel_loop(0, VPC, unroll=8, carry=maxv)(vec_body)

    auxbuf[pl.ds(0, 16)] = maxv
    cpy = (pltpu.async_copy(cnt, hist_out.at[pl.ds(wid * 2 * HW, HW)], sem.at[0]),
           pltpu.async_copy(srelu, hist_out.at[pl.ds(wid * 2 * HW + HW, HW)], sem.at[1]),
           pltpu.async_copy(auxbuf, aux_out.at[pl.ds(wid * 16, 16)], sem.at[0]))
    for h in cpy:
        h.wait()


_sc_hist = pl.kernel(
    _sc_hist_body,
    out_type=(
        jax.ShapeDtypeStruct((NW * 2 * HW,), _f32),
        jax.ShapeDtypeStruct((NW * 16,), _f32),
    ),
    mesh=plsc.VectorSubcoreMesh(core_axis_name="c", subcore_axis_name="s"),
    scratch_types=[
        pltpu.VMEM((RPC, 512), _f32),
        pltpu.VMEM((RPC, 512), _f32),
        pltpu.VMEM((RPC, 512), _f32),
        pltpu.VMEM((RPC, 512), _f32),
        pltpu.VMEM((HW,), _f32),
        pltpu.VMEM((HW,), _f32),
        pltpu.VMEM((16,), _f32),
        pltpu.SemaphoreType.DMA((2,)),
    ],
    compiler_params=pltpu.CompilerParams(
        needs_layout_passes=False, use_tc_tiling_on_sc=True),
)


def _tc_reduce_body(hist_ref, aux_ref, out_ref):
    h = hist_ref[...]
    hs = jnp.sum(h, axis=0)
    cn, cp = hs[0, 0:64], hs[0, 64:128]
    sn, sp = hs[1, 0:64], hs[1, 64:128]

    iota_r = lax.broadcasted_iota(jnp.int32, (128, 128), 0)
    iota_c = lax.broadcasted_iota(jnp.int32, (128, 128), 1)
    br = lax.shift_right_logical(iota_r, 4)
    bc = lax.shift_right_logical(iota_c, 4)
    m_incl = (br <= bc).astype(_f32)
    m_bin = (br == bc).astype(_f32)
    ones_m = jnp.ones((128, 128), _f32)
    s_lo = (iota_r[0:64, 0:64] > iota_c[0:64, 0:64]).astype(_f32)

    def mm(a, b):
        return jnp.dot(a, b, preferred_element_type=_f32,
                       precision=lax.Precision.HIGHEST)

    def fp(a):
        return mm(a, m_incl) + mm(s_lo, mm(a, ones_m))

    tot_n = jnp.sum(cn)
    g = jnp.sum(cp)

    nba = tot_n - fp(cn)
    pa = g - fp(cp) + mm(cp, m_bin)
    t = mm(cn, m_bin)

    maxe = jnp.max(aux_ref[...])

    loss_pos = jnp.sum(sp / (g + nba))
    den = (g + nba) * (g + nba + t)
    loss_neg = jnp.sum(jnp.where(t > 0.0, sn * (g - pa) / den, 0.0))
    loss = (loss_pos + loss_neg) * (1.0 / S16)
    out_ref[0, 0] = jnp.where(g > 0.0, loss, jnp.maximum(maxe, 0.0) * (1.0 / S16))


_tc_reduce = pl.pallas_call(
    _tc_reduce_body,
    out_shape=jax.ShapeDtypeStruct((1, 1), _f32),
    out_specs=pl.BlockSpec(memory_space=pltpu.SMEM),
)


def kernel(logits, labels):
    lg = logits.reshape(NROW, 512)
    lb = labels.reshape(NROW, 512)
    hist, aux = _sc_hist(lg, lb)
    hist4 = hist.reshape(NW, 2, HR, 128)
    out = _tc_reduce(hist4, aux.reshape(4, 128))
    return out[0, 0]

# --- scband reference (transcript-rebuilt; emitter-appended) ---
"""Pipeline reference for scband-binary-lovasz-hinge-loss-18949395709985 (READ-ONLY COPY).

The authoritative reference and input builder live on the scoring server;
editing this copy changes nothing except your own understanding.
"""

import jax, jax.numpy as jnp
import numpy as np


def setup_inputs(seed: int = 0) -> dict:
    key = jax.random.key(seed)
    k1, k2 = jax.random.split(key)
    logits = jax.random.normal(k1, (16, 1, 512, 512), dtype=jnp.float32)
    labels = jax.random.randint(k2, (16, 512, 512), 0, 2).astype(jnp.float32)
    return {"logits": logits, "labels": labels}


def _lovasz_hinge(logits, labels):
    logits = jnp.reshape(logits, (-1,))
    labels = jnp.reshape(labels, (-1,))
    signs = 2.0 * labels - 1.0
    errors = 1.0 - logits * signs
    perm = jnp.argsort(-errors)
    errors_sorted = errors[perm]
    gt_sorted = labels[perm]
    gts = jnp.sum(gt_sorted)
    intersection = gts - jnp.cumsum(gt_sorted, axis=0)
    union = gts + jnp.cumsum(1.0 - gt_sorted, axis=0)
    jaccard = 1.0 - intersection / union
    jaccard = jnp.concatenate([jaccard[:1], jaccard[1:] - jaccard[:-1]], axis=0)
    loss = jnp.dot(jax.nn.relu(errors_sorted), jaccard)
    return loss


def reference(logits, labels):
    # logits: [N, 1, H, W], labels: [N, H, W]
    logits = jnp.squeeze(logits, axis=1)
    return _lovasz_hinge(logits, labels)

if __name__ == "__main__":
    import jax
    _d = setup_inputs()
    print(jax.jit(kernel)(*tuple(_d.values())))

</pallas_src>

<mosaic_0001>
#map = affine_map<(d0, d1) -> (0, 0)>
#map1 = affine_map<(d0, d1) -> (0)>
module attributes {stable_mosaic.version = 14 : i64} {
  func.func @_sc_hist_body(%arg0: i32, %arg1: i32, %arg2: memref<8192x512xf32, #tpu.memory_space<hbm>>, %arg3: memref<8192x512xf32, #tpu.memory_space<hbm>>, %arg4: memref<1048576xf32, #tpu.memory_space<hbm>>, %arg5: memref<512xf32, #tpu.memory_space<hbm>>, %arg6: memref<32x512xf32, #tpu.memory_space<vmem>>, %arg7: memref<32x512xf32, #tpu.memory_space<vmem>>, %arg8: memref<32x512xf32, #tpu.memory_space<vmem>>, %arg9: memref<32x512xf32, #tpu.memory_space<vmem>>, %arg10: memref<16384xf32, #tpu.memory_space<vmem>>, %arg11: memref<16384xf32, #tpu.memory_space<vmem>>, %arg12: memref<16xf32, #tpu.memory_space<vmem>>, %arg13: memref<2x!tpu.dma_semaphore, #tpu.memory_space<semaphore_mem>>) attributes {dimension_semantics = [#tpu.dimension_semantics<core_parallel>, #tpu.dimension_semantics<subcore_parallel>], iteration_bounds = array<i64: 2, 16>, scalar_prefetch = 0 : i64, scratch_operands = 8 : i64, tpu.core_type = #tpu.core_type<sc_vector_subcore>, window_params = [{transform_indices = #map}, {transform_indices = #map}, {transform_indices = #map1}, {transform_indices = #map1}]} {
    %mul3A = arith.constant 2 : i32
    %mul3A_0 = arith.muli %arg1, %mul3A : i32
    %add3A = arith.addi %mul3A_0, %arg0 : i32
    %mul3A_1 = arith.constant 256 : i32
    %mul3A_2 = arith.muli %add3A, %mul3A_1 : i32
    %broadcast_in_dim3A = arith.constant 0.000000e+00 : f32
    %broadcast_in_dim3A_3 = vector.broadcast %broadcast_in_dim3A : f32 to vector<16xf32>
    %broadcast_in_dim3A_4 = arith.constant 1.000000e+00 : f32
    %broadcast_in_dim3A_5 = vector.broadcast %broadcast_in_dim3A_4 : f32 to vector<16xf32>
    %iota3A = tpu.iota {dimensions = array<i32: 0>} : vector<16xi32>
    %add3A_6 = arith.constant 0 : i32
    %add3A_7 = arith.addi %mul3A_2, %add3A_6 : i32
    %dma_start3A = arith.constant 0 : i32
    %dma_start3A_8 = arith.constant 0 : i32
    %dma_start3A_9 = tpu.memref_slice %arg2[%add3A_7, %dma_start3A_8] : memref<8192x512xf32, #tpu.memory_space<hbm>> -> memref<32x512xf32, #tpu.memory_space<hbm>>
    %dma_start3A_10 = tpu.memref_slice %arg13[%dma_start3A] : memref<2x!tpu.dma_semaphore, #tpu.memory_space<semaphore_mem>> -> memref<1x!tpu.dma_semaphore, #tpu.memory_space<semaphore_mem>>
    %dma_start3A_11 = tpu.memref_squeeze %dma_start3A_10 : memref<1x!tpu.dma_semaphore, #tpu.memory_space<semaphore_mem>> -> memref<!tpu.dma_semaphore, #tpu.memory_space<semaphore_mem>>
    %dma_start3A_12 = arith.constant 0 : i32
    %dma_start3A_13 = tpu.memref_slice %arg2[%add3A_7, %dma_start3A_12] : memref<8192x512xf32, #tpu.memory_space<hbm>> -> memref<32x512xf32, #tpu.memory_space<hbm>>
    tpu.enqueue_dma source(%dma_start3A_13 : memref<32x512xf32, #tpu.memory_space<hbm>>) target(%arg6 : memref<32x512xf32, #tpu.memory_space<vmem>>) target_semaphore(%dma_start3A_11 : memref<!tpu.dma_semaphore, #tpu.memory_space<semaphore_mem>>)
    %dma_start3A_14 = arith.constant 0 : i32
    %dma_start3A_15 = arith.constant 0 : i32
    %dma_start3A_16 = tpu.memref_slice %arg3[%add3A_7, %dma_start3A_15] : memref<8192x512xf32, #tpu.memory_space<hbm>> -> memref<32x512xf32, #tpu.memory_space<hbm>>
    %dma_start3A_17 = tpu.memref_slice %arg13[%dma_start3A_14] : memref<2x!tpu.dma_semaphore, #tpu.memory_space<semaphore_mem>> -> memref<1x!tpu.dma_semaphore, #tpu.memory_space<semaphore_mem>>
    %dma_start3A_18 = tpu.memref_squeeze %dma_start3A_17 : memref<1x!tpu.dma_semaphore, #tpu.memory_space<semaphore_mem>> -> memref<!tpu.dma_semaphore, #tpu.memory_space<semaphore_mem>>
    %dma_start3A_19 = arith.constant 0 : i32
    %dma_start3A_20 = tpu.memref_slice %arg3[%add3A_7, %dma_start3A_19] : memref<8192x512xf32, #tpu.memory_space<hbm>> -> memref<32x512xf32, #tpu.memory_space<hbm>>
    tpu.enqueue_dma source(%dma_start3A_20 : memref<32x512xf32, #tpu.memory_space<hbm>>) target(%arg8 : memref<32x512xf32, #tpu.memory_space<vmem>>) target_semaphore(%dma_start3A_18 : memref<!tpu.dma_semaphore, #tpu.memory_space<semaphore_mem>>)
    %add3A_21 = arith.constant 32 : i32
    %add3A_22 = arith.addi %mul3A_2, %add3A_21 : i32
    %dma_start3A_23 = arith.constant 1 : i32
    %dma_start3A_24 = arith.constant 0 : i32
    %dma_start3A_25 = tpu.memref_slice %arg2[%add3A_22, %dma_start3A_24] : memref<8192x512xf32, #tpu.memory_space<hbm>> -> memref<32x512xf32, #tpu.memory_space<hbm>>
    %dma_start3A_26 = tpu.memref_slice %arg13[%dma_start3A_23] : memref<2x!tpu.dma_semaphore, #tpu.memory_space<semaphore_mem>> -> memref<1x!tpu.dma_semaphore, #tpu.memory_space<semaphore_mem>>
    %dma_start3A_27 = tpu.memref_squeeze %dma_start3A_26 : memref<1x!tpu.dma_semaphore, #tpu.memory_space<semaphore_mem>> -> memref<!tpu.dma_semaphore, #tpu.memory_space<semaphore_mem>>
    %dma_start3A_28 = arith.constant 0 : i32
    %dma_start3A_29 = tpu.memref_slice %arg2[%add3A_22, %dma_start3A_28] : memref<8192x512xf32, #tpu.memory_space<hbm>> -> memref<32x512xf32, #tpu.memory_space<hbm>>
    tpu.enqueue_dma source(%dma_start3A_29 : memref<32x512xf32, #tpu.memory_space<hbm>>) target(%arg7 : memref<32x512xf32, #tpu.memory_space<vmem>>) target_semaphore(%dma_start3A_27 : memref<!tpu.dma_semaphore, #tpu.memory_space<semaphore_mem>>)
    %dma_start3A_30 = arith.constant 1 : i32
    %dma_start3A_31 = arith.constant 0 : i32
    %dma_start3A_32 = tpu.memref_slice %arg3[%add3A_22, %dma_start3A_31] : memref<8192x512xf32, #tpu.memory_space<hbm>> -> memref<32x512xf32, #tpu.memory_space<hbm>>
    %dma_start3A_33 = tpu.memref_slice %arg13[%dma_start3A_30] : memref<2x!tpu.dma_semaphore, #tpu.memory_space<semaphore_mem>> -> memref<1x!tpu.dma_semaphore, #tpu.memory_space<semaphore_mem>>
    %dma_start3A_34 = tpu.memref_squeeze %dma_start3A_33 : memref<1x!tpu.dma_semaphore, #tpu.memory_space<semaphore_mem>> -> memref<!tpu.dma_semaphore, #tpu.memory_space<semaphore_mem>>
    %dma_start3A_35 = arith.constant 0 : i32
    %dma_start3A_36 = tpu.memref_slice %arg3[%add3A_22, %dma_start3A_35] : memref<8192x512xf32, #tpu.memory_space<hbm>> -> memref<32x512xf32, #tpu.memory_space<hbm>>
    tpu.enqueue_dma source(%dma_start3A_36 : memref<32x512xf32, #tpu.memory_space<hbm>>) target(%arg9 : memref<32x512xf32, #tpu.memory_space<vmem>>) target_semaphore(%dma_start3A_34 : memref<!tpu.dma_semaphore, #tpu.memory_space<semaphore_mem>>)
    %parallel_loop3A = arith.constant 0 : i32
    %parallel_loop3A_37 = arith.constant 1024 : i32
    %parallel_loop3A_38 = arith.constant 1 : i32
    scf.for %parallel_loop3A_323 = %parallel_loop3A to %parallel_loop3A_37 step %parallel_loop3A_38  : i32 {
      %parallel_loop3A_324 = arith.constant 16 : i32
      %parallel_loop3A_325 = arith.muli %parallel_loop3A_323, %parallel_loop3A_324 : i32
      %parallel_loop3A_326 = arith.index_cast %parallel_loop3A_325 : i32 to index
      %parallel_loop3A_327 = tpu.vector_load %arg10[%parallel_loop3A_326] {strides = array<i32>} : memref<16384xf32, #tpu.memory_space<vmem>>, vector<16xf32>,
      tpu.vector_store %arg10[%parallel_loop3A_326], %broadcast_in_dim3A_3 {strides = array<i32>} : memref<16384xf32, #tpu.memory_space<vmem>>, vector<16xf32>,
      %parallel_loop3A_328 = arith.constant 16 : i32
      %parallel_loop3A_329 = arith.muli %parallel_loop3A_323, %parallel_loop3A_328 : i32
      %parallel_loop3A_330 = arith.index_cast %parallel_loop3A_329 : i32 to index
      %parallel_loop3A_331 = tpu.vector_load %arg11[%parallel_loop3A_330] {strides = array<i32>} : memref<16384xf32, #tpu.memory_space<vmem>>, vector<16xf32>,
      tpu.vector_store %arg11[%parallel_loop3A_330], %broadcast_in_dim3A_3 {strides = array<i32>} : memref<16384xf32, #tpu.memory_space<vmem>>, vector<16xf32>,
    } {sc.loop_unroll_factor = 8 : i64, sc.parallel_access}
    %broadcast_in_dim3A_39 = arith.constant 0.000000e+00 : f32
    %broadcast_in_dim3A_40 = vector.broadcast %broadcast_in_dim3A_39 : f32 to vector<16xf32>
    %dma_wait3A = arith.constant 0 : i32
    %dma_wait3A_41 = arith.constant 0 : i32
    %dma_wait3A_42 = tpu.memref_slice %arg2[%add3A_7, %dma_wait3A_41] : memref<8192x512xf32, #tpu.memory_space<hbm>> -> memref<32x512xf32, #tpu.memory_space<hbm>>
    %dma_wait3A_43 = tpu.memref_slice %arg13[%dma_wait3A] : memref<2x!tpu.dma_semaphore, #tpu.memory_space<semaphore_mem>> -> memref<1x!tpu.dma_semaphore, #tpu.memory_space<semaphore_mem>>
    %dma_wait3A_44 = tpu.memref_squeeze %dma_wait3A_43 : memref<1x!tpu.dma_semaphore, #tpu.memory_space<semaphore_mem>> -> memref<!tpu.dma_semaphore, #tpu.memory_space<semaphore_mem>>
    %dma_wait3A_45 = arith.constant 0 : i32
    %dma_wait3A_46 = tpu.memref_slice %arg2[%add3A_7, %dma_wait3A_45] : memref<8192x512xf32, #tpu.memory_space<hbm>> -> memref<32x512xf32, #tpu.memory_space<hbm>>
    tpu.wait_dma2 semaphore(%dma_wait3A_44 : memref<!tpu.dma_semaphore, #tpu.memory_space<semaphore_mem>>) src(%dma_wait3A_46 : memref<32x512xf32, #tpu.memory_space<hbm>>) dst(%arg6 : memref<32x512xf32, #tpu.memory_space<vmem>>)
    %dma_wait3A_47 = arith.constant 0 : i32
    %dma_wait3A_48 = arith.constant 0 : i32
    %dma_wait3A_49 = tpu.memref_slice %arg3[%add3A_7, %dma_wait3A_48] : memref<8192x512xf32, #tpu.memory_space<hbm>> -> memref<32x512xf32, #tpu.memory_space<hbm>>
    %dma_wait3A_50 = tpu.memref_slice %arg13[%dma_wait3A_47] : memref<2x!tpu.dma_semaphore, #tpu.memory_space<semaphore_mem>> -> memref<1x!tpu.dma_semaphore, #tpu.memory_space<semaphore_mem>>
    %dma_wait3A_51 = tpu.memref_squeeze %dma_wait3A_50 : memref<1x!tpu.dma_semaphore, #tpu.memory_space<semaphore_mem>> -> memref<!tpu.dma_semaphore, #tpu.memory_space<semaphore_mem>>
    %dma_wait3A_52 = arith.constant 0 : i32
    %dma_wait3A_53 = tpu.memref_slice %arg3[%add3A_7, %dma_wait3A_52] : memref<8192x512xf32, #tpu.memory_space<hbm>> -> memref<32x512xf32, #tpu.memory_space<hbm>>
    tpu.wait_dma2 semaphore(%dma_wait3A_51 : memref<!tpu.dma_semaphore, #tpu.memory_space<semaphore_mem>>) src(%dma_wait3A_53 : memref<32x512xf32, #tpu.memory_space<hbm>>) dst(%arg8 : memref<32x512xf32, #tpu.memory_space<vmem>>)
    %parallel_loop3A_54 = arith.constant 0 : i32
    %parallel_loop3A_55 = arith.constant 1024 : i32
    %parallel_loop3A_56 = arith.constant 1 : i32
    %parallel_loop3A_57 = scf.for %parallel_loop3A_323 = %parallel_loop3A_54 to %parallel_loop3A_55 step %parallel_loop3A_56 iter_args(%parallel_loop3A_324 = %broadcast_in_dim3A_40) -> (vector<16xf32>)  : i32 {
      %parallel_loop3A_325 = arith.constant 5 : i32
      %parallel_loop3A_326 = arith.shrui %parallel_loop3A_323, %parallel_loop3A_325 : i32
      %parallel_loop3A_327 = arith.constant 31 : i32
      %parallel_loop3A_328 = arith.andi %parallel_loop3A_323, %parallel_loop3A_327 : i32
      %parallel_loop3A_329 = arith.constant 4 : i32
      %parallel_loop3A_330 = arith.shli %parallel_loop3A_328, %parallel_loop3A_329 : i32
      %parallel_loop3A_331 = arith.index_cast %parallel_loop3A_326 : i32 to index
      %parallel_loop3A_332 = arith.index_cast %parallel_loop3A_330 : i32 to index
      %parallel_loop3A_333 = tpu.vector_load %arg6[%parallel_loop3A_331, %parallel_loop3A_332] {strides = array<i32>} : memref<32x512xf32, #tpu.memory_space<vmem>>, vector<16xf32>,
      %parallel_loop3A_334 = arith.index_cast %parallel_loop3A_326 : i32 to index
      %parallel_loop3A_335 = arith.index_cast %parallel_loop3A_330 : i32 to index
      %parallel_loop3A_336 = tpu.vector_load %arg8[%parallel_loop3A_334, %parallel_loop3A_335] {strides = array<i32>} : memref<32x512xf32, #tpu.memory_space<vmem>>, vector<16xf32>,
      %parallel_loop3A_337 = arith.constant 5.120000e+02 : f32
      %parallel_loop3A_338 = vector.broadcast %parallel_loop3A_337 : f32 to vector<16xf32>
      %parallel_loop3A_339 = arith.mulf %parallel_loop3A_333, %parallel_loop3A_338 : vector<16xf32>
      %parallel_loop3A_340 = arith.addf %parallel_loop3A_336, %parallel_loop3A_336 : vector<16xf32>
      %parallel_loop3A_341 = arith.constant 1.000000e+00 : f32
      %parallel_loop3A_342 = vector.broadcast %parallel_loop3A_341 : f32 to vector<16xf32>
      %parallel_loop3A_343 = arith.subf %parallel_loop3A_340, %parallel_loop3A_342 : vector<16xf32>
      %parallel_loop3A_344 = arith.mulf %parallel_loop3A_339, %parallel_loop3A_343 : vector<16xf32>
      %parallel_loop3A_345 = arith.constant 5.120000e+02 : f32
      %parallel_loop3A_346 = vector.broadcast %parallel_loop3A_345 : f32 to vector<16xf32>
      %parallel_loop3A_347 = arith.subf %parallel_loop3A_346, %parallel_loop3A_344 : vector<16xf32>
      %parallel_loop3A_348 = arith.constant 0.000000e+00 : f32
      %parallel_loop3A_349 = vector.broadcast %parallel_loop3A_348 : f32 to vector<16xf32>
      %parallel_loop3A_350 = arith.maximumf %parallel_loop3A_347, %parallel_loop3A_349 : vector<16xf32>
      %parallel_loop3A_351 = arith.constant 8.191000e+03 : f32
      %parallel_loop3A_352 = vector.broadcast %parallel_loop3A_351 : f32 to vector<16xf32>
      %parallel_loop3A_353 = arith.minimumf %parallel_loop3A_350, %parallel_loop3A_352 : vector<16xf32>
      %parallel_loop3A_354 = arith.constant 4.096000e+03 : f32
      %parallel_loop3A_355 = vector.broadcast %parallel_loop3A_354 : f32 to vector<16xf32>
      %parallel_loop3A_356 = arith.mulf %parallel_loop3A_340, %parallel_loop3A_355 : vector<16xf32>
      %parallel_loop3A_357 = arith.addf %parallel_loop3A_356, %parallel_loop3A_353 : vector<16xf32>
      %parallel_loop3A_358 = arith.constant 0x4B000000 : f32
      %parallel_loop3A_359 = vector.broadcast %parallel_loop3A_358 : f32 to vector<16xf32>
      %parallel_loop3A_360 = arith.addf %parallel_loop3A_357, %parallel_loop3A_359 : vector<16xf32>
      %parallel_loop3A_361 = vector.bitcast %parallel_loop3A_360 : vector<16xf32> to vector<16xi32>
      %parallel_loop3A_362 = arith.constant 16368 : i32
      %parallel_loop3A_363 = vector.broadcast %parallel_loop3A_362 : i32 to vector<16xi32>
      %parallel_loop3A_364 = arith.andi %parallel_loop3A_361, %parallel_loop3A_363 : vector<16xi32>
      %parallel_loop3A_365 = arith.ori %parallel_loop3A_364, %iota3A : vector<16xi32>
      tpu.vector_store_idx %arg10[%parallel_loop3A_365], %broadcast_in_dim3A_5 {add = true} : memref<16384xf32, #tpu.memory_space<vmem>>[vector<16xi32>], vector<16xf32>,
      tpu.vector_store_idx %arg11[%parallel_loop3A_365], %parallel_loop3A_350 {add = true} : memref<16384xf32, #tpu.memory_space<vmem>>[vector<16xi32>], vector<16xf32>,
      %parallel_loop3A_366 = arith.maximumf %parallel_loop3A_324, %parallel_loop3A_350 : vector<16xf32>
      scf.yield %parallel_loop3A_366 : vector<16xf32>
    } {sc.loop_unroll_factor = 8 : i64, sc.parallel_access}
    %add3A_58 = arith.constant 64 : i32
    %add3A_59 = arith.addi %mul3A_2, %add3A_58 : i32
    %dma_start3A_60 = arith.constant 0 : i32
    %dma_start3A_61 = arith.constant 0 : i32
    %dma_start3A_62 = tpu.memref_slice %arg2[%add3A_59, %dma_start3A_61] : memref<8192x512xf32, #tpu.memory_space<hbm>> -> memref<32x512xf32, #tpu.memory_space<hbm>>
    %dma_start3A_63 = tpu.memref_slice %arg13[%dma_start3A_60] : memref<2x!tpu.dma_semaphore, #tpu.memory_space<semaphore_mem>> -> memref<1x!tpu.dma_semaphore, #tpu.memory_space<semaphore_mem>>
    %dma_start3A_64 = tpu.memref_squeeze %dma_start3A_63 : memref<1x!tpu.dma_semaphore, #tpu.memory_space<semaphore_mem>> -> memref<!tpu.dma_semaphore, #tpu.memory_space<semaphore_mem>>
    %dma_start3A_65 = arith.constant 0 : i32
    %dma_start3A_66 = tpu.memref_slice %arg2[%add3A_59, %dma_start3A_65] : memref<8192x512xf32, #tpu.memory_space<hbm>> -> memref<32x512xf32, #tpu.memory_space<hbm>>
    tpu.enqueue_dma source(%dma_start3A_66 : memref<32x512xf32, #tpu.memory_space<hbm>>) target(%arg6 : memref<32x512xf32, #tpu.memory_space<vmem>>) target_semaphore(%dma_start3A_64 : memref<!tpu.dma_semaphore, #tpu.memory_space<semaphore_mem>>)
    %dma_start3A_67 = arith.constant 0 : i32
    %dma_start3A_68 = arith.constant 0 : i32
    %dma_start3A_69 = tpu.memref_slice %arg3[%add3A_59, %dma_start3A_68] : memref<8192x512xf32, #tpu.memory_space<hbm>> -> memref<32x512xf32, #tpu.memory_space<hbm>>
    %dma_start3A_70 = tpu.memref_slice %arg13[%dma_start3A_67] : memref<2x!tpu.dma_semaphore, #tpu.memory_space<semaphore_mem>> -> memref<1x!tpu.dma_semaphore, #tpu.memory_space<semaphore_mem>>
    %dma_start3A_71 = tpu.memref_squeeze %dma_start3A_70 : memref<1x!tpu.dma_semaphore, #tpu.memory_space<semaphore_mem>> -> memref<!tpu.dma_semaphore, #tpu.memory_space<semaphore_mem>>
    %dma_start3A_72 = arith.constant 0 : i32
    %dma_start3A_73 = tpu.memref_slice %arg3[%add3A_59, %dma_start3A_72] : memref<8192x512xf32, #tpu.memory_space<hbm>> -> memref<32x512xf32, #tpu.memory_space<hbm>>
    tpu.enqueue_dma source(%dma_start3A_73 : memref<32x512xf32, #tpu.memory_space<hbm>>) target(%arg8 : memref<32x512xf32, #tpu.memory_space<vmem>>) target_semaphore(%dma_start3A_71 : memref<!tpu.dma_semaphore, #tpu.memory_space<semaphore_mem>>)
    %dma_wait3A_74 = arith.constant 1 : i32
    %dma_wait3A_75 = arith.constant 0 : i32
    %dma_wait3A_76 = tpu.memref_slice %arg2[%add3A_22, %dma_wait3A_75] : memref<8192x512xf32, #tpu.memory_space<hbm>> -> memref<32x512xf32, #tpu.memory_space<hbm>>
    %dma_wait3A_77 = tpu.memref_slice %arg13[%dma_wait3A_74] : memref<2x!tpu.dma_semaphore, #tpu.memory_space<semaphore_mem>> -> memref<1x!tpu.dma_semaphore, #tpu.memory_space<semaphore_mem>>
    %dma_wait3A_78 = tpu.memref_squeeze %dma_wait3A_77 : memref<1x!tpu.dma_semaphore, #tpu.memory_space<semaphore_mem>> -> memref<!tpu.dma_semaphore, #tpu.memory_space<semaphore_mem>>
    %dma_wait3A_79 = arith.constant 0 : i32
    %dma_wait3A_80 = tpu.memref_slice %arg2[%add3A_22, %dma_wait3A_79] : memref<8192x512xf32, #tpu.memory_space<hbm>> -> memref<32x512xf32, #tpu.memory_space<hbm>>
    tpu.wait_dma2 semaphore(%dma_wait3A_78 : memref<!tpu.dma_semaphore, #tpu.memory_space<semaphore_mem>>) src(%dma_wait3A_80 : memref<32x512xf32, #tpu.memory_space<hbm>>) dst(%arg7 : memref<32x512xf32, #tpu.memory_space<vmem>>)
    %dma_wait3A_81 = arith.constant 1 : i32
    %dma_wait3A_82 = arith.constant 0 : i32
    %dma_wait3A_83 = tpu.memref_slice %arg3[%add3A_22, %dma_wait3A_82] : memref<8192x512xf32, #tpu.memory_space<hbm>> -> memref<32x512xf32, #tpu.memory_space<hbm>>
    %dma_wait3A_84 = tpu.memref_slice %arg13[%dma_wait3A_81] : memref<2x!tpu.dma_semaphore, #tpu.memory_space<semaphore_mem>> -> memref<1x!tpu.dma_semaphore, #tpu.memory_space<semaphore_mem>>
    %dma_wait3A_85 = tpu.memref_squeeze %dma_wait3A_84 : memref<1x!tpu.dma_semaphore, #tpu.memory_space<semaphore_mem>> -> memref<!tpu.dma_semaphore, #tpu.memory_space<semaphore_mem>>
    %dma_wait3A_86 = arith.constant 0 : i32
    %dma_wait3A_87 = tpu.memref_slice %arg3[%add3A_22, %dma_wait3A_86] : memref<8192x512xf32, #tpu.memory_space<hbm>> -> memref<32x512xf32, #tpu.memory_space<hbm>>
    tpu.wait_dma2 semaphore(%dma_wait3A_85 : memref<!tpu.dma_semaphore, #tpu.memory_space<semaphore_mem>>) src(%dma_wait3A_87 : memref<32x512xf32, #tpu.memory_space<hbm>>) dst(%arg9 : memref<32x512xf32, #tpu.memory_space<vmem>>)
    %parallel_loop3A_88 = arith.constant 0 : i32
    %parallel_loop3A_89 = arith.constant 1024 : i32
    %parallel_loop3A_90 = arith.constant 1 : i32
    %parallel_loop3A_91 = scf.for %parallel_loop3A_323 = %parallel_loop3A_88 to %parallel_loop3A_89 step %parallel_loop3A_90 iter_args(%parallel_loop3A_324 = %parallel_loop3A_57) -> (vector<16xf32>)  : i32 {
      %parallel_loop3A_325 = arith.constant 5 : i32
      %parallel_loop3A_326 = arith.shrui %parallel_loop3A_323, %parallel_loop3A_325 : i32
      %parallel_loop3A_327 = arith.constant 31 : i32
      %parallel_loop3A_328 = arith.andi %parallel_loop3A_323, %parallel_loop3A_327 : i32
      %parallel_loop3A_329 = arith.constant 4 : i32
      %parallel_loop3A_330 = arith.shli %parallel_loop3A_328, %parallel_loop3A_329 : i32
      %parallel_loop3A_331 = arith.index_cast %parallel_loop3A_326 : i32 to index
      %parallel_loop3A_332 = arith.index_cast %parallel_loop3A_330 : i32 to index
      %parallel_loop3A_333 = tpu.vector_load %arg7[%parallel_loop3A_331, %parallel_loop3A_332] {strides = array<i32>} : memref<32x512xf32, #tpu.memory_space<vmem>>, vector<16xf32>,
      %parallel_loop3A_334 = arith.index_cast %parallel_loop3A_326 : i32 to index
      %parallel_loop3A_335 = arith.index_cast %parallel_loop3A_330 : i32 to index
      %parallel_loop3A_336 = tpu.vector_load %arg9[%parallel_loop3A_334, %parallel_loop3A_335] {strides = array<i32>} : memref<32x512xf32, #tpu.memory_space<vmem>>, vector<16xf32>,
      %parallel_loop3A_337 = arith.constant 5.120000e+02 : f32
      %parallel_loop3A_338 = vector.broadcast %parallel_loop3A_337 : f32 to vector<16xf32>
      %parallel_loop3A_339 = arith.mulf %parallel_loop3A_333, %parallel_loop3A_338 : vector<16xf32>
      %parallel_loop3A_340 = arith.addf %parallel_loop3A_336, %parallel_loop3A_336 : vector<16xf32>
      %parallel_loop3A_341 = arith.constant 1.000000e+00 : f32
      %parallel_loop3A_342 = vector.broadcast %parallel_loop3A_341 : f32 to vector<16xf32>
      %parallel_loop3A_343 = arith.subf %parallel_loop3A_340, %parallel_loop3A_342 : vector<16xf32>
      %parallel_loop3A_344 = arith.mulf %parallel_loop3A_339, %parallel_loop3A_343 : vector<16xf32>
      %parallel_loop3A_345 = arith.constant 5.120000e+02 : f32
      %parallel_loop3A_346 = vector.broadcast %parallel_loop3A_345 : f32 to vector<16xf32>
      %parallel_loop3A_347 = arith.subf %parallel_loop3A_346, %parallel_loop3A_344 : vector<16xf32>
      %parallel_loop3A_348 = arith.constant 0.000000e+00 : f32
      %parallel_loop3A_349 = vector.broadcast %parallel_loop3A_348 : f32 to vector<16xf32>
      %parallel_loop3A_350 = arith.maximumf %parallel_loop3A_347, %parallel_loop3A_349 : vector<16xf32>
      %parallel_loop3A_351 = arith.constant 8.191000e+03 : f32
      %parallel_loop3A_352 = vector.broadcast %parallel_loop3A_351 : f32 to vector<16xf32>
      %parallel_loop3A_353 = arith.minimumf %parallel_loop3A_350, %parallel_loop3A_352 : vector<16xf32>
      %parallel_loop3A_354 = arith.constant 4.096000e+03 : f32
      %parallel_loop3A_355 = vector.broadcast %parallel_loop3A_354 : f32 to vector<16xf32>
      %parallel_loop3A_356 = arith.mulf %parallel_loop3A_340, %parallel_loop3A_355 : vector<16xf32>
      %parallel_loop3A_357 = arith.addf %parallel_loop3A_356, %parallel_loop3A_353 : vector<16xf32>
      %parallel_loop3A_358 = arith.constant 0x4B000000 : f32
      %parallel_loop3A_359 = vector.broadcast %parallel_loop3A_358 : f32 to vector<16xf32>
      %parallel_loop3A_360 = arith.addf %parallel_loop3A_357, %parallel_loop3A_359 : vector<16xf32>
      %parallel_loop3A_361 = vector.bitcast %parallel_loop3A_360 : vector<16xf32> to vector<16xi32>
      %parallel_loop3A_362 = arith.constant 16368 : i32
      %parallel_loop3A_363 = vector.broadcast %parallel_loop3A_362 : i32 to vector<16xi32>
      %parallel_loop3A_364 = arith.andi %parallel_loop3A_361, %parallel_loop3A_363 : vector<16xi32>
      %parallel_loop3A_365 = arith.ori %parallel_loop3A_364, %iota3A : vector<16xi32>
      tpu.vector_store_idx %arg10[%parallel_loop3A_365], %broadcast_in_dim3A_5 {add = true} : memref<16384xf32, #tpu.memory_space<vmem>>[vector<16xi32>], vector<16xf32>,
      tpu.vector_store_idx %arg11[%parallel_loop3A_365], %parallel_loop3A_350 {add = true} : memref<16384xf32, #tpu.memory_space<vmem>>[vector<16xi32>], vector<16xf32>,
      %parallel_loop3A_366 = arith.maximumf %parallel_loop3A_324, %parallel_loop3A_350 : vector<16xf32>
      scf.yield %parallel_loop3A_366 : vector<16xf32>
    } {sc.loop_unroll_factor = 8 : i64, sc.parallel_access}
    %add3A_92 = arith.constant 96 : i32
    %add3A_93 = arith.addi %mul3A_2, %add3A_92 : i32
    %dma_start3A_94 = arith.constant 1 : i32
    %dma_start3A_95 = arith.constant 0 : i32
    %dma_start3A_96 = tpu.memref_slice %arg2[%add3A_93, %dma_start3A_95] : memref<8192x512xf32, #tpu.memory_space<hbm>> -> memref<32x512xf32, #tpu.memory_space<hbm>>
    %dma_start3A_97 = tpu.memref_slice %arg13[%dma_start3A_94] : memref<2x!tpu.dma_semaphore, #tpu.memory_space<semaphore_mem>> -> memref<1x!tpu.dma_semaphore, #tpu.memory_space<semaphore_mem>>
    %dma_start3A_98 = tpu.memref_squeeze %dma_start3A_97 : memref<1x!tpu.dma_semaphore, #tpu.memory_space<semaphore_mem>> -> memref<!tpu.dma_semaphore, #tpu.memory_space<semaphore_mem>>
    %dma_start3A_99 = arith.constant 0 : i32
    %dma_start3A_100 = tpu.memref_slice %arg2[%add3A_93, %dma_start3A_99] : memref<8192x512xf32, #tpu.memory_space<hbm>> -> memref<32x512xf32, #tpu.memory_space<hbm>>
    tpu.enqueue_dma source(%dma_start3A_100 : memref<32x512xf32, #tpu.memory_space<hbm>>) target(%arg7 : memref<32x512xf32, #tpu.memory_space<vmem>>) target_semaphore(%dma_start3A_98 : memref<!tpu.dma_semaphore, #tpu.memory_space<semaphore_mem>>)
    %dma_start3A_101 = arith.constant 1 : i32
    %dma_start3A_102 = arith.constant 0 : i32
    %dma_start3A_103 = tpu.memref_slice %arg3[%add3A_93, %dma_start3A_102] : memref<8192x512xf32, #tpu.memory_space<hbm>> -> memref<32x512xf32, #tpu.memory_space<hbm>>
    %dma_start3A_104 = tpu.memref_slice %arg13[%dma_start3A_101] : memref<2x!tpu.dma_semaphore, #tpu.memory_space<semaphore_mem>> -> memref<1x!tpu.dma_semaphore, #tpu.memory_space<semaphore_mem>>
    %dma_start3A_105 = tpu.memref_squeeze %dma_start3A_104 : memref<1x!tpu.dma_semaphore, #tpu.memory_space<semaphore_mem>> -> memref<!tpu.dma_semaphore, #tpu.memory_space<semaphore_mem>>
    %dma_start3A_106 = arith.constant 0 : i32
    %dma_start3A_107 = tpu.memref_slice %arg3[%add3A_93, %dma_start3A_106] : memref<8192x512xf32, #tpu.memory_space<hbm>> -> memref<32x512xf32, #tpu.memory_space<hbm>>
    tpu.enqueue_dma source(%dma_start3A_107 : memref<32x512xf32, #tpu.memory_space<hbm>>) target(%arg9 : memref<32x512xf32, #tpu.memory_space<vmem>>) target_semaphore(%dma_start3A_105 : memref<!tpu.dma_semaphore, #tpu.memory_space<semaphore_mem>>)
    %dma_wait3A_108 = arith.constant 0 : i32
    %dma_wait3A_109 = arith.constant 0 : i32
    %dma_wait3A_110 = tpu.memref_slice %arg2[%add3A_59, %dma_wait3A_109] : memref<8192x512xf32, #tpu.memory_space<hbm>> -> memref<32x512xf32, #tpu.memory_space<hbm>>
    %dma_wait3A_111 = tpu.memref_slice %arg13[%dma_wait3A_108] : memref<2x!tpu.dma_semaphore, #tpu.memory_space<semaphore_mem>> -> memref<1x!tpu.dma_semaphore, #tpu.memory_space<semaphore_mem>>
    %dma_wait3A_112 = tpu.memref_squeeze %dma_wait3A_111 : memref<1x!tpu.dma_semaphore, #tpu.memory_space<semaphore_mem>> -> memref<!tpu.dma_semaphore, #tpu.memory_space<semaphore_mem>>
    %dma_wait3A_113 = arith.constant 0 : i32
    %dma_wait3A_114 = tpu.memref_slice %arg2[%add3A_59, %dma_wait3A_113] : memref<8192x512xf32, #tpu.memory_space<hbm>> -> memref<32x512xf32, #tpu.memory_space<hbm>>
    tpu.wait_dma2 semaphore(%dma_wait3A_112 : memref<!tpu.dma_semaphore, #tpu.memory_space<semaphore_mem>>) src(%dma_wait3A_114 : memref<32x512xf32, #tpu.memory_space<hbm>>) dst(%arg6 : memref<32x512xf32, #tpu.memory_space<vmem>>)
    %dma_wait3A_115 = arith.constant 0 : i32
    %dma_wait3A_116 = arith.constant 0 : i32
    %dma_wait3A_117 = tpu.memref_slice %arg3[%add3A_59, %dma_wait3A_116] : memref<8192x512xf32, #tpu.memory_space<hbm>> -> memref<32x512xf32, #tpu.memory_space<hbm>>
    %dma_wait3A_118 = tpu.memref_slice %arg13[%dma_wait3A_115] : memref<2x!tpu.dma_semaphore, #tpu.memory_space<semaphore_mem>> -> memref<1x!tpu.dma_semaphore, #tpu.memory_space<semaphore_mem>>
    %dma_wait3A_119 = tpu.memref_squeeze %dma_wait3A_118 : memref<1x!tpu.dma_semaphore, #tpu.memory_space<semaphore_mem>> -> memref<!tpu.dma_semaphore, #tpu.memory_space<semaphore_mem>>
    %dma_wait3A_120 = arith.constant 0 : i32
    %dma_wait3A_121 = tpu.memref_slice %arg3[%add3A_59, %dma_wait3A_120] : memref<8192x512xf32, #tpu.memory_space<hbm>> -> memref<32x512xf32, #tpu.memory_space<hbm>>
    tpu.wait_dma2 semaphore(%dma_wait3A_119 : memref<!tpu.dma_semaphore, #tpu.memory_space<semaphore_mem>>) src(%dma_wait3A_121 : memref<32x512xf32, #tpu.memory_space<hbm>>) dst(%arg8 : memref<32x512xf32, #tpu.memory_space<vmem>>)
    %parallel_loop3A_122 = arith.constant 0 : i32
    %parallel_loop3A_123 = arith.constant 1024 : i32
    %parallel_loop3A_124 = arith.constant 1 : i32
    %parallel_loop3A_125 = scf.for %parallel_loop3A_323 = %parallel_loop3A_122 to %parallel_loop3A_123 step %parallel_loop3A_124 iter_args(%parallel_loop3A_324 = %parallel_loop3A_91) -> (vector<16xf32>)  : i32 {
      %parallel_loop3A_325 = arith.constant 5 : i32
      %parallel_loop3A_326 = arith.shrui %parallel_loop3A_323, %parallel_loop3A_325 : i32
      %parallel_loop3A_327 = arith.constant 31 : i32
      %parallel_loop3A_328 = arith.andi %parallel_loop3A_323, %parallel_loop3A_327 : i32
      %parallel_loop3A_329 = arith.constant 4 : i32
      %parallel_loop3A_330 = arith.shli %parallel_loop3A_328, %parallel_loop3A_329 : i32
      %parallel_loop3A_331 = arith.index_cast %parallel_loop3A_326 : i32 to index
      %parallel_loop3A_332 = arith.index_cast %parallel_loop3A_330 : i32 to index
      %parallel_loop3A_333 = tpu.vector_load %arg6[%parallel_loop3A_331, %parallel_loop3A_332] {strides = array<i32>} : memref<32x512xf32, #tpu.memory_space<vmem>>, vector<16xf32>,
      %parallel_loop3A_334 = arith.index_cast %parallel_loop3A_326 : i32 to index
      %parallel_loop3A_335 = arith.index_cast %parallel_loop3A_330 : i32 to index
      %parallel_loop3A_336 = tpu.vector_load %arg8[%parallel_loop3A_334, %parallel_loop3A_335] {strides = array<i32>} : memref<32x512xf32, #tpu.memory_space<vmem>>, vector<16xf32>,
      %parallel_loop3A_337 = arith.constant 5.120000e+02 : f32
      %parallel_loop3A_338 = vector.broadcast %parallel_loop3A_337 : f32 to vector<16xf32>
      %parallel_loop3A_339 = arith.mulf %parallel_loop3A_333, %parallel_loop3A_338 : vector<16xf32>
      %parallel_loop3A_340 = arith.addf %parallel_loop3A_336, %parallel_loop3A_336 : vector<16xf32>
      %parallel_loop3A_341 = arith.constant 1.000000e+00 : f32
      %parallel_loop3A_342 = vector.broadcast %parallel_loop3A_341 : f32 to vector<16xf32>
      %parallel_loop3A_343 = arith.subf %parallel_loop3A_340, %parallel_loop3A_342 : vector<16xf32>
      %parallel_loop3A_344 = arith.mulf %parallel_loop3A_339, %parallel_loop3A_343 : vector<16xf32>
      %parallel_loop3A_345 = arith.constant 5.120000e+02 : f32
      %parallel_loop3A_346 = vector.broadcast %parallel_loop3A_345 : f32 to vector<16xf32>
      %parallel_loop3A_347 = arith.subf %parallel_loop3A_346, %parallel_loop3A_344 : vector<16xf32>
      %parallel_loop3A_348 = arith.constant 0.000000e+00 : f32
      %parallel_loop3A_349 = vector.broadcast %parallel_loop3A_348 : f32 to vector<16xf32>
      %parallel_loop3A_350 = arith.maximumf %parallel_loop3A_347, %parallel_loop3A_349 : vector<16xf32>
      %parallel_loop3A_351 = arith.constant 8.191000e+03 : f32
      %parallel_loop3A_352 = vector.broadcast %parallel_loop3A_351 : f32 to vector<16xf32>
      %parallel_loop3A_353 = arith.minimumf %parallel_loop3A_350, %parallel_loop3A_352 : vector<16xf32>
      %parallel_loop3A_354 = arith.constant 4.096000e+03 : f32
      %parallel_loop3A_355 = vector.broadcast %parallel_loop3A_354 : f32 to vector<16xf32>
      %parallel_loop3A_356 = arith.mulf %parallel_loop3A_340, %parallel_loop3A_355 : vector<16xf32>
      %parallel_loop3A_357 = arith.addf %parallel_loop3A_356, %parallel_loop3A_353 : vector<16xf32>
      %parallel_loop3A_358 = arith.constant 0x4B000000 : f32
      %parallel_loop3A_359 = vector.broadcast %parallel_loop3A_358 : f32 to vector<16xf32>
      %parallel_loop3A_360 = arith.addf %parallel_loop3A_357, %parallel_loop3A_359 : vector<16xf32>
      %parallel_loop3A_361 = vector.bitcast %parallel_loop3A_360 : vector<16xf32> to vector<16xi32>
      %parallel_loop3A_362 = arith.constant 16368 : i32
      %parallel_loop3A_363 = vector.broadcast %parallel_loop3A_362 : i32 to vector<16xi32>
      %parallel_loop3A_364 = arith.andi %parallel_loop3A_361, %parallel_loop3A_363 : vector<16xi32>
      %parallel_loop3A_365 = arith.ori %parallel_loop3A_364, %iota3A : vector<16xi32>
      tpu.vector_store_idx %arg10[%parallel_loop3A_365], %broadcast_in_dim3A_5 {add = true} : memref<16384xf32, #tpu.memory_space<vmem>>[vector<16xi32>], vector<16xf32>,
      tpu.vector_store_idx %arg11[%parallel_loop3A_365], %parallel_loop3A_350 {add = true} : memref<16384xf32, #tpu.memory_space<vmem>>[vector<16xi32>], vector<16xf32>,
      %parallel_loop3A_366 = arith.maximumf %parallel_loop3A_324, %parallel_loop3A_350 : vector<16xf32>
      scf.yield %parallel_loop3A_366 : vector<16xf32>
    } {sc.loop_unroll_factor = 8 : i64, sc.parallel_access}
    %add3A_126 = arith.constant 128 : i32
    %add3A_127 = arith.addi %mul3A_2, %add3A_126 : i32
    %dma_start3A_128 = arith.constant 0 : i32
    %dma_start3A_129 = arith.constant 0 : i32
    %dma_start3A_130 = tpu.memref_slice %arg2[%add3A_127, %dma_start3A_129] : memref<8192x512xf32, #tpu.memory_space<hbm>> -> memref<32x512xf32, #tpu.memory_space<hbm>>
    %dma_start3A_131 = tpu.memref_slice %arg13[%dma_start3A_128] : memref<2x!tpu.dma_semaphore, #tpu.memory_space<semaphore_mem>> -> memref<1x!tpu.dma_semaphore, #tpu.memory_space<semaphore_mem>>
    %dma_start3A_132 = tpu.memref_squeeze %dma_start3A_131 : memref<1x!tpu.dma_semaphore, #tpu.memory_space<semaphore_mem>> -> memref<!tpu.dma_semaphore, #tpu.memory_space<semaphore_mem>>
    %dma_start3A_133 = arith.constant 0 : i32
    %dma_start3A_134 = tpu.memref_slice %arg2[%add3A_127, %dma_start3A_133] : memref<8192x512xf32, #tpu.memory_space<hbm>> -> memref<32x512xf32, #tpu.memory_space<hbm>>
    tpu.enqueue_dma source(%dma_start3A_134 : memref<32x512xf32, #tpu.memory_space<hbm>>) target(%arg6 : memref<32x512xf32, #tpu.memory_space<vmem>>) target_semaphore(%dma_start3A_132 : memref<!tpu.dma_semaphore, #tpu.memory_space<semaphore_mem>>)
    %dma_start3A_135 = arith.constant 0 : i32
    %dma_start3A_136 = arith.constant 0 : i32
    %dma_start3A_137 = tpu.memref_slice %arg3[%add3A_127, %dma_start3A_136] : memref<8192x512xf32, #tpu.memory_space<hbm>> -> memref<32x512xf32, #tpu.memory_space<hbm>>
    %dma_start3A_138 = tpu.memref_slice %arg13[%dma_start3A_135] : memref<2x!tpu.dma_semaphore, #tpu.memory_space<semaphore_mem>> -> memref<1x!tpu.dma_semaphore, #tpu.memory_space<semaphore_mem>>
    %dma_start3A_139 = tpu.memref_squeeze %dma_start3A_138 : memref<1x!tpu.dma_semaphore, #tpu.memory_space<semaphore_mem>> -> memref<!tpu.dma_semaphore, #tpu.memory_space<semaphore_mem>>
    %dma_start3A_140 = arith.constant 0 : i32
    %dma_start3A_141 = tpu.memref_slice %arg3[%add3A_127, %dma_start3A_140] : memref<8192x512xf32, #tpu.memory_space<hbm>> -> memref<32x512xf32, #tpu.memory_space<hbm>>
    tpu.enqueue_dma source(%dma_start3A_141 : memref<32x512xf32, #tpu.memory_space<hbm>>) target(%arg8 : memref<32x512xf32, #tpu.memory_space<vmem>>) target_semaphore(%dma_start3A_139 : memref<!tpu.dma_semaphore, #tpu.memory_space<semaphore_mem>>)
    %dma_wait3A_142 = arith.constant 1 : i32
    %dma_wait3A_143 = arith.constant 0 : i32
    %dma_wait3A_144 = tpu.memref_slice %arg2[%add3A_93, %dma_wait3A_143] : memref<8192x512xf32, #tpu.memory_space<hbm>> -> memref<32x512xf32, #tpu.memory_space<hbm>>
    %dma_wait3A_145 = tpu.memref_slice %arg13[%dma_wait3A_142] : memref<2x!tpu.dma_semaphore, #tpu.memory_space<semaphore_mem>> -> memref<1x!tpu.dma_semaphore, #tpu.memory_space<semaphore_mem>>
    %dma_wait3A_146 = tpu.memref_squeeze %dma_wait3A_145 : memref<1x!tpu.dma_semaphore, #tpu.memory_space<semaphore_mem>> -> memref<!tpu.dma_semaphore, #tpu.memory_space<semaphore_mem>>
    %dma_wait3A_147 = arith.constant 0 : i32
    %dma_wait3A_148 = tpu.memref_slice %arg2[%add3A_93, %dma_wait3A_147] : memref<8192x512xf32, #tpu.memory_space<hbm>> -> memref<32x512xf32, #tpu.memory_space<hbm>>
    tpu.wait_dma2 semaphore(%dma_wait3A_146 : memref<!tpu.dma_semaphore, #tpu.memory_space<semaphore_mem>>) src(%dma_wait3A_148 : memref<32x512xf32, #tpu.memory_space<hbm>>) dst(%arg7 : memref<32x512xf32, #tpu.memory_space<vmem>>)
    %dma_wait3A_149 = arith.constant 1 : i32
    %dma_wait3A_150 = arith.constant 0 : i32
    %dma_wait3A_151 = tpu.memref_slice %arg3[%add3A_93, %dma_wait3A_150] : memref<8192x512xf32, #tpu.memory_space<hbm>> -> memref<32x512xf32, #tpu.memory_space<hbm>>
    %dma_wait3A_152 = tpu.memref_slice %arg13[%dma_wait3A_149] : memref<2x!tpu.dma_semaphore, #tpu.memory_space<semaphore_mem>> -> memref<1x!tpu.dma_semaphore, #tpu.memory_space<semaphore_mem>>
    %dma_wait3A_153 = tpu.memref_squeeze %dma_wait3A_152 : memref<1x!tpu.dma_semaphore, #tpu.memory_space<semaphore_mem>> -> memref<!tpu.dma_semaphore, #tpu.memory_space<semaphore_mem>>
    %dma_wait3A_154 = arith.constant 0 : i32
    %dma_wait3A_155 = tpu.memref_slice %arg3[%add3A_93, %dma_wait3A_154] : memref<8192x512xf32, #tpu.memory_space<hbm>> -> memref<32x512xf32, #tpu.memory_space<hbm>>
    tpu.wait_dma2 semaphore(%dma_wait3A_153 : memref<!tpu.dma_semaphore, #tpu.memory_space<semaphore_mem>>) src(%dma_wait3A_155 : memref<32x512xf32, #tpu.memory_space<hbm>>) dst(%arg9 : memref<32x512xf32, #tpu.memory_space<vmem>>)
    %parallel_loop3A_156 = arith.constant 0 : i32
    %parallel_loop3A_157 = arith.constant 1024 : i32
    %parallel_loop3A_158 = arith.constant 1 : i32
    %parallel_loop3A_159 = scf.for %parallel_loop3A_323 = %parallel_loop3A_156 to %parallel_loop3A_157 step %parallel_loop3A_158 iter_args(%parallel_loop3A_324 = %parallel_loop3A_125) -> (vector<16xf32>)  : i32 {
      %parallel_loop3A_325 = arith.constant 5 : i32
      %parallel_loop3A_326 = arith.shrui %parallel_loop3A_323, %parallel_loop3A_325 : i32
      %parallel_loop3A_327 = arith.constant 31 : i32
      %parallel_loop3A_328 = arith.andi %parallel_loop3A_323, %parallel_loop3A_327 : i32
      %parallel_loop3A_329 = arith.constant 4 : i32
      %parallel_loop3A_330 = arith.shli %parallel_loop3A_328, %parallel_loop3A_329 : i32
      %parallel_loop3A_331 = arith.index_cast %parallel_loop3A_326 : i32 to index
      %parallel_loop3A_332 = arith.index_cast %parallel_loop3A_330 : i32 to index
      %parallel_loop3A_333 = tpu.vector_load %arg7[%parallel_loop3A_331, %parallel_loop3A_332] {strides = array<i32>} : memref<32x512xf32, #tpu.memory_space<vmem>>, vector<16xf32>,
      %parallel_loop3A_334 = arith.index_cast %parallel_loop3A_326 : i32 to index
      %parallel_loop3A_335 = arith.index_cast %parallel_loop3A_330 : i32 to index
      %parallel_loop3A_336 = tpu.vector_load %arg9[%parallel_loop3A_334, %parallel_loop3A_335] {strides = array<i32>} : memref<32x512xf32, #tpu.memory_space<vmem>>, vector<16xf32>,
      %parallel_loop3A_337 = arith.constant 5.120000e+02 : f32
      %parallel_loop3A_338 = vector.broadcast %parallel_loop3A_337 : f32 to vector<16xf32>
      %parallel_loop3A_339 = arith.mulf %parallel_loop3A_333, %parallel_loop3A_338 : vector<16xf32>
      %parallel_loop3A_340 = arith.addf %parallel_loop3A_336, %parallel_loop3A_336 : vector<16xf32>
      %parallel_loop3A_341 = arith.constant 1.000000e+00 : f32
      %parallel_loop3A_342 = vector.broadcast %parallel_loop3A_341 : f32 to vector<16xf32>
      %parallel_loop3A_343 = arith.subf %parallel_loop3A_340, %parallel_loop3A_342 : vector<16xf32>
      %parallel_loop3A_344 = arith.mulf %parallel_loop3A_339, %parallel_loop3A_343 : vector<16xf32>
      %parallel_loop3A_345 = arith.constant 5.120000e+02 : f32
      %parallel_loop3A_346 = vector.broadcast %parallel_loop3A_345 : f32 to vector<16xf32>
      %parallel_loop3A_347 = arith.subf %parallel_loop3A_346, %parallel_loop3A_344 : vector<16xf32>
      %parallel_loop3A_348 = arith.constant 0.000000e+00 : f32
      %parallel_loop3A_349 = vector.broadcast %parallel_loop3A_348 : f32 to vector<16xf32>
      %parallel_loop3A_350 = arith.maximumf %parallel_loop3A_347, %parallel_loop3A_349 : vector<16xf32>
      %parallel_loop3A_351 = arith.constant 8.191000e+03 : f32
      %parallel_loop3A_352 = vector.broadcast %parallel_loop3A_351 : f32 to vector<16xf32>
      %parallel_loop3A_353 = arith.minimumf %parallel_loop3A_350, %parallel_loop3A_352 : vector<16xf32>
      %parallel_loop3A_354 = arith.constant 4.096000e+03 : f32
      %parallel_loop3A_355 = vector.broadcast %parallel_loop3A_354 : f32 to vector<16xf32>
      %parallel_loop3A_356 = arith.mulf %parallel_loop3A_340, %parallel_loop3A_355 : vector<16xf32>
      %parallel_loop3A_357 = arith.addf %parallel_loop3A_356, %parallel_loop3A_353 : vector<16xf32>
      %parallel_loop3A_358 = arith.constant 0x4B000000 : f32
      %parallel_loop3A_359 = vector.broadcast %parallel_loop3A_358 : f32 to vector<16xf32>
      %parallel_loop3A_360 = arith.addf %parallel_loop3A_357, %parallel_loop3A_359 : vector<16xf32>
      %parallel_loop3A_361 = vector.bitcast %parallel_loop3A_360 : vector<16xf32> to vector<16xi32>
      %parallel_loop3A_362 = arith.constant 16368 : i32
      %parallel_loop3A_363 = vector.broadcast %parallel_loop3A_362 : i32 to vector<16xi32>
      %parallel_loop3A_364 = arith.andi %parallel_loop3A_361, %parallel_loop3A_363 : vector<16xi32>
      %parallel_loop3A_365 = arith.ori %parallel_loop3A_364, %iota3A : vector<16xi32>
      tpu.vector_store_idx %arg10[%parallel_loop3A_365], %broadcast_in_dim3A_5 {add = true} : memref<16384xf32, #tpu.memory_space<vmem>>[vector<16xi32>], vector<16xf32>,
      tpu.vector_store_idx %arg11[%parallel_loop3A_365], %parallel_loop3A_350 {add = true} : memref<16384xf32, #tpu.memory_space<vmem>>[vector<16xi32>], vector<16xf32>,
      %parallel_loop3A_366 = arith.maximumf %parallel_loop3A_324, %parallel_loop3A_350 : vector<16xf32>
      scf.yield %parallel_loop3A_366 : vector<16xf32>
    } {sc.loop_unroll_factor = 8 : i64, sc.parallel_access}
    %add3A_160 = arith.constant 160 : i32
    %add3A_161 = arith.addi %mul3A_2, %add3A_160 : i32
    %dma_start3A_162 = arith.constant 1 : i32
    %dma_start3A_163 = arith.constant 0 : i32
    %dma_start3A_164 = tpu.memref_slice %arg2[%add3A_161, %dma_start3A_163] : memref<8192x512xf32, #tpu.memory_space<hbm>> -> memref<32x512xf32, #tpu.memory_space<hbm>>
    %dma_start3A_165 = tpu.memref_slice %arg13[%dma_start3A_162] : memref<2x!tpu.dma_semaphore, #tpu.memory_space<semaphore_mem>> -> memref<1x!tpu.dma_semaphore, #tpu.memory_space<semaphore_mem>>
    %dma_start3A_166 = tpu.memref_squeeze %dma_start3A_165 : memref<1x!tpu.dma_semaphore, #tpu.memory_space<semaphore_mem>> -> memref<!tpu.dma_semaphore, #tpu.memory_space<semaphore_mem>>
    %dma_start3A_167 = arith.constant 0 : i32
    %dma_start3A_168 = tpu.memref_slice %arg2[%add3A_161, %dma_start3A_167] : memref<8192x512xf32, #tpu.memory_space<hbm>> -> memref<32x512xf32, #tpu.memory_space<hbm>>
    tpu.enqueue_dma source(%dma_start3A_168 : memref<32x512xf32, #tpu.memory_space<hbm>>) target(%arg7 : memref<32x512xf32, #tpu.memory_space<vmem>>) target_semaphore(%dma_start3A_166 : memref<!tpu.dma_semaphore, #tpu.memory_space<semaphore_mem>>)
    %dma_start3A_169 = arith.constant 1 : i32
    %dma_start3A_170 = arith.constant 0 : i32
    %dma_start3A_171 = tpu.memref_slice %arg3[%add3A_161, %dma_start3A_170] : memref<8192x512xf32, #tpu.memory_space<hbm>> -> memref<32x512xf32, #tpu.memory_space<hbm>>
    %dma_start3A_172 = tpu.memref_slice %arg13[%dma_start3A_169] : memref<2x!tpu.dma_semaphore, #tpu.memory_space<semaphore_mem>> -> memref<1x!tpu.dma_semaphore, #tpu.memory_space<semaphore_mem>>
    %dma_start3A_173 = tpu.memref_squeeze %dma_start3A_172 : memref<1x!tpu.dma_semaphore, #tpu.memory_space<semaphore_mem>> -> memref<!tpu.dma_semaphore, #tpu.memory_space<semaphore_mem>>
    %dma_start3A_174 = arith.constant 0 : i32
    %dma_start3A_175 = tpu.memref_slice %arg3[%add3A_161, %dma_start3A_174] : memref<8192x512xf32, #tpu.memory_space<hbm>> -> memref<32x512xf32, #tpu.memory_space<hbm>>
    tpu.enqueue_dma source(%dma_start3A_175 : memref<32x512xf32, #tpu.memory_space<hbm>>) target(%arg9 : memref<32x512xf32, #tpu.memory_space<vmem>>) target_semaphore(%dma_start3A_173 : memref<!tpu.dma_semaphore, #tpu.memory_space<semaphore_mem>>)
    %dma_wait3A_176 = arith.constant 0 : i32
    %dma_wait3A_177 = arith.constant 0 : i32
    %dma_wait3A_178 = tpu.memref_slice %arg2[%add3A_127, %dma_wait3A_177] : memref<8192x512xf32, #tpu.memory_space<hbm>> -> memref<32x512xf32, #tpu.memory_space<hbm>>
    %dma_wait3A_179 = tpu.memref_slice %arg13[%dma_wait3A_176] : memref<2x!tpu.dma_semaphore, #tpu.memory_space<semaphore_mem>> -> memref<1x!tpu.dma_semaphore, #tpu.memory_space<semaphore_mem>>
    %dma_wait3A_180 = tpu.memref_squeeze %dma_wait3A_179 : memref<1x!tpu.dma_semaphore, #tpu.memory_space<semaphore_mem>> -> memref<!tpu.dma_semaphore, #tpu.memory_space<semaphore_mem>>
    %dma_wait3A_181 = arith.constant 0 : i32
    %dma_wait3A_182 = tpu.memref_slice %arg2[%add3A_127, %dma_wait3A_181] : memref<8192x512xf32, #tpu.memory_space<hbm>> -> memref<32x512xf32, #tpu.memory_space<hbm>>
    tpu.wait_dma2 semaphore(%dma_wait3A_180 : memref<!tpu.dma_semaphore, #tpu.memory_space<semaphore_mem>>) src(%dma_wait3A_182 : memref<32x512xf32, #tpu.memory_space<hbm>>) dst(%arg6 : memref<32x512xf32, #tpu.memory_space<vmem>>)
    %dma_wait3A_183 = arith.constant 0 : i32
    %dma_wait3A_184 = arith.constant 0 : i32
    %dma_wait3A_185 = tpu.memref_slice %arg3[%add3A_127, %dma_wait3A_184] : memref<8192x512xf32, #tpu.memory_space<hbm>> -> memref<32x512xf32, #tpu.memory_space<hbm>>
    %dma_wait3A_186 = tpu.memref_slice %arg13[%dma_wait3A_183] : memref<2x!tpu.dma_semaphore, #tpu.memory_space<semaphore_mem>> -> memref<1x!tpu.dma_semaphore, #tpu.memory_space<semaphore_mem>>
    %dma_wait3A_187 = tpu.memref_squeeze %dma_wait3A_186 : memref<1x!tpu.dma_semaphore, #tpu.memory_space<semaphore_mem>> -> memref<!tpu.dma_semaphore, #tpu.memory_space<semaphore_mem>>
    %dma_wait3A_188 = arith.constant 0 : i32
    %dma_wait3A_189 = tpu.memref_slice %arg3[%add3A_127, %dma_wait3A_188] : memref<8192x512xf32, #tpu.memory_space<hbm>> -> memref<32x512xf32, #tpu.memory_space<hbm>>
    tpu.wait_dma2 semaphore(%dma_wait3A_187 : memref<!tpu.dma_semaphore, #tpu.memory_space<semaphore_mem>>) src(%dma_wait3A_189 : memref<32x512xf32, #tpu.memory_space<hbm>>) dst(%arg8 : memref<32x512xf32, #tpu.memory_space<vmem>>)
    %parallel_loop3A_190 = arith.constant 0 : i32
    %parallel_loop3A_191 = arith.constant 1024 : i32
    %parallel_loop3A_192 = arith.constant 1 : i32
    %parallel_loop3A_193 = scf.for %parallel_loop3A_323 = %parallel_loop3A_190 to %parallel_loop3A_191 step %parallel_loop3A_192 iter_args(%parallel_loop3A_324 = %parallel_loop3A_159) -> (vector<16xf32>)  : i32 {
      %parallel_loop3A_325 = arith.constant 5 : i32
      %parallel_loop3A_326 = arith.shrui %parallel_loop3A_323, %parallel_loop3A_325 : i32
      %parallel_loop3A_327 = arith.constant 31 : i32
      %parallel_loop3A_328 = arith.andi %parallel_loop3A_323, %parallel_loop3A_327 : i32
      %parallel_loop3A_329 = arith.constant 4 : i32
      %parallel_loop3A_330 = arith.shli %parallel_loop3A_328, %parallel_loop3A_329 : i32
      %parallel_loop3A_331 = arith.index_cast %parallel_loop3A_326 : i32 to index
      %parallel_loop3A_332 = arith.index_cast %parallel_loop3A_330 : i32 to index
      %parallel_loop3A_333 = tpu.vector_load %arg6[%parallel_loop3A_331, %parallel_loop3A_332] {strides = array<i32>} : memref<32x512xf32, #tpu.memory_space<vmem>>, vector<16xf32>,
      %parallel_loop3A_334 = arith.index_cast %parallel_loop3A_326 : i32 to index
      %parallel_loop3A_335 = arith.index_cast %parallel_loop3A_330 : i32 to index
      %parallel_loop3A_336 = tpu.vector_load %arg8[%parallel_loop3A_334, %parallel_loop3A_335] {strides = array<i32>} : memref<32x512xf32, #tpu.memory_space<vmem>>, vector<16xf32>,
      %parallel_loop3A_337 = arith.constant 5.120000e+02 : f32
      %parallel_loop3A_338 = vector.broadcast %parallel_loop3A_337 : f32 to vector<16xf32>
      %parallel_loop3A_339 = arith.mulf %parallel_loop3A_333, %parallel_loop3A_338 : vector<16xf32>
      %parallel_loop3A_340 = arith.addf %parallel_loop3A_336, %parallel_loop3A_336 : vector<16xf32>
      %parallel_loop3A_341 = arith.constant 1.000000e+00 : f32
      %parallel_loop3A_342 = vector.broadcast %parallel_loop3A_341 : f32 to vector<16xf32>
      %parallel_loop3A_343 = arith.subf %parallel_loop3A_340, %parallel_loop3A_342 : vector<16xf32>
      %parallel_loop3A_344 = arith.mulf %parallel_loop3A_339, %parallel_loop3A_343 : vector<16xf32>
      %parallel_loop3A_345 = arith.constant 5.120000e+02 : f32
      %parallel_loop3A_346 = vector.broadcast %parallel_loop3A_345 : f32 to vector<16xf32>
      %parallel_loop3A_347 = arith.subf %parallel_loop3A_346, %parallel_loop3A_344 : vector<16xf32>
      %parallel_loop3A_348 = arith.constant 0.000000e+00 : f32
      %parallel_loop3A_349 = vector.broadcast %parallel_loop3A_348 : f32 to vector<16xf32>
      %parallel_loop3A_350 = arith.maximumf %parallel_loop3A_347, %parallel_loop3A_349 : vector<16xf32>
      %parallel_loop3A_351 = arith.constant 8.191000e+03 : f32
      %parallel_loop3A_352 = vector.broadcast %parallel_loop3A_351 : f32 to vector<16xf32>
      %parallel_loop3A_353 = arith.minimumf %parallel_loop3A_350, %parallel_loop3A_352 : vector<16xf32>
      %parallel_loop3A_354 = arith.constant 4.096000e+03 : f32
      %parallel_loop3A_355 = vector.broadcast %parallel_loop3A_354 : f32 to vector<16xf32>
      %parallel_loop3A_356 = arith.mulf %parallel_loop3A_340, %parallel_loop3A_355 : vector<16xf32>
      %parallel_loop3A_357 = arith.addf %parallel_loop3A_356, %parallel_loop3A_353 : vector<16xf32>
      %parallel_loop3A_358 = arith.constant 0x4B000000 : f32
      %parallel_loop3A_359 = vector.broadcast %parallel_loop3A_358 : f32 to vector<16xf32>
      %parallel_loop3A_360 = arith.addf %parallel_loop3A_357, %parallel_loop3A_359 : vector<16xf32>
      %parallel_loop3A_361 = vector.bitcast %parallel_loop3A_360 : vector<16xf32> to vector<16xi32>
      %parallel_loop3A_362 = arith.constant 16368 : i32
      %parallel_loop3A_363 = vector.broadcast %parallel_loop3A_362 : i32 to vector<16xi32>
      %parallel_loop3A_364 = arith.andi %parallel_loop3A_361, %parallel_loop3A_363 : vector<16xi32>
      %parallel_loop3A_365 = arith.ori %parallel_loop3A_364, %iota3A : vector<16xi32>
      tpu.vector_store_idx %arg10[%parallel_loop3A_365], %broadcast_in_dim3A_5 {add = true} : memref<16384xf32, #tpu.memory_space<vmem>>[vector<16xi32>], vector<16xf32>,
      tpu.vector_store_idx %arg11[%parallel_loop3A_365], %parallel_loop3A_350 {add = true} : memref<16384xf32, #tpu.memory_space<vmem>>[vector<16xi32>], vector<16xf32>,
      %parallel_loop3A_366 = arith.maximumf %parallel_loop3A_324, %parallel_loop3A_350 : vector<16xf32>
      scf.yield %parallel_loop3A_366 : vector<16xf32>
    } {sc.loop_unroll_factor = 8 : i64, sc.parallel_access}
    %add3A_194 = arith.constant 192 : i32
    %add3A_195 = arith.addi %mul3A_2, %add3A_194 : i32
    %dma_start3A_196 = arith.constant 0 : i32
    %dma_start3A_197 = arith.constant 0 : i32
    %dma_start3A_198 = tpu.memref_slice %arg2[%add3A_195, %dma_start3A_197] : memref<8192x512xf32, #tpu.memory_space<hbm>> -> memref<32x512xf32, #tpu.memory_space<hbm>>
    %dma_start3A_199 = tpu.memref_slice %arg13[%dma_start3A_196] : memref<2x!tpu.dma_semaphore, #tpu.memory_space<semaphore_mem>> -> memref<1x!tpu.dma_semaphore, #tpu.memory_space<semaphore_mem>>
    %dma_start3A_200 = tpu.memref_squeeze %dma_start3A_199 : memref<1x!tpu.dma_semaphore, #tpu.memory_space<semaphore_mem>> -> memref<!tpu.dma_semaphore, #tpu.memory_space<semaphore_mem>>
    %dma_start3A_201 = arith.constant 0 : i32
    %dma_start3A_202 = tpu.memref_slice %arg2[%add3A_195, %dma_start3A_201] : memref<8192x512xf32, #tpu.memory_space<hbm>> -> memref<32x512xf32, #tpu.memory_space<hbm>>
    tpu.enqueue_dma source(%dma_start3A_202 : memref<32x512xf32, #tpu.memory_space<hbm>>) target(%arg6 : memref<32x512xf32, #tpu.memory_space<vmem>>) target_semaphore(%dma_start3A_200 : memref<!tpu.dma_semaphore, #tpu.memory_space<semaphore_mem>>)
    %dma_start3A_203 = arith.constant 0 : i32
    %dma_start3A_204 = arith.constant 0 : i32
    %dma_start3A_205 = tpu.memref_slice %arg3[%add3A_195, %dma_start3A_204] : memref<8192x512xf32, #tpu.memory_space<hbm>> -> memref<32x512xf32, #tpu.memory_space<hbm>>
    %dma_start3A_206 = tpu.memref_slice %arg13[%dma_start3A_203] : memref<2x!tpu.dma_semaphore, #tpu.memory_space<semaphore_mem>> -> memref<1x!tpu.dma_semaphore, #tpu.memory_space<semaphore_mem>>
    %dma_start3A_207 = tpu.memref_squeeze %dma_start3A_206 : memref<1x!tpu.dma_semaphore, #tpu.memory_space<semaphore_mem>> -> memref<!tpu.dma_semaphore, #tpu.memory_space<semaphore_mem>>
    %dma_start3A_208 = arith.constant 0 : i32
    %dma_start3A_209 = tpu.memref_slice %arg3[%add3A_195, %dma_start3A_208] : memref<8192x512xf32, #tpu.memory_space<hbm>> -> memref<32x512xf32, #tpu.memory_space<hbm>>
    tpu.enqueue_dma source(%dma_start3A_209 : memref<32x512xf32, #tpu.memory_space<hbm>>) target(%arg8 : memref<32x512xf32, #tpu.memory_space<vmem>>) target_semaphore(%dma_start3A_207 : memref<!tpu.dma_semaphore, #tpu.memory_space<semaphore_mem>>)
    %dma_wait3A_210 = arith.constant 1 : i32
    %dma_wait3A_211 = arith.constant 0 : i32
    %dma_wait3A_212 = tpu.memref_slice %arg2[%add3A_161, %dma_wait3A_211] : memref<8192x512xf32, #tpu.memory_space<hbm>> -> memref<32x512xf32, #tpu.memory_space<hbm>>
    %dma_wait3A_213 = tpu.memref_slice %arg13[%dma_wait3A_210] : memref<2x!tpu.dma_semaphore, #tpu.memory_space<semaphore_mem>> -> memref<1x!tpu.dma_semaphore, #tpu.memory_space<semaphore_mem>>
    %dma_wait3A_214 = tpu.memref_squeeze %dma_wait3A_213 : memref<1x!tpu.dma_semaphore, #tpu.memory_space<semaphore_mem>> -> memref<!tpu.dma_semaphore, #tpu.memory_space<semaphore_mem>>
    %dma_wait3A_215 = arith.constant 0 : i32
    %dma_wait3A_216 = tpu.memref_slice %arg2[%add3A_161, %dma_wait3A_215] : memref<8192x512xf32, #tpu.memory_space<hbm>> -> memref<32x512xf32, #tpu.memory_space<hbm>>
    tpu.wait_dma2 semaphore(%dma_wait3A_214 : memref<!tpu.dma_semaphore, #tpu.memory_space<semaphore_mem>>) src(%dma_wait3A_216 : memref<32x512xf32, #tpu.memory_space<hbm>>) dst(%arg7 : memref<32x512xf32, #tpu.memory_space<vmem>>)
    %dma_wait3A_217 = arith.constant 1 : i32
    %dma_wait3A_218 = arith.constant 0 : i32
    %dma_wait3A_219 = tpu.memref_slice %arg3[%add3A_161, %dma_wait3A_218] : memref<8192x512xf32, #tpu.memory_space<hbm>> -> memref<32x512xf32, #tpu.memory_space<hbm>>
    %dma_wait3A_220 = tpu.memref_slice %arg13[%dma_wait3A_217] : memref<2x!tpu.dma_semaphore, #tpu.memory_space<semaphore_mem>> -> memref<1x!tpu.dma_semaphore, #tpu.memory_space<semaphore_mem>>
    %dma_wait3A_221 = tpu.memref_squeeze %dma_wait3A_220 : memref<1x!tpu.dma_semaphore, #tpu.memory_space<semaphore_mem>> -> memref<!tpu.dma_semaphore, #tpu.memory_space<semaphore_mem>>
    %dma_wait3A_222 = arith.constant 0 : i32
    %dma_wait3A_223 = tpu.memref_slice %arg3[%add3A_161, %dma_wait3A_222] : memref<8192x512xf32, #tpu.memory_space<hbm>> -> memref<32x512xf32, #tpu.memory_space<hbm>>
    tpu.wait_dma2 semaphore(%dma_wait3A_221 : memref<!tpu.dma_semaphore, #tpu.memory_space<semaphore_mem>>) src(%dma_wait3A_223 : memref<32x512xf32, #tpu.memory_space<hbm>>) dst(%arg9 : memref<32x512xf32, #tpu.memory_space<vmem>>)
    %parallel_loop3A_224 = arith.constant 0 : i32
    %parallel_loop3A_225 = arith.constant 1024 : i32
    %parallel_loop3A_226 = arith.constant 1 : i32
    %parallel_loop3A_227 = scf.for %parallel_loop3A_323 = %parallel_loop3A_224 to %parallel_loop3A_225 step %parallel_loop3A_226 iter_args(%parallel_loop3A_324 = %parallel_loop3A_193) -> (vector<16xf32>)  : i32 {
      %parallel_loop3A_325 = arith.constant 5 : i32
      %parallel_loop3A_326 = arith.shrui %parallel_loop3A_323, %parallel_loop3A_325 : i32
      %parallel_loop3A_327 = arith.constant 31 : i32
      %parallel_loop3A_328 = arith.andi %parallel_loop3A_323, %parallel_loop3A_327 : i32
      %parallel_loop3A_329 = arith.constant 4 : i32
      %parallel_loop3A_330 = arith.shli %parallel_loop3A_328, %parallel_loop3A_329 : i32
      %parallel_loop3A_331 = arith.index_cast %parallel_loop3A_326 : i32 to index
      %parallel_loop3A_332 = arith.index_cast %parallel_loop3A_330 : i32 to index
      %parallel_loop3A_333 = tpu.vector_load %arg7[%parallel_loop3A_331, %parallel_loop3A_332] {strides = array<i32>} : memref<32x512xf32, #tpu.memory_space<vmem>>, vector<16xf32>,
      %parallel_loop3A_334 = arith.index_cast %parallel_loop3A_326 : i32 to index
      %parallel_loop3A_335 = arith.index_cast %parallel_loop3A_330 : i32 to index
      %parallel_loop3A_336 = tpu.vector_load %arg9[%parallel_loop3A_334, %parallel_loop3A_335] {strides = array<i32>} : memref<32x512xf32, #tpu.memory_space<vmem>>, vector<16xf32>,
      %parallel_loop3A_337 = arith.constant 5.120000e+02 : f32
      %parallel_loop3A_338 = vector.broadcast %parallel_loop3A_337 : f32 to vector<16xf32>
      %parallel_loop3A_339 = arith.mulf %parallel_loop3A_333, %parallel_loop3A_338 : vector<16xf32>
      %parallel_loop3A_340 = arith.addf %parallel_loop3A_336, %parallel_loop3A_336 : vector<16xf32>
      %parallel_loop3A_341 = arith.constant 1.000000e+00 : f32
      %parallel_loop3A_342 = vector.broadcast %parallel_loop3A_341 : f32 to vector<16xf32>
      %parallel_loop3A_343 = arith.subf %parallel_loop3A_340, %parallel_loop3A_342 : vector<16xf32>
      %parallel_loop3A_344 = arith.mulf %parallel_loop3A_339, %parallel_loop3A_343 : vector<16xf32>
      %parallel_loop3A_345 = arith.constant 5.120000e+02 : f32
      %parallel_loop3A_346 = vector.broadcast %parallel_loop3A_345 : f32 to vector<16xf32>
      %parallel_loop3A_347 = arith.subf %parallel_loop3A_346, %parallel_loop3A_344 : vector<16xf32>
      %parallel_loop3A_348 = arith.constant 0.000000e+00 : f32
      %parallel_loop3A_349 = vector.broadcast %parallel_loop3A_348 : f32 to vector<16xf32>
      %parallel_loop3A_350 = arith.maximumf %parallel_loop3A_347, %parallel_loop3A_349 : vector<16xf32>
      %parallel_loop3A_351 = arith.constant 8.191000e+03 : f32
      %parallel_loop3A_352 = vector.broadcast %parallel_loop3A_351 : f32 to vector<16xf32>
      %parallel_loop3A_353 = arith.minimumf %parallel_loop3A_350, %parallel_loop3A_352 : vector<16xf32>
      %parallel_loop3A_354 = arith.constant 4.096000e+03 : f32
      %parallel_loop3A_355 = vector.broadcast %parallel_loop3A_354 : f32 to vector<16xf32>
      %parallel_loop3A_356 = arith.mulf %parallel_loop3A_340, %parallel_loop3A_355 : vector<16xf32>
      %parallel_loop3A_357 = arith.addf %parallel_loop3A_356, %parallel_loop3A_353 : vector<16xf32>
      %parallel_loop3A_358 = arith.constant 0x4B000000 : f32
      %parallel_loop3A_359 = vector.broadcast %parallel_loop3A_358 : f32 to vector<16xf32>
      %parallel_loop3A_360 = arith.addf %parallel_loop3A_357, %parallel_loop3A_359 : vector<16xf32>
      %parallel_loop3A_361 = vector.bitcast %parallel_loop3A_360 : vector<16xf32> to vector<16xi32>
      %parallel_loop3A_362 = arith.constant 16368 : i32
      %parallel_loop3A_363 = vector.broadcast %parallel_loop3A_362 : i32 to vector<16xi32>
      %parallel_loop3A_364 = arith.andi %parallel_loop3A_361, %parallel_loop3A_363 : vector<16xi32>
      %parallel_loop3A_365 = arith.ori %parallel_loop3A_364, %iota3A : vector<16xi32>
      tpu.vector_store_idx %arg10[%parallel_loop3A_365], %broadcast_in_dim3A_5 {add = true} : memref<16384xf32, #tpu.memory_space<vmem>>[vector<16xi32>], vector<16xf32>,
      tpu.vector_store_idx %arg11[%parallel_loop3A_365], %parallel_loop3A_350 {add = true} : memref<16384xf32, #tpu.memory_space<vmem>>[vector<16xi32>], vector<16xf32>,
      %parallel_loop3A_366 = arith.maximumf %parallel_loop3A_324, %parallel_loop3A_350 : vector<16xf32>
      scf.yield %parallel_loop3A_366 : vector<16xf32>
    } {sc.loop_unroll_factor = 8 : i64, sc.parallel_access}
    %add3A_228 = arith.constant 224 : i32
    %add3A_229 = arith.addi %mul3A_2, %add3A_228 : i32
    %dma_start3A_230 = arith.constant 1 : i32
    %dma_start3A_231 = arith.constant 0 : i32
    %dma_start3A_232 = tpu.memref_slice %arg2[%add3A_229, %dma_start3A_231] : memref<8192x512xf32, #tpu.memory_space<hbm>> -> memref<32x512xf32, #tpu.memory_space<hbm>>
    %dma_start3A_233 = tpu.memref_slice %arg13[%dma_start3A_230] : memref<2x!tpu.dma_semaphore, #tpu.memory_space<semaphore_mem>> -> memref<1x!tpu.dma_semaphore, #tpu.memory_space<semaphore_mem>>
    %dma_start3A_234 = tpu.memref_squeeze %dma_start3A_233 : memref<1x!tpu.dma_semaphore, #tpu.memory_space<semaphore_mem>> -> memref<!tpu.dma_semaphore, #tpu.memory_space<semaphore_mem>>
    %dma_start3A_235 = arith.constant 0 : i32
    %dma_start3A_236 = tpu.memref_slice %arg2[%add3A_229, %dma_start3A_235] : memref<8192x512xf32, #tpu.memory_space<hbm>> -> memref<32x512xf32, #tpu.memory_space<hbm>>
    tpu.enqueue_dma source(%dma_start3A_236 : memref<32x512xf32, #tpu.memory_space<hbm>>) target(%arg7 : memref<32x512xf32, #tpu.memory_space<vmem>>) target_semaphore(%dma_start3A_234 : memref<!tpu.dma_semaphore, #tpu.memory_space<semaphore_mem>>)
    %dma_start3A_237 = arith.constant 1 : i32
    %dma_start3A_238 = arith.constant 0 : i32
    %dma_start3A_239 = tpu.memref_slice %arg3[%add3A_229, %dma_start3A_238] : memref<8192x512xf32, #tpu.memory_space<hbm>> -> memref<32x512xf32, #tpu.memory_space<hbm>>
    %dma_start3A_240 = tpu.memref_slice %arg13[%dma_start3A_237] : memref<2x!tpu.dma_semaphore, #tpu.memory_space<semaphore_mem>> -> memref<1x!tpu.dma_semaphore, #tpu.memory_space<semaphore_mem>>
    %dma_start3A_241 = tpu.memref_squeeze %dma_start3A_240 : memref<1x!tpu.dma_semaphore, #tpu.memory_space<semaphore_mem>> -> memref<!tpu.dma_semaphore, #tpu.memory_space<semaphore_mem>>
    %dma_start3A_242 = arith.constant 0 : i32
    %dma_start3A_243 = tpu.memref_slice %arg3[%add3A_229, %dma_start3A_242] : memref<8192x512xf32, #tpu.memory_space<hbm>> -> memref<32x512xf32, #tpu.memory_space<hbm>>
    tpu.enqueue_dma source(%dma_start3A_243 : memref<32x512xf32, #tpu.memory_space<hbm>>) target(%arg9 : memref<32x512xf32, #tpu.memory_space<vmem>>) target_semaphore(%dma_start3A_241 : memref<!tpu.dma_semaphore, #tpu.memory_space<semaphore_mem>>)
    %dma_wait3A_244 = arith.constant 0 : i32
    %dma_wait3A_245 = arith.constant 0 : i32
    %dma_wait3A_246 = tpu.memref_slice %arg2[%add3A_195, %dma_wait3A_245] : memref<8192x512xf32, #tpu.memory_space<hbm>> -> memref<32x512xf32, #tpu.memory_space<hbm>>
    %dma_wait3A_247 = tpu.memref_slice %arg13[%dma_wait3A_244] : memref<2x!tpu.dma_semaphore, #tpu.memory_space<semaphore_mem>> -> memref<1x!tpu.dma_semaphore, #tpu.memory_space<semaphore_mem>>
    %dma_wait3A_248 = tpu.memref_squeeze %dma_wait3A_247 : memref<1x!tpu.dma_semaphore, #tpu.memory_space<semaphore_mem>> -> memref<!tpu.dma_semaphore, #tpu.memory_space<semaphore_mem>>
    %dma_wait3A_249 = arith.constant 0 : i32
    %dma_wait3A_250 = tpu.memref_slice %arg2[%add3A_195, %dma_wait3A_249] : memref<8192x512xf32, #tpu.memory_space<hbm>> -> memref<32x512xf32, #tpu.memory_space<hbm>>
    tpu.wait_dma2 semaphore(%dma_wait3A_248 : memref<!tpu.dma_semaphore, #tpu.memory_space<semaphore_mem>>) src(%dma_wait3A_250 : memref<32x512xf32, #tpu.memory_space<hbm>>) dst(%arg6 : memref<32x512xf32, #tpu.memory_space<vmem>>)
    %dma_wait3A_251 = arith.constant 0 : i32
    %dma_wait3A_252 = arith.constant 0 : i32
    %dma_wait3A_253 = tpu.memref_slice %arg3[%add3A_195, %dma_wait3A_252] : memref<8192x512xf32, #tpu.memory_space<hbm>> -> memref<32x512xf32, #tpu.memory_space<hbm>>
    %dma_wait3A_254 = tpu.memref_slice %arg13[%dma_wait3A_251] : memref<2x!tpu.dma_semaphore, #tpu.memory_space<semaphore_mem>> -> memref<1x!tpu.dma_semaphore, #tpu.memory_space<semaphore_mem>>
    %dma_wait3A_255 = tpu.memref_squeeze %dma_wait3A_254 : memref<1x!tpu.dma_semaphore, #tpu.memory_space<semaphore_mem>> -> memref<!tpu.dma_semaphore, #tpu.memory_space<semaphore_mem>>
    %dma_wait3A_256 = arith.constant 0 : i32
    %dma_wait3A_257 = tpu.memref_slice %arg3[%add3A_195, %dma_wait3A_256] : memref<8192x512xf32, #tpu.memory_space<hbm>> -> memref<32x512xf32, #tpu.memory_space<hbm>>
    tpu.wait_dma2 semaphore(%dma_wait3A_255 : memref<!tpu.dma_semaphore, #tpu.memory_space<semaphore_mem>>) src(%dma_wait3A_257 : memref<32x512xf32, #tpu.memory_space<hbm>>) dst(%arg8 : memref<32x512xf32, #tpu.memory_space<vmem>>)
    %parallel_loop3A_258 = arith.constant 0 : i32
    %parallel_loop3A_259 = arith.constant 1024 : i32
    %parallel_loop3A_260 = arith.constant 1 : i32
    %parallel_loop3A_261 = scf.for %parallel_loop3A_323 = %parallel_loop3A_258 to %parallel_loop3A_259 step %parallel_loop3A_260 iter_args(%parallel_loop3A_324 = %parallel_loop3A_227) -> (vector<16xf32>)  : i32 {
      %parallel_loop3A_325 = arith.constant 5 : i32
      %parallel_loop3A_326 = arith.shrui %parallel_loop3A_323, %parallel_loop3A_325 : i32
      %parallel_loop3A_327 = arith.constant 31 : i32
      %parallel_loop3A_328 = arith.andi %parallel_loop3A_323, %parallel_loop3A_327 : i32
      %parallel_loop3A_329 = arith.constant 4 : i32
      %parallel_loop3A_330 = arith.shli %parallel_loop3A_328, %parallel_loop3A_329 : i32
      %parallel_loop3A_331 = arith.index_cast %parallel_loop3A_326 : i32 to index
      %parallel_loop3A_332 = arith.index_cast %parallel_loop3A_330 : i32 to index
      %parallel_loop3A_333 = tpu.vector_load %arg6[%parallel_loop3A_331, %parallel_loop3A_332] {strides = array<i32>} : memref<32x512xf32, #tpu.memory_space<vmem>>, vector<16xf32>,
      %parallel_loop3A_334 = arith.index_cast %parallel_loop3A_326 : i32 to index
      %parallel_loop3A_335 = arith.index_cast %parallel_loop3A_330 : i32 to index
      %parallel_loop3A_336 = tpu.vector_load %arg8[%parallel_loop3A_334, %parallel_loop3A_335] {strides = array<i32>} : memref<32x512xf32, #tpu.memory_space<vmem>>, vector<16xf32>,
      %parallel_loop3A_337 = arith.constant 5.120000e+02 : f32
      %parallel_loop3A_338 = vector.broadcast %parallel_loop3A_337 : f32 to vector<16xf32>
      %parallel_loop3A_339 = arith.mulf %parallel_loop3A_333, %parallel_loop3A_338 : vector<16xf32>
      %parallel_loop3A_340 = arith.addf %parallel_loop3A_336, %parallel_loop3A_336 : vector<16xf32>
      %parallel_loop3A_341 = arith.constant 1.000000e+00 : f32
      %parallel_loop3A_342 = vector.broadcast %parallel_loop3A_341 : f32 to vector<16xf32>
      %parallel_loop3A_343 = arith.subf %parallel_loop3A_340, %parallel_loop3A_342 : vector<16xf32>
      %parallel_loop3A_344 = arith.mulf %parallel_loop3A_339, %parallel_loop3A_343 : vector<16xf32>
      %parallel_loop3A_345 = arith.constant 5.120000e+02 : f32
      %parallel_loop3A_346 = vector.broadcast %parallel_loop3A_345 : f32 to vector<16xf32>
      %parallel_loop3A_347 = arith.subf %parallel_loop3A_346, %parallel_loop3A_344 : vector<16xf32>
      %parallel_loop3A_348 = arith.constant 0.000000e+00 : f32
      %parallel_loop3A_349 = vector.broadcast %parallel_loop3A_348 : f32 to vector<16xf32>
      %parallel_loop3A_350 = arith.maximumf %parallel_loop3A_347, %parallel_loop3A_349 : vector<16xf32>
      %parallel_loop3A_351 = arith.constant 8.191000e+03 : f32
      %parallel_loop3A_352 = vector.broadcast %parallel_loop3A_351 : f32 to vector<16xf32>
      %parallel_loop3A_353 = arith.minimumf %parallel_loop3A_350, %parallel_loop3A_352 : vector<16xf32>
      %parallel_loop3A_354 = arith.constant 4.096000e+03 : f32
      %parallel_loop3A_355 = vector.broadcast %parallel_loop3A_354 : f32 to vector<16xf32>
      %parallel_loop3A_356 = arith.mulf %parallel_loop3A_340, %parallel_loop3A_355 : vector<16xf32>
      %parallel_loop3A_357 = arith.addf %parallel_loop3A_356, %parallel_loop3A_353 : vector<16xf32>
      %parallel_loop3A_358 = arith.constant 0x4B000000 : f32
      %parallel_loop3A_359 = vector.broadcast %parallel_loop3A_358 : f32 to vector<16xf32>
      %parallel_loop3A_360 = arith.addf %parallel_loop3A_357, %parallel_loop3A_359 : vector<16xf32>
      %parallel_loop3A_361 = vector.bitcast %parallel_loop3A_360 : vector<16xf32> to vector<16xi32>
      %parallel_loop3A_362 = arith.constant 16368 : i32
      %parallel_loop3A_363 = vector.broadcast %parallel_loop3A_362 : i32 to vector<16xi32>
      %parallel_loop3A_364 = arith.andi %parallel_loop3A_361, %parallel_loop3A_363 : vector<16xi32>
      %parallel_loop3A_365 = arith.ori %parallel_loop3A_364, %iota3A : vector<16xi32>
      tpu.vector_store_idx %arg10[%parallel_loop3A_365], %broadcast_in_dim3A_5 {add = true} : memref<16384xf32, #tpu.memory_space<vmem>>[vector<16xi32>], vector<16xf32>,
      tpu.vector_store_idx %arg11[%parallel_loop3A_365], %parallel_loop3A_350 {add = true} : memref<16384xf32, #tpu.memory_space<vmem>>[vector<16xi32>], vector<16xf32>,
      %parallel_loop3A_366 = arith.maximumf %parallel_loop3A_324, %parallel_loop3A_350 : vector<16xf32>
      scf.yield %parallel_loop3A_366 : vector<16xf32>
    } {sc.loop_unroll_factor = 8 : i64, sc.parallel_access}
    %dma_wait3A_262 = arith.constant 1 : i32
    %dma_wait3A_263 = arith.constant 0 : i32
    %dma_wait3A_264 = tpu.memref_slice %arg2[%add3A_229, %dma_wait3A_263] : memref<8192x512xf32, #tpu.memory_space<hbm>> -> memref<32x512xf32, #tpu.memory_space<hbm>>
    %dma_wait3A_265 = tpu.memref_slice %arg13[%dma_wait3A_262] : memref<2x!tpu.dma_semaphore, #tpu.memory_space<semaphore_mem>> -> memref<1x!tpu.dma_semaphore, #tpu.memory_space<semaphore_mem>>
    %dma_wait3A_266 = tpu.memref_squeeze %dma_wait3A_265 : memref<1x!tpu.dma_semaphore, #tpu.memory_space<semaphore_mem>> -> memref<!tpu.dma_semaphore, #tpu.memory_space<semaphore_mem>>
    %dma_wait3A_267 = arith.constant 0 : i32
    %dma_wait3A_268 = tpu.memref_slice %arg2[%add3A_229, %dma_wait3A_267] : memref<8192x512xf32, #tpu.memory_space<hbm>> -> memref<32x512xf32, #tpu.memory_space<hbm>>
    tpu.wait_dma2 semaphore(%dma_wait3A_266 : memref<!tpu.dma_semaphore, #tpu.memory_space<semaphore_mem>>) src(%dma_wait3A_268 : memref<32x512xf32, #tpu.memory_space<hbm>>) dst(%arg7 : memref<32x512xf32, #tpu.memory_space<vmem>>)
    %dma_wait3A_269 = arith.constant 1 : i32
    %dma_wait3A_270 = arith.constant 0 : i32
    %dma_wait3A_271 = tpu.memref_slice %arg3[%add3A_229, %dma_wait3A_270] : memref<8192x512xf32, #tpu.memory_space<hbm>> -> memref<32x512xf32, #tpu.memory_space<hbm>>
    %dma_wait3A_272 = tpu.memref_slice %arg13[%dma_wait3A_269] : memref<2x!tpu.dma_semaphore, #tpu.memory_space<semaphore_mem>> -> memref<1x!tpu.dma_semaphore, #tpu.memory_space<semaphore_mem>>
    %dma_wait3A_273 = tpu.memref_squeeze %dma_wait3A_272 : memref<1x!tpu.dma_semaphore, #tpu.memory_space<semaphore_mem>> -> memref<!tpu.dma_semaphore, #tpu.memory_space<semaphore_mem>>
    %dma_wait3A_274 = arith.constant 0 : i32
    %dma_wait3A_275 = tpu.memref_slice %arg3[%add3A_229, %dma_wait3A_274] : memref<8192x512xf32, #tpu.memory_space<hbm>> -> memref<32x512xf32, #tpu.memory_space<hbm>>
    tpu.wait_dma2 semaphore(%dma_wait3A_273 : memref<!tpu.dma_semaphore, #tpu.memory_space<semaphore_mem>>) src(%dma_wait3A_275 : memref<32x512xf32, #tpu.memory_space<hbm>>) dst(%arg9 : memref<32x512xf32, #tpu.memory_space<vmem>>)
    %parallel_loop3A_276 = arith.constant 0 : i32
    %parallel_loop3A_277 = arith.constant 1024 : i32
    %parallel_loop3A_278 = arith.constant 1 : i32
    %parallel_loop3A_279 = scf.for %parallel_loop3A_323 = %parallel_loop3A_276 to %parallel_loop3A_277 step %parallel_loop3A_278 iter_args(%parallel_loop3A_324 = %parallel_loop3A_261) -> (vector<16xf32>)  : i32 {
      %parallel_loop3A_325 = arith.constant 5 : i32
      %parallel_loop3A_326 = arith.shrui %parallel_loop3A_323, %parallel_loop3A_325 : i32
      %parallel_loop3A_327 = arith.constant 31 : i32
      %parallel_loop3A_328 = arith.andi %parallel_loop3A_323, %parallel_loop3A_327 : i32
      %parallel_loop3A_329 = arith.constant 4 : i32
      %parallel_loop3A_330 = arith.shli %parallel_loop3A_328, %parallel_loop3A_329 : i32
      %parallel_loop3A_331 = arith.index_cast %parallel_loop3A_326 : i32 to index
      %parallel_loop3A_332 = arith.index_cast %parallel_loop3A_330 : i32 to index
      %parallel_loop3A_333 = tpu.vector_load %arg7[%parallel_loop3A_331, %parallel_loop3A_332] {strides = array<i32>} : memref<32x512xf32, #tpu.memory_space<vmem>>, vector<16xf32>,
      %parallel_loop3A_334 = arith.index_cast %parallel_loop3A_326 : i32 to index
      %parallel_loop3A_335 = arith.index_cast %parallel_loop3A_330 : i32 to index
      %parallel_loop3A_336 = tpu.vector_load %arg9[%parallel_loop3A_334, %parallel_loop3A_335] {strides = array<i32>} : memref<32x512xf32, #tpu.memory_space<vmem>>, vector<16xf32>,
      %parallel_loop3A_337 = arith.constant 5.120000e+02 : f32
      %parallel_loop3A_338 = vector.broadcast %parallel_loop3A_337 : f32 to vector<16xf32>
      %parallel_loop3A_339 = arith.mulf %parallel_loop3A_333, %parallel_loop3A_338 : vector<16xf32>
      %parallel_loop3A_340 = arith.addf %parallel_loop3A_336, %parallel_loop3A_336 : vector<16xf32>
      %parallel_loop3A_341 = arith.constant 1.000000e+00 : f32
      %parallel_loop3A_342 = vector.broadcast %parallel_loop3A_341 : f32 to vector<16xf32>
      %parallel_loop3A_343 = arith.subf %parallel_loop3A_340, %parallel_loop3A_342 : vector<16xf32>
      %parallel_loop3A_344 = arith.mulf %parallel_loop3A_339, %parallel_loop3A_343 : vector<16xf32>
      %parallel_loop3A_345 = arith.constant 5.120000e+02 : f32
      %parallel_loop3A_346 = vector.broadcast %parallel_loop3A_345 : f32 to vector<16xf32>
      %parallel_loop3A_347 = arith.subf %parallel_loop3A_346, %parallel_loop3A_344 : vector<16xf32>
      %parallel_loop3A_348 = arith.constant 0.000000e+00 : f32
      %parallel_loop3A_349 = vector.broadcast %parallel_loop3A_348 : f32 to vector<16xf32>
      %parallel_loop3A_350 = arith.maximumf %parallel_loop3A_347, %parallel_loop3A_349 : vector<16xf32>
      %parallel_loop3A_351 = arith.constant 8.191000e+03 : f32
      %parallel_loop3A_352 = vector.broadcast %parallel_loop3A_351 : f32 to vector<16xf32>
      %parallel_loop3A_353 = arith.minimumf %parallel_loop3A_350, %parallel_loop3A_352 : vector<16xf32>
      %parallel_loop3A_354 = arith.constant 4.096000e+03 : f32
      %parallel_loop3A_355 = vector.broadcast %parallel_loop3A_354 : f32 to vector<16xf32>
      %parallel_loop3A_356 = arith.mulf %parallel_loop3A_340, %parallel_loop3A_355 : vector<16xf32>
      %parallel_loop3A_357 = arith.addf %parallel_loop3A_356, %parallel_loop3A_353 : vector<16xf32>
      %parallel_loop3A_358 = arith.constant 0x4B000000 : f32
      %parallel_loop3A_359 = vector.broadcast %parallel_loop3A_358 : f32 to vector<16xf32>
      %parallel_loop3A_360 = arith.addf %parallel_loop3A_357, %parallel_loop3A_359 : vector<16xf32>
      %parallel_loop3A_361 = vector.bitcast %parallel_loop3A_360 : vector<16xf32> to vector<16xi32>
      %parallel_loop3A_362 = arith.constant 16368 : i32
      %parallel_loop3A_363 = vector.broadcast %parallel_loop3A_362 : i32 to vector<16xi32>
      %parallel_loop3A_364 = arith.andi %parallel_loop3A_361, %parallel_loop3A_363 : vector<16xi32>
      %parallel_loop3A_365 = arith.ori %parallel_loop3A_364, %iota3A : vector<16xi32>
      tpu.vector_store_idx %arg10[%parallel_loop3A_365], %broadcast_in_dim3A_5 {add = true} : memref<16384xf32, #tpu.memory_space<vmem>>[vector<16xi32>], vector<16xf32>,
      tpu.vector_store_idx %arg11[%parallel_loop3A_365], %parallel_loop3A_350 {add = true} : memref<16384xf32, #tpu.memory_space<vmem>>[vector<16xi32>], vector<16xf32>,
      %parallel_loop3A_366 = arith.maximumf %parallel_loop3A_324, %parallel_loop3A_350 : vector<16xf32>
      scf.yield %parallel_loop3A_366 : vector<16xf32>
    } {sc.loop_unroll_factor = 8 : i64, sc.parallel_access}
    %swap3A = arith.constant 0 : index
    %swap3A_280 = tpu.vector_load %arg12[%swap3A] {strides = array<i32>} : memref<16xf32, #tpu.memory_space<vmem>>, vector<16xf32>,
    tpu.vector_store %arg12[%swap3A], %parallel_loop3A_279 {strides = array<i32>} : memref<16xf32, #tpu.memory_space<vmem>>, vector<16xf32>,
    %mul3A_281 = arith.constant 2 : i32
    %mul3A_282 = arith.muli %add3A, %mul3A_281 : i32
    %mul3A_283 = arith.constant 16384 : i32
    %mul3A_284 = arith.muli %mul3A_282, %mul3A_283 : i32
    %dma_start3A_285 = arith.constant 0 : i32
    %dma_start3A_286 = tpu.memref_slice %arg4[%mul3A_284] : memref<1048576xf32, #tpu.memory_space<hbm>> -> memref<16384xf32, #tpu.memory_space<hbm>>
    %dma_start3A_287 = tpu.memref_slice %arg13[%dma_start3A_285] : memref<2x!tpu.dma_semaphore, #tpu.memory_space<semaphore_mem>> -> memref<1x!tpu.dma_semaphore, #tpu.memory_space<semaphore_mem>>
    %dma_start3A_288 = tpu.memref_squeeze %dma_start3A_287 : memref<1x!tpu.dma_semaphore, #tpu.memory_space<semaphore_mem>> -> memref<!tpu.dma_semaphore, #tpu.memory_space<semaphore_mem>>
    %dma_start3A_289 = tpu.memref_slice %arg4[%mul3A_284] : memref<1048576xf32, #tpu.memory_space<hbm>> -> memref<16384xf32, #tpu.memory_space<hbm>>
    tpu.enqueue_dma source(%arg10 : memref<16384xf32, #tpu.memory_space<vmem>>) target(%dma_start3A_289 : memref<16384xf32, #tpu.memory_space<hbm>>) target_semaphore(%dma_start3A_288 : memref<!tpu.dma_semaphore, #tpu.memory_space<semaphore_mem>>)
    %mul3A_290 = arith.constant 2 : i32
    %mul3A_291 = arith.muli %add3A, %mul3A_290 : i32
    %mul3A_292 = arith.constant 16384 : i32
    %mul3A_293 = arith.muli %mul3A_291, %mul3A_292 : i32
    %add3A_294 = arith.constant 16384 : i32
    %add3A_295 = arith.addi %mul3A_293, %add3A_294 : i32
    %dma_start3A_296 = arith.constant 1 : i32
    %dma_start3A_297 = tpu.memref_slice %arg4[%add3A_295] : memref<1048576xf32, #tpu.memory_space<hbm>> -> memref<16384xf32, #tpu.memory_space<hbm>>
    %dma_start3A_298 = tpu.memref_slice %arg13[%dma_start3A_296] : memref<2x!tpu.dma_semaphore, #tpu.memory_space<semaphore_mem>> -> memref<1x!tpu.dma_semaphore, #tpu.memory_space<semaphore_mem>>
    %dma_start3A_299 = tpu.memref_squeeze %dma_start3A_298 : memref<1x!tpu.dma_semaphore, #tpu.memory_space<semaphore_mem>> -> memref<!tpu.dma_semaphore, #tpu.memory_space<semaphore_mem>>
    %dma_start3A_300 = tpu.memref_slice %arg4[%add3A_295] : memref<1048576xf32, #tpu.memory_space<hbm>> -> memref<16384xf32, #tpu.memory_space<hbm>>
    tpu.enqueue_dma source(%arg11 : memref<16384xf32, #tpu.memory_space<vmem>>) target(%dma_start3A_300 : memref<16384xf32, #tpu.memory_space<hbm>>) target_semaphore(%dma_start3A_299 : memref<!tpu.dma_semaphore, #tpu.memory_space<semaphore_mem>>)
    %mul3A_301 = arith.constant 16 : i32
    %mul3A_302 = arith.muli %add3A, %mul3A_301 : i32
    %dma_start3A_303 = arith.constant 0 : i32
    %dma_start3A_304 = tpu.memref_slice %arg5[%mul3A_302] : memref<512xf32, #tpu.memory_space<hbm>> -> memref<16xf32, #tpu.memory_space<hbm>>
    %dma_start3A_305 = tpu.memref_slice %arg13[%dma_start3A_303] : memref<2x!tpu.dma_semaphore, #tpu.memory_space<semaphore_mem>> -> memref<1x!tpu.dma_semaphore, #tpu.memory_space<semaphore_mem>>
    %dma_start3A_306 = tpu.memref_squeeze %dma_start3A_305 : memref<1x!tpu.dma_semaphore, #tpu.memory_space<semaphore_mem>> -> memref<!tpu.dma_semaphore, #tpu.memory_space<semaphore_mem>>
    %dma_start3A_307 = tpu.memref_slice %arg5[%mul3A_302] : memref<512xf32, #tpu.memory_space<hbm>> -> memref<16xf32, #tpu.memory_space<hbm>>
    tpu.enqueue_dma source(%arg12 : memref<16xf32, #tpu.memory_space<vmem>>) target(%dma_start3A_307 : memref<16xf32, #tpu.memory_space<hbm>>) target_semaphore(%dma_start3A_306 : memref<!tpu.dma_semaphore, #tpu.memory_space<semaphore_mem>>)
    %dma_wait3A_308 = arith.constant 0 : i32
    %dma_wait3A_309 = tpu.memref_slice %arg4[%mul3A_284] : memref<1048576xf32, #tpu.memory_space<hbm>> -> memref<16384xf32, #tpu.memory_space<hbm>>
    %dma_wait3A_310 = tpu.memref_slice %arg13[%dma_wait3A_308] : memref<2x!tpu.dma_semaphore, #tpu.memory_space<semaphore_mem>> -> memref<1x!tpu.dma_semaphore, #tpu.memory_space<semaphore_mem>>
    %dma_wait3A_311 = tpu.memref_squeeze %dma_wait3A_310 : memref<1x!tpu.dma_semaphore, #tpu.memory_space<semaphore_mem>> -> memref<!tpu.dma_semaphore, #tpu.memory_space<semaphore_mem>>
    %dma_wait3A_312 = tpu.memref_slice %arg4[%mul3A_284] : memref<1048576xf32, #tpu.memory_space<hbm>> -> memref<16384xf32, #tpu.memory_space<hbm>>
    tpu.wait_dma2 semaphore(%dma_wait3A_311 : memref<!tpu.dma_semaphore, #tpu.memory_space<semaphore_mem>>) src(%arg10 : memref<16384xf32, #tpu.memory_space<vmem>>) dst(%dma_wait3A_312 : memref<16384xf32, #tpu.memory_space<hbm>>)
    %dma_wait3A_313 = arith.constant 1 : i32
    %dma_wait3A_314 = tpu.memref_slice %arg4[%add3A_295] : memref<1048576xf32, #tpu.memory_space<hbm>> -> memref<16384xf32, #tpu.memory_space<hbm>>
    %dma_wait3A_315 = tpu.memref_slice %arg13[%dma_wait3A_313] : memref<2x!tpu.dma_semaphore, #tpu.memory_space<semaphore_mem>> -> memref<1x!tpu.dma_semaphore, #tpu.memory_space<semaphore_mem>>
    %dma_wait3A_316 = tpu.memref_squeeze %dma_wait3A_315 : memref<1x!tpu.dma_semaphore, #tpu.memory_space<semaphore_mem>> -> memref<!tpu.dma_semaphore, #tpu.memory_space<semaphore_mem>>
    %dma_wait3A_317 = tpu.memref_slice %arg4[%add3A_295] : memref<1048576xf32, #tpu.memory_space<hbm>> -> memref<16384xf32, #tpu.memory_space<hbm>>
    tpu.wait_dma2 semaphore(%dma_wait3A_316 : memref<!tpu.dma_semaphore, #tpu.memory_space<semaphore_mem>>) src(%arg11 : memref<16384xf32, #tpu.memory_space<vmem>>) dst(%dma_wait3A_317 : memref<16384xf32, #tpu.memory_space<hbm>>)
    %dma_wait3A_318 = arith.constant 0 : i32
    %dma_wait3A_319 = tpu.memref_slice %arg5[%mul3A_302] : memref<512xf32, #tpu.memory_space<hbm>> -> memref<16xf32, #tpu.memory_space<hbm>>
    %dma_wait3A_320 = tpu.memref_slice %arg13[%dma_wait3A_318] : memref<2x!tpu.dma_semaphore, #tpu.memory_space<semaphore_mem>> -> memref<1x!tpu.dma_semaphore, #tpu.memory_space<semaphore_mem>>
    %dma_wait3A_321 = tpu.memref_squeeze %dma_wait3A_320 : memref<1x!tpu.dma_semaphore, #tpu.memory_space<semaphore_mem>> -> memref<!tpu.dma_semaphore, #tpu.memory_space<semaphore_mem>>
    %dma_wait3A_322 = tpu.memref_slice %arg5[%mul3A_302] : memref<512xf32, #tpu.memory_space<hbm>> -> memref<16xf32, #tpu.memory_space<hbm>>
    tpu.wait_dma2 semaphore(%dma_wait3A_321 : memref<!tpu.dma_semaphore, #tpu.memory_space<semaphore_mem>>) src(%arg12 : memref<16xf32, #tpu.memory_space<vmem>>) dst(%dma_wait3A_322 : memref<16xf32, #tpu.memory_space<hbm>>)
    return
  }
}

module attributes {stable_mosaic.version = 14 : i64} {
  func.func @_tc_reduce_body(%arg0: memref<32x2x128x128xf32, #tpu.memory_space<vmem>>, %arg1: memref<4x128xf32, #tpu.memory_space<vmem>>, %arg2: memref<1x1xf32, #tpu.memory_space<smem>>) attributes {dimension_semantics = [], scalar_prefetch = 0 : i64, scratch_operands = 0 : i64, tpu.core_type = #tpu.core_type<tc>} {
    %get3A = arith.constant 0 : index
    %get3A_0 = arith.constant 0 : index
    %get3A_1 = arith.constant 0 : index
    %get3A_2 = arith.constant 0 : index
    %get3A_3 = vector.load %arg0[%get3A, %get3A_0, %get3A_1, %get3A_2] : memref<32x2x128x128xf32, #tpu.memory_space<vmem>>, vector<32x2x128x128xf32>
    %reduce_sum3A = arith.constant dense<0.000000e+00> : vector<2x128x128xf32>
    %reduce_sum3A_4 = vector.multi_reduction <add>, %get3A_3, %reduce_sum3A [0] : vector<32x2x128x128xf32> to vector<2x128x128xf32>
    %slice3A = vector.extract_strided_slice %reduce_sum3A_4 {offsets = [0, 0, 0], sizes = [1, 64, 128], strides = [1, 1, 1]} : vector<2x128x128xf32> to vector<1x64x128xf32>
    %squeeze3A = vector.shape_cast %slice3A : vector<1x64x128xf32> to vector<64x128xf32>
    %slice3A_5 = vector.extract_strided_slice %reduce_sum3A_4 {offsets = [0, 64, 0], sizes = [1, 64, 128], strides = [1, 1, 1]} : vector<2x128x128xf32> to vector<1x64x128xf32>
    %squeeze3A_6 = vector.shape_cast %slice3A_5 : vector<1x64x128xf32> to vector<64x128xf32>
    %slice3A_7 = vector.extract_strided_slice %reduce_sum3A_4 {offsets = [1, 0, 0], sizes = [1, 64, 128], strides = [1, 1, 1]} : vector<2x128x128xf32> to vector<1x64x128xf32>
    %squeeze3A_8 = vector.shape_cast %slice3A_7 : vector<1x64x128xf32> to vector<64x128xf32>
    %slice3A_9 = vector.extract_strided_slice %reduce_sum3A_4 {offsets = [1, 64, 0], sizes = [1, 64, 128], strides = [1, 1, 1]} : vector<2x128x128xf32> to vector<1x64x128xf32>
    %squeeze3A_10 = vector.shape_cast %slice3A_9 : vector<1x64x128xf32> to vector<64x128xf32>
    %iota3A = tpu.iota {dimensions = array<i32: 0>} : vector<128x128xi32>
    %iota3A_11 = tpu.iota {dimensions = array<i32: 1>} : vector<128x128xi32>
    %shift_right_logical3A = arith.constant 4 : i32
    %shift_right_logical3A_12 = vector.broadcast %shift_right_logical3A : i32 to vector<128x128xi32>
    %shift_right_logical3A_13 = arith.shrui %iota3A, %shift_right_logical3A_12 : vector<128x128xi32>
    %shift_right_logical3A_14 = arith.constant 4 : i32
    %shift_right_logical3A_15 = vector.broadcast %shift_right_logical3A_14 : i32 to vector<128x128xi32>
    %shift_right_logical3A_16 = arith.shrui %iota3A_11, %shift_right_logical3A_15 : vector<128x128xi32>
    %le3A = arith.cmpi sle, %shift_right_logical3A_13, %shift_right_logical3A_16 : vector<128x128xi32>
    %convert_element_type3A = arith.extui %le3A : vector<128x128xi1> to vector<128x128xi32>
    %convert_element_type3A_17 = arith.sitofp %convert_element_type3A : vector<128x128xi32> to vector<128x128xf32>
    %eq3A = arith.cmpi eq, %shift_right_logical3A_13, %shift_right_logical3A_16 : vector<128x128xi32>
    %convert_element_type3A_18 = arith.extui %eq3A : vector<128x128xi1> to vector<128x128xi32>
    %convert_element_type3A_19 = arith.sitofp %convert_element_type3A_18 : vector<128x128xi32> to vector<128x128xf32>
    %broadcast_in_dim3A = arith.constant 1.000000e+00 : f32
    %broadcast_in_dim3A_20 = vector.broadcast %broadcast_in_dim3A : f32 to vector<128x128xf32>
    %slice3A_21 = vector.extract_strided_slice %iota3A {offsets = [0, 0], sizes = [64, 64], strides = [1, 1]} : vector<128x128xi32> to vector<64x64xi32>
    %slice3A_22 = vector.extract_strided_slice %iota3A_11 {offsets = [0, 0], sizes = [64, 64], strides = [1, 1]} : vector<128x128xi32> to vector<64x64xi32>
    %gt3A = arith.cmpi sgt, %slice3A_21, %slice3A_22 : vector<64x64xi32>
    %convert_element_type3A_23 = arith.extui %gt3A : vector<64x64xi1> to vector<64x64xi32>
    %convert_element_type3A_24 = arith.sitofp %convert_element_type3A_23 : vector<64x64xi32> to vector<64x64xf32>
    %reduce_sum3A_25 = vector.shape_cast %squeeze3A : vector<64x128xf32> to vector<1x64x128xf32>
    %reduce_sum3A_26 = arith.constant dense<0.000000e+00> : vector<1xf32>
    %reduce_sum3A_27 = vector.multi_reduction <add>, %reduce_sum3A_25, %reduce_sum3A_26 [1, 2] : vector<1x64x128xf32> to vector<1xf32>
    %reduce_sum3A_28 = vector.shape_cast %reduce_sum3A_27 : vector<1xf32> to vector<1x1x1xf32>
    %reduce_sum3A_29 = vector.extract %reduce_sum3A_28[0, 0, 0] : f32 from vector<1x1x1xf32>
    %reduce_sum3A_30 = vector.shape_cast %squeeze3A_6 : vector<64x128xf32> to vector<1x64x128xf32>
    %reduce_sum3A_31 = arith.constant dense<0.000000e+00> : vector<1xf32>
    %reduce_sum3A_32 = vector.multi_reduction <add>, %reduce_sum3A_30, %reduce_sum3A_31 [1, 2] : vector<1x64x128xf32> to vector<1xf32>
    %reduce_sum3A_33 = vector.shape_cast %reduce_sum3A_32 : vector<1xf32> to vector<1x1x1xf32>
    %reduce_sum3A_34 = vector.extract %reduce_sum3A_33[0, 0, 0] : f32 from vector<1x1x1xf32>
    %dot_general3A = arith.constant dense<0.000000e+00> : vector<64x128xf32>
    %dot_general3A_35 = tpu.matmul %squeeze3A, %convert_element_type3A_17, %dot_general3A {dimension_numbers = #tpu.dot_dimension_numbers<[1], [0], [0], [1], [0, 0, 1, 1], [], []>, precision = #tpu.contract_precision<fp32>, transpose_lhs_hint = false} : vector<64x128xf32>, vector<128x128xf32>, vector<64x128xf32> -> vector<64x128xf32>
    %dot_general3A_36 = arith.constant dense<0.000000e+00> : vector<64x128xf32>
    %dot_general3A_37 = tpu.matmul %squeeze3A, %broadcast_in_dim3A_20, %dot_general3A_36 {dimension_numbers = #tpu.dot_dimension_numbers<[1], [0], [0], [1], [0, 0, 1, 1], [], []>, precision = #tpu.contract_precision<fp32>, transpose_lhs_hint = false} : vector<64x128xf32>, vector<128x128xf32>, vector<64x128xf32> -> vector<64x128xf32>
    %dot_general3A_38 = arith.constant dense<0.000000e+00> : vector<64x128xf32>
    %dot_general3A_39 = tpu.matmul %convert_element_type3A_24, %dot_general3A_37, %dot_general3A_38 {dimension_numbers = #tpu.dot_dimension_numbers<[1], [0], [0], [1], [0, 0, 1, 1], [], []>, precision = #tpu.contract_precision<fp32>, transpose_lhs_hint = false} : vector<64x64xf32>, vector<64x128xf32>, vector<64x128xf32> -> vector<64x128xf32>
    %add3A = arith.addf %dot_general3A_35, %dot_general3A_39 : vector<64x128xf32>
    %sub3A = vector.broadcast %reduce_sum3A_29 : f32 to vector<64x128xf32>
    %sub3A_40 = arith.subf %sub3A, %add3A : vector<64x128xf32>
    %dot_general3A_41 = arith.constant dense<0.000000e+00> : vector<64x128xf32>
    %dot_general3A_42 = tpu.matmul %squeeze3A_6, %convert_element_type3A_17, %dot_general3A_41 {dimension_numbers = #tpu.dot_dimension_numbers<[1], [0], [0], [1], [0, 0, 1, 1], [], []>, precision = #tpu.contract_precision<fp32>, transpose_lhs_hint = false} : vector<64x128xf32>, vector<128x128xf32>, vector<64x128xf32> -> vector<64x128xf32>
    %dot_general3A_43 = arith.constant dense<0.000000e+00> : vector<64x128xf32>
    %dot_general3A_44 = tpu.matmul %squeeze3A_6, %broadcast_in_dim3A_20, %dot_general3A_43 {dimension_numbers = #tpu.dot_dimension_numbers<[1], [0], [0], [1], [0, 0, 1, 1], [], []>, precision = #tpu.contract_precision<fp32>, transpose_lhs_hint = false} : vector<64x128xf32>, vector<128x128xf32>, vector<64x128xf32> -> vector<64x128xf32>
    %dot_general3A_45 = arith.constant dense<0.000000e+00> : vector<64x128xf32>
    %dot_general3A_46 = tpu.matmul %convert_element_type3A_24, %dot_general3A_44, %dot_general3A_45 {dimension_numbers = #tpu.dot_dimension_numbers<[1], [0], [0], [1], [0, 0, 1, 1], [], []>, precision = #tpu.contract_precision<fp32>, transpose_lhs_hint = false} : vector<64x64xf32>, vector<64x128xf32>, vector<64x128xf32> -> vector<64x128xf32>
    %add3A_47 = arith.addf %dot_general3A_42, %dot_general3A_46 : vector<64x128xf32>
    %sub3A_48 = vector.broadcast %reduce_sum3A_34 : f32 to vector<64x128xf32>
    %sub3A_49 = arith.subf %sub3A_48, %add3A_47 : vector<64x128xf32>
    %dot_general3A_50 = arith.constant dense<0.000000e+00> : vector<64x128xf32>
    %dot_general3A_51 = tpu.matmul %squeeze3A_6, %convert_element_type3A_19, %dot_general3A_50 {dimension_numbers = #tpu.dot_dimension_numbers<[1], [0], [0], [1], [0, 0, 1, 1], [], []>, precision = #tpu.contract_precision<fp32>, transpose_lhs_hint = false} : vector<64x128xf32>, vector<128x128xf32>, vector<64x128xf32> -> vector<64x128xf32>
    %add3A_52 = arith.addf %sub3A_49, %dot_general3A_51 : vector<64x128xf32>
    %dot_general3A_53 = arith.constant dense<0.000000e+00> : vector<64x128xf32>
    %dot_general3A_54 = tpu.matmul %squeeze3A, %convert_element_type3A_19, %dot_general3A_53 {dimension_numbers = #tpu.dot_dimension_numbers<[1], [0], [0], [1], [0, 0, 1, 1], [], []>, precision = #tpu.contract_precision<fp32>, transpose_lhs_hint = false} : vector<64x128xf32>, vector<128x128xf32>, vector<64x128xf32> -> vector<64x128xf32>
    %get3A_55 = arith.constant 0 : index
    %get3A_56 = arith.constant 0 : index
    %get3A_57 = vector.load %arg1[%get3A_55, %get3A_56] : memref<4x128xf32, #tpu.memory_space<vmem>>, vector<4x128xf32>
    %reduce_max3A = vector.shape_cast %get3A_57 : vector<4x128xf32> to vector<1x4x128xf32>
    %reduce_max3A_58 = arith.constant dense<0xFF800000> : vector<1xf32>
    %reduce_max3A_59 = vector.multi_reduction <maximumf>, %reduce_max3A, %reduce_max3A_58 [1, 2] : vector<1x4x128xf32> to vector<1xf32>
    %reduce_max3A_60 = vector.shape_cast %reduce_max3A_59 : vector<1xf32> to vector<1x1x1xf32>
    %reduce_max3A_61 = vector.extract %reduce_max3A_60[0, 0, 0] : f32 from vector<1x1x1xf32>
    %add3A_62 = vector.broadcast %reduce_sum3A_34 : f32 to vector<64x128xf32>
    %add3A_63 = arith.addf %add3A_62, %sub3A_40 : vector<64x128xf32>
    %div3A = arith.divf %squeeze3A_10, %add3A_63 : vector<64x128xf32>
    %reduce_sum3A_64 = vector.shape_cast %div3A : vector<64x128xf32> to vector<1x64x128xf32>
    %reduce_sum3A_65 = arith.constant dense<0.000000e+00> : vector<1xf32>
    %reduce_sum3A_66 = vector.multi_reduction <add>, %reduce_sum3A_64, %reduce_sum3A_65 [1, 2] : vector<1x64x128xf32> to vector<1xf32>
    %reduce_sum3A_67 = vector.shape_cast %reduce_sum3A_66 : vector<1xf32> to vector<1x1x1xf32>
    %reduce_sum3A_68 = vector.extract %reduce_sum3A_67[0, 0, 0] : f32 from vector<1x1x1xf32>
    %add3A_69 = vector.broadcast %reduce_sum3A_34 : f32 to vector<64x128xf32>
    %add3A_70 = arith.addf %add3A_69, %sub3A_40 : vector<64x128xf32>
    %add3A_71 = vector.broadcast %reduce_sum3A_34 : f32 to vector<64x128xf32>
    %add3A_72 = arith.addf %add3A_71, %sub3A_40 : vector<64x128xf32>
    %add3A_73 = arith.addf %add3A_72, %dot_general3A_54 : vector<64x128xf32>
    %mul3A = arith.mulf %add3A_70, %add3A_73 : vector<64x128xf32>
    %gt3A_74 = arith.constant 0.000000e+00 : f32
    %gt3A_75 = vector.broadcast %gt3A_74 : f32 to vector<64x128xf32>
    %gt3A_76 = arith.cmpf ogt, %dot_general3A_54, %gt3A_75 : vector<64x128xf32>
    %sub3A_77 = vector.broadcast %reduce_sum3A_34 : f32 to vector<64x128xf32>
    %sub3A_78 = arith.subf %sub3A_77, %add3A_52 : vector<64x128xf32>
    %mul3A_79 = arith.mulf %squeeze3A_8, %sub3A_78 : vector<64x128xf32>
    %div3A_80 = arith.divf %mul3A_79, %mul3A : vector<64x128xf32>
    %jit3A = arith.constant 0.000000e+00 : f32
    %broadcast_in_dim3A_81 = vector.broadcast %jit3A : f32 to vector<64x128xf32>
    %select_n3A = arith.select %gt3A_76, %div3A_80, %broadcast_in_dim3A_81 : vector<64x128xi1>, vector<64x128xf32>
    %reduce_sum3A_82 = vector.shape_cast %select_n3A : vector<64x128xf32> to vector<1x64x128xf32>
    %reduce_sum3A_83 = arith.constant dense<0.000000e+00> : vector<1xf32>
    %reduce_sum3A_84 = vector.multi_reduction <add>, %reduce_sum3A_82, %reduce_sum3A_83 [1, 2] : vector<1x64x128xf32> to vector<1xf32>
    %reduce_sum3A_85 = vector.shape_cast %reduce_sum3A_84 : vector<1xf32> to vector<1x1x1xf32>
    %reduce_sum3A_86 = vector.extract %reduce_sum3A_85[0, 0, 0] : f32 from vector<1x1x1xf32>
    %add3A_87 = arith.addf %reduce_sum3A_68, %reduce_sum3A_86 : f32
    %mul3A_88 = arith.constant 0.001953125 : f32
    %mul3A_89 = arith.mulf %add3A_87, %mul3A_88 : f32
    %gt3A_90 = arith.constant 0.000000e+00 : f32
    %gt3A_91 = arith.cmpf ogt, %reduce_sum3A_34, %gt3A_90 : f32
    %max3A = arith.constant 0.000000e+00 : f32
    %max3A_92 = arith.maximumf %reduce_max3A_61, %max3A : f32
    %mul3A_93 = arith.constant 0.001953125 : f32
    %mul3A_94 = arith.mulf %max3A_92, %mul3A_93 : f32
    %select_n3A_95 = arith.select %gt3A_91, %mul3A_89, %mul3A_94 : f32
    %swap3A = arith.constant 0 : index
    %swap3A_96 = arith.constant 0 : index
    %swap3A_97 = memref.load %arg2[%swap3A, %swap3A_96] : memref<1x1xf32, #tpu.memory_space<smem>>
    memref.store %select_n3A_95, %arg2[%swap3A, %swap3A_96] : memref<1x1xf32, #tpu.memory_space<smem>>
    return
  }
}

</mosaic_0001>

<sc_bundles>
// kernel: kernel.4.cloned.1.call-start
scs
__scs_entry_jumppad:
0x0: {  	(pc) =	sbr.rel $0x88, $3  }
0x1: {  	(tag) =	ssettag $0x0;
	lr =	simm.s32 $0x1  }
0x2: {  	[smem:$0x3F9F] =	sst lr;
	_ =	strace $0xD0000000  }
0x3: {  	_ = 	snop  }
0x4: {  	_ = 	snop  }
0x5: {  	_ = 	snop  }
0x6: {  	_ = 	snop  }
0x7: {  	_ = 	snop  }
__scs_overlays_trampoline_lowered:
0x8: {  	[smem:$0x3FAE] =	sst s0  }
0x9: {  	[smem:$0x3FAF] =	sst s1  }
0xa: {  	[smem:$0x3FB0] =	sst s2  }
0xb: {  	[smem:$0x3FB1] =	sst s3  }
0xc: {  	[smem:$0x3FB2] =	sst s4  }
0xd: {  	[smem:$0x3FB3] =	sst s5  }
0xe: {  	[smem:$0x3FB4] =	sst s6  }
0xf: {  	[smem:$0x3FB5] =	sst s7  }
0x10: {  	[smem:$0x3FB6] =	sst s8  }
0x11: {  	[smem:$0x3FB7] =	sst s9;
	s0 =	simm.s32 @!p0 $0x0  }
0x12: {  	s1 =	sld [smem:$0x3F9D];
	s0 =	simm.s32 @p0 $0x1  }
0x13: {  	[smem:$0x3FB8] =	sst s0;
	s0 =	simm.s32 @!p1 $0x0  }
0x14: {  	s2 =	sld [smem:$0x3F9C];
	s0 =	simm.s32 @p1 $0x1  }
0x15: {  	[smem:$0x3FB9] =	sst s0;
	s0 =	simm.s32 @!p2 $0x0  }
0x16: {  	s3 =	sld [smem:$0x3FDB];
	s0 =	simm.s32 @p2 $0x1  }
0x17: {  	s4 =	simm.s32 $0x1BF5;
	[smem:$0x3FBB] =	sst s0  }
0x18: {  	s0 =	sld [smem:$0x3F9E];
	_ =	swait.ge [sflag:s4], $0x0  }
0x19: {  	s7 =	sld [smem:$0x3F9F]  }
0x1a: {  	s8 =	sadd.s32 $0xFFFFE003, lr  }
0x1b: {  	s9 =	sadd.s32 $0xFFFFFEF7, lr;
	s5 =	simm.s32 $0xFFFFFFFF;
	p2 =	slt.u32 s8, $0xFFFFF086  }
0x1c: {  	p1 =	slt.u32 s9, $0xF7A;
	s5 =	simm.s32 @!p2 $0x0  }
0x1d: {  	s5 =	simm.s32 @p1 $0x1;
	p0 =	seq.s32 s7, s2  }
0x1e: {  	s7 =	smul.u32 @!p0 $0xF7A, s2;
	p2 =	seq.s32 @!p0 s5, $0x0  }
0x1f: {  	s9 =	smul.u32 $0xF7A, s1;
	s8 =	simm.s32 @!p0 $0x1BF5;
	p2 =	por !p2, p0  }
0x20: {  	[sflag:s8] =	ssyncset.s32 @!p0 $0xFFFFF086;
	s6 =	sadd.s32 @!p0 s3, s7;
	s7 =	simm.s32 @!p0 $0x108  }
0x21: {  	s3 =	sadd.s32 s3, s9;
	s6 =	sadd.s32 @!p0 $0x88, s6;
	s7 =	simm.s32 @p2 $0x1082  }
0x22: {  	[simem:s7], [sflag:s8] =	dma.local @!p0 [hbm:s6], $0xF7A  }
0x23: {  	s9 =	sor.u32 $0xD0000000, s2;
	s6 =	simm.s32 $0x108;
	_ =	swait.ge @!p0 [sflag:s8], $0x0  }
0x24: {  	s3 =	sadd.s32 $0x88, s3;
	s6 =	simm.s32 @!p1 $0x1082;
	[sflag:s4] =	ssyncset.s32 $0xFFFFF086  }
0x25: {  	[simem:s6], [sflag:s4] =	dma.local [hbm:s3], $0xF7A  }
0x26: {  	[smem:$0x3F9F] =	sst s1;
	(tag) =	ssettag s2;
	_ =	strace s9  }
0x27: {  	s1 =	sld [smem:$0x3FAF]  }
0x28: {  	s2 =	sld [smem:$0x3FB0]  }
0x29: {  	s4 =	sld [smem:$0x3FB2]  }
0x2a: {  	p0 =	seq.s32 s5, $0x0;
	s5 =	sld [smem:$0x3FB3]  }
0x2b: {  	s6 =	sld [smem:$0x3FB4]  }
0x2c: {  	s7 =	sld [smem:$0x3FB5]  }
0x2d: {  	s3 =	simm.s32 $0x108;
	s8 =	sld [smem:$0x3FB6]  }
0x2e: {  	s3 =	simm.s32 @!p0 $0x1082;
	s9 =	sld [smem:$0x3FB7]  }
0x2f: {  	lr =	sadd.s32 s0, s3;
	s0 =	sld [smem:$0x3FAE]  }
0x30: {  	s3 =	sld [smem:$0x3FB1]  }
0x31: {  	[smem:$0x3FBA] =	sst s10  }
0x32: {  	s10 =	sld [smem:$0x3FB8];
	_ =	sdelay $0x3  }
0x33: {  	p0 =	seq.s32 s10, $0x1;
	s10 =	sld [smem:$0x3FBA];
	_ =	sdelay $0x3  }
0x34: {  	[smem:$0x3FBA] =	sst s10  }
0x35: {  	s10 =	sld [smem:$0x3FB9];
	_ =	sdelay $0x3  }
0x36: {  	p1 =	seq.s32 s10, $0x1;
	s10 =	sld [smem:$0x3FBA];
	_ =	sdelay $0x3  }
0x37: {  	[smem:$0x3FBA] =	sst s10  }
0x38: {  	s10 =	sld [smem:$0x3FBB]  }
0x39: {  	_ = 	snop;
	(pc) =	sbr.ind lr, $3  }
0x3a: {  	_ = 	snop  }
0x3b: {  	_ = 	snop  }
0x3c: {  	p2 =	seq.s32 s10, $0x1;
	s10 =	sld [smem:$0x3FBA]  }
0x3d: {  	_ =	shalt  }
0x3e: {  	_ =	shalt  }
0x3f: {  	_ =	shalt  }
0x40: {  	_ =	shalt  }
0x41: {  	_ =	shalt  }
0x42: {  	_ =	shalt  }
0x43: {  	_ =	shalt  }
0x44: {  	_ =	shalt  }
0x45: {  	_ =	shalt  }
0x46: {  	_ =	shalt  }
0x47: {  	_ =	shalt  }
0x48: {  	_ =	shalt  }
0x49: {  	_ =	shalt  }
0x4a: {  	_ =	shalt  }
0x4b: {  	_ =	shalt  }
0x4c: {  	_ =	shalt  }
0x4d: {  	_ =	shalt  }
0x4e: {  	_ =	shalt  }
0x4f: {  	_ =	shalt  }
0x50: {  	_ =	shalt  }
0x51: {  	_ =	shalt  }
0x52: {  	_ =	shalt  }
0x53: {  	_ =	shalt  }
0x54: {  	_ =	shalt  }
0x55: {  	_ =	shalt  }
0x56: {  	_ =	shalt  }
0x57: {  	_ =	shalt  }
0x58: {  	_ =	shalt  }
0x59: {  	_ =	shalt  }
0x5a: {  	_ =	shalt  }
0x5b: {  	_ =	shalt  }
0x5c: {  	_ =	shalt  }
0x5d: {  	_ =	shalt  }
0x5e: {  	_ =	shalt  }
0x5f: {  	_ =	shalt  }
0x60: {  	_ =	shalt  }
0x61: {  	_ =	shalt  }
0x62: {  	_ =	shalt  }
0x63: {  	_ =	shalt  }
0x64: {  	_ =	shalt  }
0x65: {  	_ =	shalt  }
0x66: {  	_ =	shalt  }
0x67: {  	_ =	shalt  }
0x68: {  	_ =	shalt  }
0x69: {  	_ =	shalt  }
0x6a: {  	_ =	shalt  }
0x6b: {  	_ =	shalt  }
0x6c: {  	_ =	shalt  }
0x6d: {  	_ =	shalt  }
0x6e: {  	_ =	shalt  }
0x6f: {  	_ =	shalt  }
0x70: {  	_ =	shalt  }
0x71: {  	_ =	shalt  }
0x72: {  	_ =	shalt  }
0x73: {  	_ =	shalt  }
0x74: {  	_ =	shalt  }
0x75: {  	_ =	shalt  }
0x76: {  	_ =	shalt  }
0x77: {  	_ =	shalt  }
0x78: {  	_ =	shalt  }
0x79: {  	_ =	shalt  }
0x7a: {  	_ =	shalt  }
0x7b: {  	_ =	shalt  }
0x7c: {  	_ =	shalt  }
0x7d: {  	_ =	shalt  }
0x7e: {  	_ =	shalt  }
0x7f: {  	_ =	shalt  }
0x80: {  	_ =	shalt  }
0x81: {  	_ =	shalt  }
0x82: {  	_ =	shalt  }
0x83: {  	_ =	shalt  }
0x84: {  	_ =	shalt  }
0x85: {  	_ =	shalt  }
0x86: {  	_ =	shalt  }
0x87: {  	_ =	shalt  }
.Lfunc_end0:
.L_simem_size_0:
called_computation_lowered:
.L_overlay_start_0:
0x88: {  	s2 =	sld [smem:$0x3FD9]  }
0x89: {  	s3 =	sld [smem:$0x3FFE];
	_ =	sdelay $0x1  }
0x8a: {  	s1 =	srdreg.scid  }
0x8b: {  	s0 =	sand.u32 $0x1, s1  }
0x8c: {  	s17 =	sshll.u32 s0, $0xA;
	s2 =	sadd.s32 s3, s2  }
0x8d: {  	s2 =	sadd.s32 s2, s17  }
0x8e: {  	[smem:$0x3FC6] =	sst s2  }
0x8f: {  	_ = 	snop  }
0x90: {  	s2 =	sld [smem:$0x3FC9]  }
0x91: {  	s18 =	sld [smem:$0x3FC8];
	(tm) =	ssettm $0x1  }
0x92: {  	s4 =	sld [smem:$0x3FFB];
	_ =	sdelay $0x3  }
0x93: {  	_ =	strace s4  }
0x94: {  	s4 =	sld [smem:$0x3FFC];
	_ =	sdelay $0x3  }
0x95: {  	_ =	strace s4  }
0x96: {  	s4 =	sld [smem:$0x3FFD];
	_ =	sdelay $0x3  }
0x97: {  	_ =	strace s4  }
0x98: {  	_ =	strace $0x8FFFFFFF  }
0x99: {  	s19 =	sld [smem:$0x3FDB];
	_ =	sdelay $0x1  }
0x9a: {  	s5 =	simm.s32 $_scs_section_size  }
0x9b: {  	s6 =	simm.s32 $_size__tile_overlayer_lowered;
	s7 =	simm.s32 $_tile_overlayer_lowered  }
0x9c: {  	s22 =	simm.s32 $0x1BFF;
	s21 =	sshll.u32 s7, $0x1;
	s4 =	sadd.s32 s5, s19  }
0x9d: {  	s8 =	simm.s32 $0x0;
	s20 =	sshll.u32 s6, $0x1;
	s6 =	sadd.s32 s21, s4  }
0x9e: {  	[timem:s8], [sflag:s22] =	dma.local [hbm:s6], s20  }
0x9f: {  	_ =	swait.ge [sflag:s22], s20  }
0xa0: {  	s5 =	ssub.s32 $0x0, s20;
	[sflag:s22] =	ssyncset.done $0x0  }
0xa1: {  	[sflag:s22] =	ssyncadd.s32 s5;
	_ =	sdelay $0x1  }
0xa2: {  	s23 =	simm.s32 $0x1B8B  }
0xa3: {  	_ =	swait.ge [sflag:s23], $0x1  }
0xa4: {  	[sflag:s23] =	ssyncset.done $0x0  }
0xa5: {  	s25 =	simm.s32 $0x1B8E;
	s24 =	sld [smem:$0x3FFE];
	[sflag:s23] =	ssyncadd.s32 $0xFFFFFFFF  }
0xa6: {  	s26 =	simm.s32 $execute0_lowered;
	[smem:$0x3FD2] =	sst s25  }
0xa7: {  	s6 =	sshll.u32 s26, $0x1;
	_ =	strace $0x80000046;
	[dreg:$0x1] =	wrdreg $0xFFFFFFFF  }
0xa8: {  	s28 =	simm.s32 $_size_execute0_lowered;
	s4 =	sadd.s32 s4, s6;
	[dreg:$0x0] =	wrdreg $0x0  }
0xa9: {  	s6 =	sshll.u32 s28, $0x1;
	[dreg:$0x2] =	wrdreg s4  }
0xaa: {  	[dreg:$0x3] =	wrdreg s6  }
0xab: {  	[dreg:$0x4] =	wrdreg $0xC0  }
0xac: {  	_ =	task [dreg:s8], $0x5FFFF  }
0xad: {  	[dreg:$0x1] =	wrdreg $0xFFFFFFFF  }
0xae: {  	[dreg:$0x0] =	wrdreg $0x60  }
0xaf: {  	[dreg:$0x2] =	wrdreg s2  }
0xb0: {  	[dreg:$0x3] =	wrdreg s18  }
0xb1: {  	[dreg:$0x4] =	wrdreg s24  }
0xb2: {  	[dreg:$0x5] =	wrdreg $0x9  }
0xb3: {  	_ =	task.clear_ibuf [dreg:s8], $0x6FFFF;
	_ =	strace $0x90000046  }
0xb4: {  	s29 =	simm.s32 $0x9;
	_ =	strace $0x80000048  }
0xb5: {  	_ =	swait.ge [sflag:s29], $0x1  }
0xb6: {  	[sflag:s29] =	ssyncadd.s32 $0xFFFFFFFF  }
0xb7: {  	_ =	strace $0x90000048  }
0xb8: {  	_ =	sfence  }
0xb9: {  	s30 =	sld [smem:$0x0];
	_ =	sdelay $0x2  }
0xba: {  	s31 =	sshll.u32 s1, $0xD;
	s1 =	sshrl.u32 s1, $0x2  }
0xbb: {  	s3 =	sand.u32 $0x4000, s31;
	s1 =	sadd.s32 s1, s30  }
0xbc: {  	s0 =	sor.u32 s3, s0;
	s1 =	sshll.u32 s1, $0x11  }
0xbd: {  	s0 =	sor.u32 s1, s0  }
0xbe: {  	s0 =	sadd.s32 $0x8F2B, s0  }
0xbf: {  	[sflag:s0] =	ssyncadd.remote.s32 $0x1  }
0xc0: {  	_ =	sfence.sel $0xFFFF  }
0xc1: {  	[dreg:$0x0] =	wrdreg $0xFFFFFFFF;
	(pc) =	sbr.abs _section_cstart, $3  }
0xc2: {  	[dreg:$0x1] =	wrdreg $0xFFFFFFFF  }
0xc3: {  	_ =	task.clear_ibuf [dreg:s8], $0x2FFFF;
	_ =	strace $0x9FFFFFFF  }
0xc4: {  	(tm) =	ssettm $0x7FFFFFFF  }
0xc5: {  	_ =	shalt  }
tec
execute0_lowered:
.L_overlay_start_1:
0x0: {  	(tag) =	ssettag $0x1  }
0x1: {  	s0 =	rddreg [dreg:$0x0]  }
0x2: {  	s1 =	rddreg [dreg:$0x1]  }
0x3: {  	s3 =	rddreg [dreg:$0x2];
	s4 =	srdreg.scid  }
0x4: {  	s5 =	stileid.u32;
	s2 =	simm.s32 $0x0;
	s28 =	simm.s32 $0x10000  }
0x5: {  	s29 =	simm.s32 $0x14000;
	s4 =	sand.u32 $0x1, s4;
	s5 =	sshll.u32 s5, $0x1  }
0x6: {  	s30 =	simm.s32 $0x2;
	[smem:$0x7FF] =	sst s2;
	s5 =	sor.u32 s4, s5  }
0x7: {  	_ =	strace $0x80000047;
	s4 =	ssub.s32 $0x2, s4;
	s6 =	sshll.u32 s5, $0xC  }
0x8: {  	s23 =	sshll.u32 s5, $0x1;
	s7 =	sshrl.u32 s4, $0x1;
	s5 =	sshll.u32 s5, $0xE  }
0x9: {  	s20 =	sadd.s32 s6, s3;
	s3 =	sadd.s32 s23, s3;
	s4 =	ssub.s32 s4, s7  }
0xa: {  	s24 =	sadd.s32 s0, s5;
	s25 =	sadd.s32 s1, s5;
	s26 =	sor.u32 $0x800, s5  }
0xb: {  	s8 =	sor.u32 $0x1000, s5;
	s10 =	sor.u32 $0x1800, s5;
	s12 =	sor.u32 $0x2000, s5  }
0xc: {  	s14 =	sor.u32 $0x2800, s5;
	s16 =	sor.u32 $0x3000, s5;
	[dreg:$0x4] =	wrdreg s24  }
0xd: {  	s5 =	sor.u32 $0x3800, s5;
	s23 =	simm.s32 $0x8000;
	[dreg:$0x5] =	wrdreg s25  }
0xe: {  	s31 =	sadd.s32 s0, s26;
	s6 =	sadd.s32 s1, s26;
	s7 =	sadd.s32 s0, s8  }
0xf: {  	s8 =	sadd.s32 s1, s8;
	s9 =	sadd.s32 s0, s10;
	s10 =	sadd.s32 s1, s10  }
0x10: {  	s11 =	sadd.s32 s0, s12;
	s12 =	sadd.s32 s1, s12;
	s13 =	sadd.s32 s0, s14  }
0x11: {  	s14 =	sadd.s32 s1, s14;
	s15 =	sadd.s32 s0, s16;
	s16 =	sadd.s32 s1, s16  }
0x12: {  	s17 =	sadd.s32 s0, s5;
	s18 =	sadd.s32 s1, s5;
	s19 =	sadd.s32 $0xC00, s20  }
0x13: {  	s20 =	sadd.s32 $0x1400, s20;
	s21 =	sadd.s32 $0x20C00, s3;
	s22 =	smax.u32 s4, $0x1  }
0x14: {  	s24 =	simm.s32 $0x4000;
	s25 =	simm.s32 $0xC000;
	[dreg:$0x6] =	wrdreg s31  }
0x15: {  	v0 =	vimm.f32 $0.0e+00;
	v1 =	vlaneseq.u32;
	v2 =	vimm.f32 $1.000000000e+00;
	s26 =	simm.s32 $0x1;
	s0 =	simm.s32 $0x0;
	[dreg:$0x7] =	wrdreg s6  }
.LBB2_1:
0x16: {  	s1 =	rddreg [dreg:$0x4]  }
0x17: {  	[tilespmem:s2], [sflag:$0x1] =	stream.linear.gather [hbm4b:s1+s2], $0x4000, $0x38;
	[tilespmem:$0x18080] =	vst v63  }
0x18: {  	s5 =	rddreg [dreg:$0x5]  }
0x19: {  	[tilespmem:s23], [sflag:$0x1] =	stream.linear.gather [hbm4b:s5+s2], $0x4000, $0x38;
	[tilespmem:$0x18080] =	vst v63  }
0x1a: {  	s6 =	rddreg [dreg:$0x6]  }
0x1b: {  	[tilespmem:s24], [sflag:$0x2] =	stream.linear.gather [hbm4b:s6+s2], $0x4000, $0x38;
	[tilespmem:$0x18080] =	vst v63  }
0x1c: {  	s31 =	rddreg [dreg:$0x7];
	s1 =	simm.s32 $0x10040  }
0x1d: {  	[tilespmem:s25], [sflag:$0x2] =	stream.linear.gather [hbm4b:s31+s2], $0x4000, $0x38;
	[tilespmem:$0x18080] =	vst v63  }
0x1e: {  	[tilespmem:s1+$0x30] =	vst v0  }
0x1f: {  	[tilespmem:s1+$0xFFFFFFF0] =	vst v0  }
0x20: {  	[tilespmem:s1+$0xFFFFFFC0] =	vst v0  }
0x21: {  	[tilespmem:s1+$0xFFFFFFE0] =	vst v0  }
0x22: {  	[tilespmem:s1+$0x10] =	vst v0  }
0x23: {  	[tilespmem:s1+$0x20] =	vst v0  }
0x24: {  	[tilespmem:s1+$0x0] =	vst v0  }
0x25: {  	s3 =	simm.s32 $0x14040;
	[tilespmem:s1+$0xFFFFFFD0] =	vst v0  }
0x26: {  	[tilespmem:s3+$0xFFFFFFC0] =	vst v0  }
0x27: {  	[tilespmem:s3+$0x30] =	vst v0  }
0x28: {  	[tilespmem:s3+$0x20] =	vst v0  }
0x29: {  	[tilespmem:s3+$0x10] =	vst v0  }
0x2a: {  	[tilespmem:s3+$0xFFFFFFE0] =	vst v0  }
0x2b: {  	[tilespmem:s3+$0x0] =	vst v0  }
0x2c: {  	s4 =	simm.s32 $0x0;
	[tilespmem:s3+$0xFFFFFFF0] =	vst v0  }
.LBB2_2:
0x2d: {  	s4 =	sadd.s32 $0x8, s4;
	[tilespmem:s3+$0xFFFFFFD0] =	vst v0;
	s1 =	sadd.s32 $0x80, s1;
	s3 =	sadd.s32 $0x80, s3  }
0x2e: {  	[tilespmem:s1+$0x30] =	vst v0;
	p0 =	slt.u32 s4, $0x3F8  }
0x2f: {  	[tilespmem:s1+$0xFFFFFFF0] =	vst v0  }
0x30: {  	[tilespmem:s1+$0xFFFFFFC0] =	vst v0  }
0x31: {  	[tilespmem:s3+$0xFFFFFFC0] =	vst v0  }
0x32: {  	[tilespmem:s3+$0x30] =	vst v0  }
0x33: {  	[tilespmem:s1+$0xFFFFFFE0] =	vst v0  }
0x34: {  	[tilespmem:s1+$0x10] =	vst v0  }
0x35: {  	[tilespmem:s1+$0x20] =	vst v0  }
0x36: {  	[tilespmem:s3+$0x20] =	vst v0  }
0x37: {  	[tilespmem:s3+$0x10] =	vst v0  }
.Ltmp0:
0x38: {  	[tilespmem:s3+$0xFFFFFFE0] =	vst v0;
	(pc) =	sbr.rel @p0 .LBB2_2-.Ltmp0, $4  }
0x39: {  	[tilespmem:s1+$0x0] =	vst v0  }
0x3a: {  	[tilespmem:s3+$0x0] =	vst v0  }
0x3b: {  	[tilespmem:s3+$0xFFFFFFF0] =	vst v0  }
0x3c: {  	[tilespmem:s1+$0xFFFFFFD0] =	vst v0  }
0x3d: {  	[tilespmem:s3+$0xFFFFFFD0] =	vst v0  }
0x3e: {  	_ =	swait.ge [sflag:s26], $0x4000  }
0x3f: {  	[sflag:s26] =	ssyncset.done $0x0  }
0x40: {  	s1 =	simm.s32 $0x0;
	[sflag:s26] =	ssyncadd.s32 $0xFFFFC000  }
0x41: {  	s5 =	sand.u32 $0x3000, s1;
	s4 =	sand.u32 $0xC00, s1;
	_ =	swait.ge [sflag:s26], $0x4000  }
0x42: {  	s1 =	sand.u32 $0x380, s1;
	s3 =	sor.u32 s4, s5;
	[sflag:s26] =	ssyncset.done $0x0  }
0x43: {  	s1 =	sor.u32 s1, s3;
	[sflag:s26] =	ssyncadd.s32 $0xFFFFC000  }
0x44: {  	v3 =	vld [tilespmem:s1+$0x0]  }
0x45: {  	v4 =	vld [tilespmem:s1+$0x10]  }
0x46: {  	v5 =	vld [tilespmem:s1+$0x20]  }
0x47: {  	v6 =	vld [tilespmem:s1+$0x30]  }
0x48: {  	v7 =	vld [tilespmem:s1+$0x40]  }
0x49: {  	v9 =	vld [tilespmem:s1+$0x8000]  }
0x4a: {  	v10 =	vld [tilespmem:s1+$0x8010]  }
0x4b: {  	v11 =	vld [tilespmem:s1+$0x8020]  }
0x4c: {  	v12 =	vld [tilespmem:s1+$0x8030]  }
0x4d: {  	v13 =	vld [tilespmem:s1+$0x8040]  }
0x4e: {  	v14 =	vld [tilespmem:s1+$0x8050]  }
0x4f: {  	v15 =	vld [tilespmem:s1+$0x8060]  }
0x50: {  	v16 =	vimm.f32 $0.0e+00;
	v8 =	vld [tilespmem:s1+$0x50]  }
0x51: {  	v18 =	vld [tilespmem:s1+$0x60];
	v3 =	vmul.f32 $5.120000000e+02, v3;
	v9 =	vadd.f32 v9, v9;
	v4 =	vmul.f32 $5.120000000e+02, v4  }
0x52: {  	v10 =	vadd.f32 v10, v10;
	v5 =	vmul.f32 $5.120000000e+02, v5;
	v19 =	vadd.f32 v11, v11  }
0x53: {  	s6 =	simm.s32 $0x400;
	s4 =	simm.s32 $0x80;
	v17 =	vld [tilespmem:s1+$0x8070];
	v6 =	vmul.f32 $5.120000000e+02, v6;
	v20 =	vadd.f32 v12, v12;
	v13 =	vadd.f32 v13, v13  }
0x54: {  	s5 =	sand.u32 $0xC00, s6;
	s3 =	sand.u32 $0x3000, s4;
	v11 =	vld [tilespmem:s1+$0x70];
	v7 =	vmul.f32 $5.120000000e+02, v7;
	v14 =	vadd.f32 v14, v14;
	v15 =	vadd.f32 v15, v15;
	s1 =	simm.s32 $0x20  }
0x55: {  	s3 =	sor.u32 s5, s3;
	v8 =	vmul.f32 $5.120000000e+02, v8;
	s6 =	sand.u32 $0x380, s1;
	v12 =	vadd.f32 $-1.000000000e+00, v9;
	v21 =	vadd.f32 $-1.000000000e+00, v10  }
0x56: {  	v18 =	vmul.f32 $5.120000000e+02, v18;
	v22 =	vadd.f32 $-1.000000000e+00, v19;
	v23 =	vadd.f32 $-1.000000000e+00, v20;
	s3 =	sor.u32 s6, s3  }
0x57: {  	v24 =	vadd.f32 $-1.000000000e+00, v13;
	v9 =	vmul.f32 $4.096000000e+03, v9;
	v10 =	vmul.f32 $4.096000000e+03, v10;
	v28 =	vld [tilespmem:s3+$0x20]  }
0x58: {  	v25 =	vadd.f32 $-1.000000000e+00, v15;
	v13 =	vmul.f32 $4.096000000e+03, v13;
	v15 =	vmul.f32 $4.096000000e+03, v15;
	v29 =	vld [tilespmem:s3+$0x30]  }
0x59: {  	v17 =	vadd.f32 v17, v17;
	v30 =	vld [tilespmem:s3+$0x50];
	v3 =	vmul.f32 v12, v3;
	v4 =	vmul.f32 v21, v4  }
0x5a: {  	v32 =	vld [tilespmem:s3+$0x8040];
	v12 =	vadd.f32 $-1.000000000e+00, v14;
	v5 =	vmul.f32 v22, v5;
	v6 =	vmul.f32 v23, v6  }
0x5b: {  	v39 =	vld [tilespmem:s3+$0x60];
	v21 =	vadd.f32 $-1.000000000e+00, v17;
	v7 =	vmul.f32 v24, v7;
	v18 =	vmul.f32 v25, v18  }
0x5c: {  	v14 =	vmul.f32 $4.096000000e+03, v14;
	v23 =	vld [tilespmem:s3+$0x10];
	v11 =	vmul.f32 $5.120000000e+02, v11;
	v3 =	vsub.f32 $5.120000000e+02, v3  }
0x5d: {  	v17 =	vmul.f32 $4.096000000e+03, v17;
	v4 =	vsub.f32 $5.120000000e+02, v4;
	v22 =	vmul.f32 v12, v8  }
0x5e: {  	v21 =	vmul.f32 v21, v11;
	v12 =	vmax.f32 v3, $0.0e+00;
	v3 =	vsub.f32 $5.120000000e+02, v5  }
0x5f: {  	v11 =	vmax.f32 v4, $0.0e+00;
	v28 =	vmul.f32 $5.120000000e+02, v28;
	v29 =	vmul.f32 $5.120000000e+02, v29  }
0x60: {  	v4 =	vsub.f32 $5.120000000e+02, v6;
	v30 =	vmul.f32 $5.120000000e+02, v30;
	v59 =	vmul.f32 $5.120000000e+02, v39  }
0x61: {  	v5 =	vmax.f32 v16, v12;
	v38 =	vmul.f32 $5.120000000e+02, v23;
	v23 =	vadd.f32 v32, v32  }
0x62: {  	v5 =	vmax.f32 v5, v11;
	v8 =	vmax.f32 v3, $0.0e+00;
	v3 =	vsub.f32 $5.120000000e+02, v7  }
0x63: {  	v7 =	vmax.f32 v4, $0.0e+00;
	v4 =	vsub.f32 $5.120000000e+02, v22;
	v22 =	vmin.f32 v11, $8.191000000e+03  }
0x64: {  	v5 =	vmax.f32 v5, v8;
	v24 =	vmin.f32 v8, $8.191000000e+03;
	v25 =	vmin.f32 v7, $8.191000000e+03  }
0x65: {  	v10 =	vadd.f32 v22, v10;
	v5 =	vmax.f32 v5, v7;
	v6 =	vmax.f32 v3, $0.0e+00  }
0x66: {  	v3 =	vsub.f32 $5.120000000e+02, v18;
	v18 =	vsub.f32 $5.120000000e+02, v21;
	v16 =	vmax.f32 v5, v6  }
0x67: {  	v5 =	vmax.f32 v4, $0.0e+00;
	v26 =	vmin.f32 v6, $8.191000000e+03;
	v10 =	vadd.f32 $8.388608000e+06, v10  }
0x68: {  	v4 =	vmax.f32 v3, $0.0e+00;
	v3 =	vmax.f32 v18, $0.0e+00;
	v18 =	vmul.f32 $4.096000000e+03, v19  }
0x69: {  	v19 =	vmul.f32 $4.096000000e+03, v20;
	v20 =	vmin.f32 v12, $8.191000000e+03;
	v27 =	vmin.f32 v5, $8.191000000e+03  }
0x6a: {  	v13 =	vadd.f32 v26, v13;
	v16 =	vmax.f32 v16, v5;
	v9 =	vadd.f32 v20, v9  }
0x6b: {  	v31 =	vld [tilespmem:s3+$0x8030];
	v20 =	vmin.f32 v4, $8.191000000e+03;
	v14 =	vadd.f32 v27, v14;
	v16 =	vmax.f32 v16, v4  }
0x6c: {  	v33 =	vld [tilespmem:s3+$0x8050];
	v18 =	vadd.f32 v24, v18;
	v19 =	vadd.f32 v25, v19;
	v24 =	vmin.f32 v3, $8.191000000e+03  }
0x6d: {  	v22 =	vld [tilespmem:s3+$0x40];
	v27 =	vand.u32 $0x3FF0, v10;
	v15 =	vadd.f32 v20, v15;
	v17 =	vadd.f32 v24, v17  }
0x6e: {  	v25 =	vld [tilespmem:s3+$0x8000];
	v16 =	vmax.f32 v16, v3;
	v9 =	vadd.f32 $8.388608000e+06, v9;
	v18 =	vadd.f32 $8.388608000e+06, v18  }
0x6f: {  	v35 =	vor.u32 v1, v27;
	v24 =	vld [tilespmem:s3+$0x8020];
	v19 =	vadd.f32 $8.388608000e+06, v19;
	v10 =	vadd.f32 $8.388608000e+06, v15  }
0x70: {  	v20 =	vld [tilespmem:s3+$0x8010];
	v26 =	vand.u32 $0x3FF0, v9;
	v9 =	vadd.f32 $8.388608000e+06, v13;
	v13 =	vadd.f32 $8.388608000e+06, v14  }
0x71: {  	v21 =	vld [tilespmem:s3+$0x0];
	v17 =	vadd.f32 $8.388608000e+06, v17;
	v18 =	vand.u32 $0x3FF0, v18;
	v15 =	vand.u32 $0x3FF0, v19  }
0x72: {  	v19 =	vld [tilespmem:s3+$0x8060];
	v10 =	vand.u32 $0x3FF0, v10;
	v34 =	vor.u32 v1, v26;
	v14 =	vand.u32 $0x3FF0, v9  }
0x73: {  	v9 =	vand.u32 $0x3FF0, v17;
	v17 =	vld [tilespmem:s3+$0x8070];
	v37 =	vadd.f32 v25, v25;
	v25 =	vadd.f32 v31, v31  }
0x74: {  	v31 =	vmul.f32 $5.120000000e+02, v22;
	v22 =	vadd.f32 v33, v33;
	v26 =	vadd.f32 v24, v24  }
0x75: {  	v36 =	vor.u32 v1, v18;
	v27 =	vadd.f32 v20, v20;
	v60 =	vadd.f32 $-1.000000000e+00, v25  }
0x76: {  	v18 =	vmul.f32 $5.120000000e+02, v21;
	v24 =	vld [tilespmem:s3+$0x70];
	v61 =	vadd.f32 $-1.000000000e+00, v22;
	v58 =	vadd.f32 $-1.000000000e+00, v26  }
0x77: {  	v21 =	vadd.f32 v19, v19;
	v19 =	vadd.f32 $-1.000000000e+00, v37;
	v29 =	vmul.f32 v60, v29  }
0x78: {  	v30 =	vmul.f32 v61, v30;
	v20 =	vadd.f32 v17, v17;
	v17 =	vadd.f32 $-1.000000000e+00, v27  }
0x79: {  	v13 =	vand.u32 $0x3FF0, v13;
	v28 =	vmul.f32 v58, v28;
	v18 =	vmul.f32 v19, v18  }
0x7a: {  	v19 =	vadd.f32 $-1.000000000e+00, v23;
	v62 =	vadd.f32 $-1.000000000e+00, v21;
	v17 =	vmul.f32 v17, v38  }
0x7b: {  	v24 =	vmul.f32 $5.120000000e+02, v24;
	v63 =	vadd.f32 $-1.000000000e+00, v20;
	v18 =	vsub.f32 $5.120000000e+02, v18  }
0x7c: {  	v28 =	vsub.f32 $5.120000000e+02, v28;
	v31 =	vmul.f32 v19, v31;
	v17 =	vsub.f32 $5.120000000e+02, v17  }
0x7d: {  	v32 =	vmul.f32 v62, v59;
	v24 =	vmul.f32 v63, v24;
	v19 =	vmax.f32 v18, $0.0e+00  }
0x7e: {  	[tilespmem:v34+s28+$0x0] =	vst.idx.add.f32.msk $0xffff, v2;
	v16 =	vmax.f32 v16, v19;
	v18 =	vmax.f32 v17, $0.0e+00;
	v17 =	vsub.f32 $5.120000000e+02, v29  }
0x7f: {  	[tilespmem:v34+s29+$0x0] =	vst.idx.add.f32.msk $0xffff, v12;
	v12 =	vmax.f32 v16, v18;
	v16 =	vmax.f32 v28, $0.0e+00;
	v28 =	vsub.f32 $5.120000000e+02, v31  }
0x80: {  	[tilespmem:v35+s28+$0x0] =	vst.idx.add.f32.msk $0xffff, v2;
	v29 =	vsub.f32 $5.120000000e+02, v30;
	v12 =	vmax.f32 v12, v16;
	v17 =	vmax.f32 v17, $0.0e+00  }
0x81: {  	[tilespmem:v35+s29+$0x0] =	vst.idx.add.f32.msk $0xffff, v11;
	v31 =	vsub.f32 $5.120000000e+02, v32;
	v11 =	vmax.f32 v12, v17;
	v12 =	vmax.f32 v28, $0.0e+00  }
0x82: {  	[tilespmem:v36+s28+$0x0] =	vst.idx.add.f32.msk $0xffff, v2;
	v28 =	vmax.f32 v11, v12;
	v11 =	vmax.f32 v29, $0.0e+00;
	v29 =	vsub.f32 $5.120000000e+02, v24  }
0x83: {  	s31 =	simm.s32 $0x8;
	s4 =	simm.s32 $0x100;
	s3 =	simm.s32 $0x800;
	[tilespmem:v36+s29+$0x0] =	vst.idx.add.f32.msk $0xffff, v8;
	v30 =	vmul.f32 $4.096000000e+03, v37;
	v8 =	vmax.f32 v31, $0.0e+00;
	v28 =	vmax.f32 v28, v11  }
.LBB2_4:
0x84: {  	s5 =	sand.u32 $0x3000, s4;
	s6 =	sand.u32 $0xC00, s3;
	v27 =	vmul.f32 $4.096000000e+03, v27;
	v28 =	vmax.f32 v28, v8;
	v24 =	vmax.f32 v29, $0.0e+00;
	s1 =	sadd.s32 $0x20, s1  }
0x85: {  	v26 =	vmul.f32 $4.096000000e+03, v26;
	v25 =	vmul.f32 $4.096000000e+03, v25;
	s5 =	sor.u32 s6, s5;
	s6 =	sand.u32 $0x380, s1;
	v28 =	vmax.f32 v28, v24  }
0x86: {  	v29 =	vmin.f32 v19, $8.191000000e+03;
	v23 =	vmul.f32 $4.096000000e+03, v23;
	v22 =	vmul.f32 $4.096000000e+03, v22;
	s5 =	sor.u32 s6, s5  }
0x87: {  	v32 =	vmin.f32 v18, $8.191000000e+03;
	v21 =	vmul.f32 $4.096000000e+03, v21;
	v20 =	vmul.f32 $4.096000000e+03, v20;
	v31 =	vld [tilespmem:s5+$0x0]  }
0x88: {  	v34 =	vmin.f32 v16, $8.191000000e+03;
	v35 =	vmin.f32 v17, $8.191000000e+03;
	v36 =	vmin.f32 v12, $8.191000000e+03;
	v33 =	vld [tilespmem:s5+$0x10]  }
0x89: {  	v38 =	vmin.f32 v11, $8.191000000e+03;
	v39 =	vmin.f32 v8, $8.191000000e+03;
	v40 =	vmin.f32 v24, $8.191000000e+03;
	v37 =	vld [tilespmem:s5+$0x20]  }
0x8a: {  	v29 =	vadd.f32 v29, v30;
	v30 =	vor.u32 v1, v15;
	v27 =	vadd.f32 v32, v27;
	v41 =	vld [tilespmem:s5+$0x30]  }
0x8b: {  	v15 =	vadd.f32 v34, v26;
	v25 =	vadd.f32 v35, v25;
	v34 =	vor.u32 v1, v14;
	v32 =	vld [tilespmem:s5+$0x40]  }
0x8c: {  	s31 =	sadd.s32 $0x8, s31;
	v14 =	vadd.f32 v36, v23;
	v22 =	vadd.f32 v38, v22;
	v36 =	vor.u32 v1, v13;
	v35 =	vld [tilespmem:s5+$0x50]  }
0x8d: {  	p0 =	slt.u32 s31, $0x3F8;
	v13 =	vadd.f32 v39, v21;
	v20 =	vadd.f32 v40, v20;
	v38 =	vor.u32 v1, v10;
	v23 =	vld [tilespmem:s5+$0x8000]  }
0x8e: {  	v39 =	vor.u32 v1, v9;
	v10 =	vadd.f32 $8.388608000e+06, v29;
	v26 =	vadd.f32 $8.388608000e+06, v27;
	v21 =	vld [tilespmem:s5+$0x8010]  }
0x8f: {  	v9 =	vadd.f32 $8.388608000e+06, v15;
	v15 =	vadd.f32 $8.388608000e+06, v25;
	v29 =	vld [tilespmem:s5+$0x8020]  }
0x90: {  	v22 =	vadd.f32 $8.388608000e+06, v22;
	v27 =	vand.u32 $0x3FF0, v10;
	v10 =	vadd.f32 $8.388608000e+06, v14;
	v25 =	vld [tilespmem:s5+$0x8030]  }
0x91: {  	v42 =	vadd.f32 $8.388608000e+06, v13;
	v20 =	vadd.f32 $8.388608000e+06, v20;
	v26 =	vand.u32 $0x3FF0, v26;
	v40 =	vld [tilespmem:s5+$0x8040]  }
0x92: {  	v44 =	vand.u32 $0x3FF0, v9;
	v15 =	vand.u32 $0x3FF0, v15;
	v14 =	vand.u32 $0x3FF0, v10;
	v43 =	vld [tilespmem:s5+$0x8050]  }
0x93: {  	v13 =	vand.u32 $0x3FF0, v22;
	v9 =	vand.u32 $0x3FF0, v20;
	v10 =	vand.u32 $0x3FF0, v42;
	v45 =	vld [tilespmem:s5+$0x8060]  }
0x94: {  	v42 =	vor.u32 v1, v27;
	v46 =	vor.u32 v1, v26;
	v44 =	vor.u32 v1, v44;
	v20 =	vld [tilespmem:s5+$0x8070]  }
0x95: {  	v31 =	vmul.f32 $5.120000000e+02, v31;
	v33 =	vmul.f32 $5.120000000e+02, v33;
	v47 =	vadd.f32 v23, v23;
	v48 =	vld [tilespmem:s5+$0x60]  }
0x96: {  	v37 =	vmul.f32 $5.120000000e+02, v37;
	v27 =	vadd.f32 v21, v21;
	v26 =	vadd.f32 v29, v29;
	v29 =	vld [tilespmem:s5+$0x70]  }
0x97: {  	v41 =	vmul.f32 $5.120000000e+02, v41;
	v25 =	vadd.f32 v25, v25;
	v23 =	vadd.f32 v40, v40;
	[tilespmem:v30+s28+$0x0] =	vst.idx.add.f32.msk $0xffff, v2  }
0x98: {  	v32 =	vmul.f32 $5.120000000e+02, v32;
	v22 =	vadd.f32 v43, v43;
	v21 =	vadd.f32 v45, v45;
	[tilespmem:v30+s29+$0x0] =	vst.idx.add.f32.msk $0xffff, v7  }
0x99: {  	v35 =	vmul.f32 $5.120000000e+02, v35;
	v30 =	vadd.f32 $-1.000000000e+00, v47;
	v7 =	vmovc v17;
	v20 =	vadd.f32 v20, v20;
	[tilespmem:v42+s28+$0x0] =	vst.idx.add.f32.msk $0xffff, v2  }
0x9a: {  	v40 =	vadd.f32 $-1.000000000e+00, v26;
	v17 =	vadd.f32 $-1.000000000e+00, v27;
	v43 =	vmul.f32 $5.120000000e+02, v48;
	[tilespmem:v42+s29+$0x0] =	vst.idx.add.f32.msk $0xffff, v19  }
0x9b: {  	v19 =	vadd.f32 $-1.000000000e+00, v25;
	v42 =	vadd.f32 $-1.000000000e+00, v23;
	v29 =	vmul.f32 $5.120000000e+02, v29;
	[tilespmem:v46+s28+$0x0] =	vst.idx.add.f32.msk $0xffff, v2  }
0x9c: {  	v30 =	vmul.f32 v30, v31;
	v31 =	vadd.f32 $-1.000000000e+00, v22;
	v45 =	vadd.f32 $-1.000000000e+00, v21;
	[tilespmem:v46+s29+$0x0] =	vst.idx.add.f32.msk $0xffff, v18  }
0x9d: {  	v17 =	vmul.f32 v17, v33;
	v33 =	vadd.f32 $-1.000000000e+00, v20;
	v18 =	vmul.f32 v40, v37;
	[tilespmem:v44+s28+$0x0] =	vst.idx.add.f32.msk $0xffff, v2  }
0x9e: {  	v30 =	vsub.f32 $5.120000000e+02, v30;
	v37 =	vmul.f32 v19, v41;
	v32 =	vmul.f32 v42, v32;
	[tilespmem:v44+s29+$0x0] =	vst.idx.add.f32.msk $0xffff, v16  }
0x9f: {  	v31 =	vmul.f32 v31, v35;
	v35 =	vmul.f32 v45, v43;
	v16 =	vsub.f32 $5.120000000e+02, v17;
	[tilespmem:v34+s28+$0x0] =	vst.idx.add.f32.msk $0xffff, v2  }
0xa0: {  	v29 =	vmul.f32 v33, v29;
	v19 =	vmax.f32 v30, $0.0e+00;
	v17 =	vsub.f32 $5.120000000e+02, v18;
	[tilespmem:v34+s29+$0x0] =	vst.idx.add.f32.msk $0xffff, v6;
	v6 =	vmovc v12  }
0xa1: {  	v12 =	vmax.f32 v28, v19;
	v18 =	vmax.f32 v16, $0.0e+00;
	v28 =	vsub.f32 $5.120000000e+02, v37;
	[tilespmem:v36+s28+$0x0] =	vst.idx.add.f32.msk $0xffff, v2  }
.Ltmp1:
0xa2: {  	v30 =	vsub.f32 $5.120000000e+02, v32;
	v16 =	vmax.f32 v17, $0.0e+00;
	v12 =	vmax.f32 v12, v18;
	[tilespmem:v36+s29+$0x0] =	vst.idx.add.f32.msk $0xffff, v5;
	v5 =	vmovc v11;
	(pc) =	sbr.rel @p0 .LBB2_4-.Ltmp1, $4  }
0xa3: {  	v11 =	vmax.f32 v12, v16;
	v17 =	vmax.f32 v28, $0.0e+00;
	v28 =	vsub.f32 $5.120000000e+02, v31;
	[tilespmem:v38+s28+$0x0] =	vst.idx.add.f32.msk $0xffff, v2  }
0xa4: {  	v12 =	vmax.f32 v30, $0.0e+00;
	v31 =	vsub.f32 $5.120000000e+02, v35;
	v11 =	vmax.f32 v11, v17;
	[tilespmem:v38+s29+$0x0] =	vst.idx.add.f32.msk $0xffff, v4;
	v4 =	vmovc v8  }
0xa5: {  	v29 =	vsub.f32 $5.120000000e+02, v29;
	v8 =	vmax.f32 v11, v12;
	v11 =	vmax.f32 v28, $0.0e+00;
	[tilespmem:v39+s28+$0x0] =	vst.idx.add.f32.msk $0xffff, v2  }
0xa6: {  	s3 =	sadd.s32 $0x400, s3;
	s4 =	sadd.s32 $0x80, s4;
	v30 =	vmul.f32 $4.096000000e+03, v47;
	v28 =	vmax.f32 v8, v11;
	v8 =	vmax.f32 v31, $0.0e+00;
	[tilespmem:v39+s29+$0x0] =	vst.idx.add.f32.msk $0xffff, v3;
	v3 =	vmovc v24  }
0xa7: {  	v24 =	vmin.f32 v19, $8.191000000e+03  }
0xa8: {  	v27 =	vmul.f32 $4.096000000e+03, v27;
	v24 =	vadd.f32 v24, v30  }
0xa9: {  	v26 =	vmul.f32 $4.096000000e+03, v26;
	v30 =	vmin.f32 v18, $8.191000000e+03  }
0xaa: {  	v15 =	vor.u32 v1, v15;
	v27 =	vadd.f32 v30, v27;
	v24 =	vadd.f32 $8.388608000e+06, v24  }
0xab: {  	v13 =	vor.u32 v1, v13;
	v30 =	vmin.f32 v16, $8.191000000e+03  }
0xac: {  	v26 =	vadd.f32 v30, v26;
	v27 =	vadd.f32 $8.388608000e+06, v27;
	v24 =	vand.u32 $0x3FF0, v24  }
0xad: {  	v24 =	vor.u32 v1, v24  }
0xae: {  	v26 =	vadd.f32 $8.388608000e+06, v26;
	v27 =	vand.u32 $0x3FF0, v27  }
0xaf: {  	[tilespmem:v15+s28+$0x0] =	vst.idx.add.f32.msk $0xffff, v2;
	v27 =	vor.u32 v1, v27  }
0xb0: {  	[tilespmem:v13+s28+$0x0] =	vst.idx.add.f32.msk $0xffff, v2;
	v26 =	vand.u32 $0x3FF0, v26  }
0xb1: {  	[tilespmem:v15+s29+$0x0] =	vst.idx.add.f32.msk $0xffff, v7;
	v26 =	vor.u32 v1, v26  }
0xb2: {  	[tilespmem:v24+s28+$0x0] =	vst.idx.add.f32.msk $0xffff, v2  }
0xb3: {  	v7 =	vor.u32 v1, v14;
	v14 =	vmul.f32 $4.096000000e+03, v25;
	[tilespmem:v24+s29+$0x0] =	vst.idx.add.f32.msk $0xffff, v19  }
0xb4: {  	v15 =	vmin.f32 v17, $8.191000000e+03;
	[tilespmem:v27+s28+$0x0] =	vst.idx.add.f32.msk $0xffff, v2  }
0xb5: {  	v14 =	vadd.f32 v15, v14;
	[tilespmem:v27+s29+$0x0] =	vst.idx.add.f32.msk $0xffff, v18;
	v18 =	vmul.f32 $4.096000000e+03, v23  }
0xb6: {  	v10 =	vor.u32 v1, v10;
	v9 =	vor.u32 v1, v9;
	v19 =	vmin.f32 v12, $8.191000000e+03;
	[tilespmem:v26+s28+$0x0] =	vst.idx.add.f32.msk $0xffff, v2  }
0xb7: {  	v14 =	vadd.f32 $8.388608000e+06, v14;
	[tilespmem:v26+s29+$0x0] =	vst.idx.add.f32.msk $0xffff, v16;
	v16 =	vmul.f32 $4.096000000e+03, v22;
	v18 =	vadd.f32 v19, v18  }
0xb8: {  	v15 =	vmax.f32 v29, $0.0e+00;
	[tilespmem:v7+s28+$0x0] =	vst.idx.add.f32.msk $0xffff, v2;
	v19 =	vmul.f32 $4.096000000e+03, v21;
	v21 =	vmin.f32 v11, $8.191000000e+03  }
0xb9: {  	[tilespmem:v7+s29+$0x0] =	vst.idx.add.f32.msk $0xffff, v6;
	v14 =	vand.u32 $0x3FF0, v14;
	v6 =	vadd.f32 v21, v16;
	v7 =	vadd.f32 $8.388608000e+06, v18  }
0xba: {  	[tilespmem:v13+s29+$0x0] =	vst.idx.add.f32.msk $0xffff, v5;
	v5 =	vor.u32 v1, v14;
	v16 =	vmul.f32 $4.096000000e+03, v20;
	v18 =	vmin.f32 v8, $8.191000000e+03  }
0xbb: {  	[tilespmem:v10+s28+$0x0] =	vst.idx.add.f32.msk $0xffff, v2;
	v13 =	vadd.f32 v18, v19;
	v6 =	vadd.f32 $8.388608000e+06, v6;
	v7 =	vand.u32 $0x3FF0, v7  }
0xbc: {  	[tilespmem:v10+s29+$0x0] =	vst.idx.add.f32.msk $0xffff, v4;
	v14 =	vmin.f32 v15, $8.191000000e+03;
	v4 =	vor.u32 v1, v7  }
0xbd: {  	[tilespmem:v9+s28+$0x0] =	vst.idx.add.f32.msk $0xffff, v2;
	v7 =	vadd.f32 v14, v16;
	v10 =	vadd.f32 $8.388608000e+06, v13;
	v6 =	vand.u32 $0x3FF0, v6  }
0xbe: {  	[tilespmem:v9+s29+$0x0] =	vst.idx.add.f32.msk $0xffff, v3;
	v3 =	vor.u32 v1, v6  }
0xbf: {  	[tilespmem:v5+s28+$0x0] =	vst.idx.add.f32.msk $0xffff, v2;
	v6 =	vadd.f32 $8.388608000e+06, v7;
	v7 =	vand.u32 $0x3FF0, v10  }
0xc0: {  	[tilespmem:v5+s29+$0x0] =	vst.idx.add.f32.msk $0xffff, v17;
	v7 =	vor.u32 v1, v7  }
0xc1: {  	v5 =	vand.u32 $0x3FF0, v6;
	[tilespmem:v4+s28+$0x0] =	vst.idx.add.f32.msk $0xffff, v2  }
0xc2: {  	v5 =	vor.u32 v1, v5;
	[tilespmem:v4+s29+$0x0] =	vst.idx.add.f32.msk $0xffff, v12  }
0xc3: {  	[tilespmem:v3+s28+$0x0] =	vst.idx.add.f32.msk $0xffff, v2  }
0xc4: {  	[tilespmem:v3+s29+$0x0] =	vst.idx.add.f32.msk $0xffff, v11  }
0xc5: {  	[tilespmem:v7+s28+$0x0] =	vst.idx.add.f32.msk $0xffff, v2  }
0xc6: {  	[tilespmem:v7+s29+$0x0] =	vst.idx.add.f32.msk $0xffff, v8  }
0xc7: {  	[tilespmem:v5+s28+$0x0] =	vst.idx.add.f32.msk $0xffff, v2  }
0xc8: {  	s1 =	simm.s32 $0x0;
	[tilespmem:v5+s29+$0x0] =	vst.idx.add.f32.msk $0xffff, v15  }
0xc9: {  	[tilespmem:s1], [sflag:$0x1] =	stream.linear.gather [hbm4b:s7+s1], $0x4000, $0x38;
	[tilespmem:$0x18080] =	vst v63  }
0xca: {  	_ = 	snop  }
0xcb: {  	[tilespmem:s23], [sflag:$0x1] =	stream.linear.gather [hbm4b:s8+s1], $0x4000, $0x38;
	[tilespmem:$0x18080] =	vst v63  }
0xcc: {  	_ =	swait.ge [sflag:s30], $0x4000  }
0xcd: {  	[sflag:s30] =	ssyncset.done $0x0  }
0xce: {  	[sflag:s30] =	ssyncadd.s32 $0xFFFFC000  }
0xcf: {  	s3 =	sand.u32 $0x3000, s1;
	s4 =	sand.u32 $0xC00, s1;
	_ =	swait.ge [sflag:s30], $0x4000  }
0xd0: {  	s3 =	sor.u32 s4, s3;
	s1 =	sand.u32 $0x380, s1;
	[sflag:s30] =	ssyncset.done $0x0  }
0xd1: {  	s1 =	sor.u32 s1, s3;
	[sflag:s30] =	ssyncadd.s32 $0xFFFFC000  }
0xd2: {  	v3 =	vld [tilespmem:s1+$0x4000]  }
0xd3: {  	v4 =	vld [tilespmem:s1+$0x4010]  }
0xd4: {  	v5 =	vld [tilespmem:s1+$0x4020]  }
0xd5: {  	v6 =	vld [tilespmem:s1+$0x4030]  }
0xd6: {  	v7 =	vld [tilespmem:s1+$0x4040]  }
0xd7: {  	v9 =	vld [tilespmem:s1+$0x4050]  }
0xd8: {  	v10 =	vld [tilespmem:s1+$0xC000]  }
0xd9: {  	v11 =	vld [tilespmem:s1+$0xC010]  }
0xda: {  	v12 =	vld [tilespmem:s1+$0xC020]  }
0xdb: {  	v13 =	vld [tilespmem:s1+$0xC030]  }
0xdc: {  	v14 =	vld [tilespmem:s1+$0xC040]  }
0xdd: {  	v16 =	vld [tilespmem:s1+$0xC050]  }
0xde: {  	v8 =	vmax.f32 v28, v8;
	v17 =	vld [tilespmem:s1+$0xC060]  }
0xdf: {  	v8 =	vmax.f32 v8, v15;
	v15 =	vld [tilespmem:s1+$0xC070]  }
0xe0: {  	v18 =	vld [tilespmem:s1+$0x4060];
	v3 =	vmul.f32 $5.120000000e+02, v3;
	v10 =	vadd.f32 v10, v10;
	v4 =	vmul.f32 $5.120000000e+02, v4  }
0xe1: {  	v19 =	vadd.f32 v11, v11;
	v5 =	vmul.f32 $5.120000000e+02, v5;
	v20 =	vadd.f32 v12, v12  }
0xe2: {  	s6 =	simm.s32 $0x400;
	s4 =	simm.s32 $0x80;
	v6 =	vmul.f32 $5.120000000e+02, v6;
	v13 =	vadd.f32 v13, v13;
	v14 =	vadd.f32 v14, v14  }
0xe3: {  	s5 =	sand.u32 $0xC00, s6;
	s3 =	sand.u32 $0x3000, s4;
	v11 =	vld [tilespmem:s1+$0x4070];
	v7 =	vmul.f32 $5.120000000e+02, v7;
	v16 =	vadd.f32 v16, v16;
	v17 =	vadd.f32 v17, v17;
	s1 =	simm.s32 $0x20  }
0xe4: {  	s3 =	sor.u32 s5, s3;
	v9 =	vmul.f32 $5.120000000e+02, v9;
	v15 =	vadd.f32 v15, v15;
	s6 =	sand.u32 $0x380, s1;
	v12 =	vadd.f32 $-1.000000000e+00, v10  }
0xe5: {  	v18 =	vmul.f32 $5.120000000e+02, v18;
	v21 =	vadd.f32 $-1.000000000e+00, v19;
	v22 =	vadd.f32 $-1.000000000e+00, v20;
	s3 =	sor.u32 s6, s3  }
0xe6: {  	v23 =	vadd.f32 $-1.000000000e+00, v13;
	v10 =	vmul.f32 $4.096000000e+03, v10;
	v19 =	vmul.f32 $4.096000000e+03, v19;
	v28 =	vld [tilespmem:s3+$0x4020]  }
0xe7: {  	v24 =	vadd.f32 $-1.000000000e+00, v14;
	v13 =	vmul.f32 $4.096000000e+03, v13;
	v14 =	vmul.f32 $4.096000000e+03, v14;
	v29 =	vld [tilespmem:s3+$0x4030]  }
0xe8: {  	v25 =	vadd.f32 $-1.000000000e+00, v17;
	v17 =	vmul.f32 $4.096000000e+03, v17;
	v30 =	vld [tilespmem:s3+$0x4050];
	v3 =	vmul.f32 v12, v3  }
0xe9: {  	v31 =	vld [tilespmem:s3+$0xC040];
	v12 =	vadd.f32 $-1.000000000e+00, v16;
	v4 =	vmul.f32 v21, v4;
	v5 =	vmul.f32 v22, v5  }
0xea: {  	v38 =	vld [tilespmem:s3+$0x4060];
	v21 =	vadd.f32 $-1.000000000e+00, v15;
	v6 =	vmul.f32 v23, v6;
	v7 =	vmul.f32 v24, v7  }
0xeb: {  	v39 =	vld [tilespmem:s3+$0x4070];
	v18 =	vmul.f32 v25, v18;
	v11 =	vmul.f32 $5.120000000e+02, v11;
	v3 =	vsub.f32 $5.120000000e+02, v3  }
0xec: {  	v16 =	vmul.f32 $4.096000000e+03, v16;
	v15 =	vmul.f32 $4.096000000e+03, v15;
	v23 =	vld [tilespmem:s3+$0x4010];
	v4 =	vsub.f32 $5.120000000e+02, v4  }
0xed: {  	v9 =	vmul.f32 v12, v9;
	v21 =	vmul.f32 v21, v11;
	v12 =	vmax.f32 v3, $0.0e+00  }
0xee: {  	v3 =	vsub.f32 $5.120000000e+02, v5;
	v11 =	vmax.f32 v4, $0.0e+00;
	v28 =	vmul.f32 $5.120000000e+02, v28  }
0xef: {  	v4 =	vsub.f32 $5.120000000e+02, v6;
	v29 =	vmul.f32 $5.120000000e+02, v29;
	v30 =	vmul.f32 $5.120000000e+02, v30  }
0xf0: {  	v58 =	vmul.f32 $5.120000000e+02, v38;
	v39 =	vmul.f32 $5.120000000e+02, v39;
	v5 =	vmax.f32 v8, v12  }
0xf1: {  	v22 =	vmin.f32 v11, $8.191000000e+03;
	v37 =	vmul.f32 $5.120000000e+02, v23;
	v23 =	vadd.f32 v31, v31  }
0xf2: {  	v5 =	vmax.f32 v5, v11;
	v8 =	vmax.f32 v3, $0.0e+00;
	v3 =	vsub.f32 $5.120000000e+02, v7  }
0xf3: {  	v7 =	vmax.f32 v4, $0.0e+00;
	v4 =	vsub.f32 $5.120000000e+02, v9;
	v19 =	vadd.f32 v22, v19  }
0xf4: {  	v5 =	vmax.f32 v5, v8;
	v24 =	vmin.f32 v8, $8.191000000e+03;
	v25 =	vmin.f32 v7, $8.191000000e+03  }
0xf5: {  	v6 =	vmax.f32 v3, $0.0e+00;
	v3 =	vsub.f32 $5.120000000e+02, v18;
	v18 =	vsub.f32 $5.120000000e+02, v21  }
0xf6: {  	v5 =	vmax.f32 v5, v7;
	v13 =	vadd.f32 v25, v13;
	v19 =	vadd.f32 $8.388608000e+06, v19  }
0xf7: {  	v9 =	vmax.f32 v5, v6;
	v5 =	vmax.f32 v4, $0.0e+00;
	v26 =	vmin.f32 v6, $8.191000000e+03  }
0xf8: {  	v35 =	vld [tilespmem:s3+$0xC060];
	v4 =	vmax.f32 v3, $0.0e+00;
	v3 =	vmax.f32 v18, $0.0e+00;
	v18 =	vmul.f32 $4.096000000e+03, v20  }
0xf9: {  	v21 =	vld [tilespmem:s3+$0x4000];
	v20 =	vmin.f32 v12, $8.191000000e+03;
	v27 =	vmin.f32 v5, $8.191000000e+03;
	v14 =	vadd.f32 v26, v14  }
0xfa: {  	v25 =	vld [tilespmem:s3+$0xC000];
	v9 =	vmax.f32 v9, v5;
	v13 =	vadd.f32 $8.388608000e+06, v13;
	v19 =	vand.u32 $0x3FF0, v19  }
0xfb: {  	v10 =	vadd.f32 v20, v10;
	v20 =	vmin.f32 v4, $8.191000000e+03;
	v16 =	vadd.f32 v27, v16  }
0xfc: {  	v9 =	vmax.f32 v9, v4;
	v18 =	vadd.f32 v24, v18;
	v24 =	vmin.f32 v3, $8.191000000e+03  }
0xfd: {  	v26 =	vld [tilespmem:s3+$0xC020];
	v56 =	vor.u32 v1, v19;
	v17 =	vadd.f32 v20, v17;
	v15 =	vadd.f32 v24, v15  }
0xfe: {  	v10 =	vadd.f32 $8.388608000e+06, v10;
	v24 =	vmax.f32 v9, v3;
	v16 =	vadd.f32 $8.388608000e+06, v16  }
0xff: {  	v22 =	vld [tilespmem:s3+$0x4040];
	v19 =	vmul.f32 $5.120000000e+02, v21;
	v36 =	vadd.f32 v25, v25;
	v21 =	vadd.f32 v35, v35  }
0x100: {  	v20 =	vld [tilespmem:s3+$0xC010];
	v9 =	vadd.f32 $8.388608000e+06, v18;
	v17 =	vadd.f32 $8.388608000e+06, v17;
	v27 =	vand.u32 $0x3FF0, v10  }
0x101: {  	v18 =	vld [tilespmem:s3+$0xC030];
	v10 =	vadd.f32 $8.388608000e+06, v14;
	v32 =	vadd.f32 $8.388608000e+06, v15;
	v15 =	vand.u32 $0x3FF0, v13  }
0x102: {  	v13 =	vand.u32 $0x3FF0, v16;
	v16 =	vld [tilespmem:s3+$0xC070];
	v26 =	vadd.f32 v26, v26;
	v31 =	vadd.f32 $-1.000000000e+00, v36  }
0x103: {  	v33 =	vld [tilespmem:s3+$0xC050];
	v61 =	vadd.f32 $-1.000000000e+00, v21;
	v34 =	vand.u32 $0x3FF0, v9;
	v14 =	vand.u32 $0x3FF0, v10  }
0x104: {  	v10 =	vand.u32 $0x3FF0, v17;
	v9 =	vand.u32 $0x3FF0, v32;
	v17 =	vor.u32 v1, v27  }
0x105: {  	v34 =	vor.u32 v1, v34;
	v27 =	vadd.f32 v20, v20;
	v57 =	vadd.f32 $-1.000000000e+00, v26  }
0x106: {  	v19 =	vmul.f32 v31, v19;
	v31 =	vadd.f32 $-1.000000000e+00, v23;
	v25 =	vadd.f32 v18, v18  }
0x107: {  	v18 =	vmul.f32 $5.120000000e+02, v22;
	v20 =	vadd.f32 v16, v16;
	v16 =	vadd.f32 $-1.000000000e+00, v27  }
0x108: {  	v22 =	vadd.f32 v33, v33;
	v28 =	vmul.f32 v57, v28;
	v19 =	vsub.f32 $5.120000000e+02, v19  }
0x109: {  	v33 =	vmul.f32 v61, v58;
	v59 =	vadd.f32 $-1.000000000e+00, v25;
	v16 =	vmul.f32 v16, v37  }
0x10a: {  	v60 =	vadd.f32 $-1.000000000e+00, v22;
	v31 =	vmul.f32 v31, v18;
	v19 =	vmax.f32 v19, $0.0e+00  }
0x10b: {  	v62 =	vadd.f32 $-1.000000000e+00, v20;
	v29 =	vmul.f32 v59, v29;
	v16 =	vsub.f32 $5.120000000e+02, v16  }
0x10c: {  	v28 =	vsub.f32 $5.120000000e+02, v28;
	v24 =	vmax.f32 v24, v19;
	v30 =	vmul.f32 v60, v30  }
0x10d: {  	[tilespmem:v17+s28+$0x0] =	vst.idx.add.f32.msk $0xffff, v2;
	v63 =	vmul.f32 v62, v39;
	v29 =	vsub.f32 $5.120000000e+02, v29;
	v18 =	vmax.f32 v16, $0.0e+00  }
0x10e: {  	[tilespmem:v17+s29+$0x0] =	vst.idx.add.f32.msk $0xffff, v12;
	v16 =	vmax.f32 v28, $0.0e+00;
	v12 =	vmax.f32 v24, v18;
	v24 =	vsub.f32 $5.120000000e+02, v31  }
0x10f: {  	[tilespmem:v56+s28+$0x0] =	vst.idx.add.f32.msk $0xffff, v2;
	v28 =	vsub.f32 $5.120000000e+02, v30;
	v17 =	vmax.f32 v29, $0.0e+00;
	v12 =	vmax.f32 v12, v16  }
0x110: {  	[tilespmem:v56+s29+$0x0] =	vst.idx.add.f32.msk $0xffff, v11;
	v11 =	vmax.f32 v12, v17;
	v12 =	vmax.f32 v24, $0.0e+00;
	v24 =	vsub.f32 $5.120000000e+02, v33  }
0x111: {  	[tilespmem:v34+s28+$0x0] =	vst.idx.add.f32.msk $0xffff, v2;
	v29 =	vsub.f32 $5.120000000e+02, v63;
	v31 =	vmax.f32 v11, v12;
	v11 =	vmax.f32 v28, $0.0e+00  }
0x112: {  	s31 =	simm.s32 $0x8;
	s4 =	simm.s32 $0x100;
	s3 =	simm.s32 $0x800;
	[tilespmem:v34+s29+$0x0] =	vst.idx.add.f32.msk $0xffff, v8;
	v30 =	vmul.f32 $4.096000000e+03, v36;
	v28 =	vmax.f32 v31, v11;
	v8 =	vmax.f32 v24, $0.0e+00  }
.LBB2_6:
0x113: {  	s5 =	sand.u32 $0x3000, s4;
	s6 =	sand.u32 $0xC00, s3;
	v27 =	vmul.f32 $4.096000000e+03, v27;
	v28 =	vmax.f32 v28, v8;
	v24 =	vmax.f32 v29, $0.0e+00;
	s1 =	sadd.s32 $0x20, s1  }
0x114: {  	v26 =	vmul.f32 $4.096000000e+03, v26;
	v25 =	vmul.f32 $4.096000000e+03, v25;
	s5 =	sor.u32 s6, s5;
	s6 =	sand.u32 $0x380, s1;
	v28 =	vmax.f32 v28, v24  }
0x115: {  	v29 =	vmin.f32 v19, $8.191000000e+03;
	v23 =	vmul.f32 $4.096000000e+03, v23;
	v22 =	vmul.f32 $4.096000000e+03, v22;
	s5 =	sor.u32 s6, s5  }
0x116: {  	v32 =	vmin.f32 v18, $8.191000000e+03;
	v21 =	vmul.f32 $4.096000000e+03, v21;
	v20 =	vmul.f32 $4.096000000e+03, v20;
	v31 =	vld [tilespmem:s5+$0x4000]  }
0x117: {  	v34 =	vmin.f32 v16, $8.191000000e+03;
	v35 =	vmin.f32 v17, $8.191000000e+03;
	v36 =	vmin.f32 v12, $8.191000000e+03;
	v33 =	vld [tilespmem:s5+$0x4010]  }
0x118: {  	v38 =	vmin.f32 v11, $8.191000000e+03;
	v39 =	vmin.f32 v8, $8.191000000e+03;
	v40 =	vmin.f32 v24, $8.191000000e+03;
	v37 =	vld [tilespmem:s5+$0x4020]  }
0x119: {  	v29 =	vadd.f32 v29, v30;
	v30 =	vor.u32 v1, v15;
	v27 =	vadd.f32 v32, v27;
	v41 =	vld [tilespmem:s5+$0x4030]  }
0x11a: {  	v15 =	vadd.f32 v34, v26;
	v25 =	vadd.f32 v35, v25;
	v34 =	vor.u32 v1, v14;
	v32 =	vld [tilespmem:s5+$0x4040]  }
0x11b: {  	s31 =	sadd.s32 $0x8, s31;
	v14 =	vadd.f32 v36, v23;
	v22 =	vadd.f32 v38, v22;
	v36 =	vor.u32 v1, v13;
	v35 =	vld [tilespmem:s5+$0x4050]  }
0x11c: {  	p0 =	slt.u32 s31, $0x3F8;
	v13 =	vadd.f32 v39, v21;
	v20 =	vadd.f32 v40, v20;
	v38 =	vor.u32 v1, v10;
	v23 =	vld [tilespmem:s5+$0xC000]  }
0x11d: {  	v39 =	vor.u32 v1, v9;
	v10 =	vadd.f32 $8.388608000e+06, v29;
	v26 =	vadd.f32 $8.388608000e+06, v27;
	v21 =	vld [tilespmem:s5+$0xC010]  }
0x11e: {  	v9 =	vadd.f32 $8.388608000e+06, v15;
	v15 =	vadd.f32 $8.388608000e+06, v25;
	v29 =	vld [tilespmem:s5+$0xC020]  }
0x11f: {  	v22 =	vadd.f32 $8.388608000e+06, v22;
	v27 =	vand.u32 $0x3FF0, v10;
	v10 =	vadd.f32 $8.388608000e+06, v14;
	v25 =	vld [tilespmem:s5+$0xC030]  }
0x120: {  	v42 =	vadd.f32 $8.388608000e+06, v13;
	v20 =	vadd.f32 $8.388608000e+06, v20;
	v26 =	vand.u32 $0x3FF0, v26;
	v40 =	vld [tilespmem:s5+$0xC040]  }
0x121: {  	v44 =	vand.u32 $0x3FF0, v9;
	v15 =	vand.u32 $0x3FF0, v15;
	v14 =	vand.u32 $0x3FF0, v10;
	v43 =	vld [tilespmem:s5+$0xC050]  }
0x122: {  	v13 =	vand.u32 $0x3FF0, v22;
	v9 =	vand.u32 $0x3FF0, v20;
	v10 =	vand.u32 $0x3FF0, v42;
	v45 =	vld [tilespmem:s5+$0xC060]  }
0x123: {  	v42 =	vor.u32 v1, v27;
	v46 =	vor.u32 v1, v26;
	v44 =	vor.u32 v1, v44;
	v20 =	vld [tilespmem:s5+$0xC070]  }
0x124: {  	v31 =	vmul.f32 $5.120000000e+02, v31;
	v33 =	vmul.f32 $5.120000000e+02, v33;
	v47 =	vadd.f32 v23, v23;
	v48 =	vld [tilespmem:s5+$0x4060]  }
0x125: {  	v37 =	vmul.f32 $5.120000000e+02, v37;
	v27 =	vadd.f32 v21, v21;
	v26 =	vadd.f32 v29, v29;
	v29 =	vld [tilespmem:s5+$0x4070]  }
0x126: {  	v41 =	vmul.f32 $5.120000000e+02, v41;
	v25 =	vadd.f32 v25, v25;
	v23 =	vadd.f32 v40, v40;
	[tilespmem:v30+s28+$0x0] =	vst.idx.add.f32.msk $0xffff, v2  }
0x127: {  	v32 =	vmul.f32 $5.120000000e+02, v32;
	v22 =	vadd.f32 v43, v43;
	v21 =	vadd.f32 v45, v45;
	[tilespmem:v30+s29+$0x0] =	vst.idx.add.f32.msk $0xffff, v7  }
0x128: {  	v35 =	vmul.f32 $5.120000000e+02, v35;
	v30 =	vadd.f32 $-1.000000000e+00, v47;
	v7 =	vmovc v17;
	v20 =	vadd.f32 v20, v20;
	[tilespmem:v42+s28+$0x0] =	vst.idx.add.f32.msk $0xffff, v2  }
0x129: {  	v40 =	vadd.f32 $-1.000000000e+00, v26;
	v17 =	vadd.f32 $-1.000000000e+00, v27;
	v43 =	vmul.f32 $5.120000000e+02, v48;
	[tilespmem:v42+s29+$0x0] =	vst.idx.add.f32.msk $0xffff, v19  }
0x12a: {  	v19 =	vadd.f32 $-1.000000000e+00, v25;
	v42 =	vadd.f32 $-1.000000000e+00, v23;
	v29 =	vmul.f32 $5.120000000e+02, v29;
	[tilespmem:v46+s28+$0x0] =	vst.idx.add.f32.msk $0xffff, v2  }
0x12b: {  	v30 =	vmul.f32 v30, v31;
	v31 =	vadd.f32 $-1.000000000e+00, v22;
	v45 =	vadd.f32 $-1.000000000e+00, v21;
	[tilespmem:v46+s29+$0x0] =	vst.idx.add.f32.msk $0xffff, v18  }
0x12c: {  	v17 =	vmul.f32 v17, v33;
	v33 =	vadd.f32 $-1.000000000e+00, v20;
	v18 =	vmul.f32 v40, v37;
	[tilespmem:v44+s28+$0x0] =	vst.idx.add.f32.msk $0xffff, v2  }
0x12d: {  	v30 =	vsub.f32 $5.120000000e+02, v30;
	v37 =	vmul.f32 v19, v41;
	v32 =	vmul.f32 v42, v32;
	[tilespmem:v44+s29+$0x0] =	vst.idx.add.f32.msk $0xffff, v16  }
0x12e: {  	v31 =	vmul.f32 v31, v35;
	v35 =	vmul.f32 v45, v43;
	v16 =	vsub.f32 $5.120000000e+02, v17;
	[tilespmem:v34+s28+$0x0] =	vst.idx.add.f32.msk $0xffff, v2  }
0x12f: {  	v29 =	vmul.f32 v33, v29;
	v19 =	vmax.f32 v30, $0.0e+00;
	v17 =	vsub.f32 $5.120000000e+02, v18;
	[tilespmem:v34+s29+$0x0] =	vst.idx.add.f32.msk $0xffff, v6;
	v6 =	vmovc v12  }
0x130: {  	v12 =	vmax.f32 v28, v19;
	v18 =	vmax.f32 v16, $0.0e+00;
	v28 =	vsub.f32 $5.120000000e+02, v37;
	[tilespmem:v36+s28+$0x0] =	vst.idx.add.f32.msk $0xffff, v2  }
.Ltmp2:
0x131: {  	v30 =	vsub.f32 $5.120000000e+02, v32;
	v16 =	vmax.f32 v17, $0.0e+00;
	v12 =	vmax.f32 v12, v18;
	[tilespmem:v36+s29+$0x0] =	vst.idx.add.f32.msk $0xffff, v5;
	v5 =	vmovc v11;
	(pc) =	sbr.rel @p0 .LBB2_6-.Ltmp2, $4  }
0x132: {  	v11 =	vmax.f32 v12, v16;
	v17 =	vmax.f32 v28, $0.0e+00;
	v28 =	vsub.f32 $5.120000000e+02, v31;
	[tilespmem:v38+s28+$0x0] =	vst.idx.add.f32.msk $0xffff, v2  }
0x133: {  	v12 =	vmax.f32 v30, $0.0e+00;
	v31 =	vsub.f32 $5.120000000e+02, v35;
	v11 =	vmax.f32 v11, v17;
	[tilespmem:v38+s29+$0x0] =	vst.idx.add.f32.msk $0xffff, v4;
	v4 =	vmovc v8  }
0x134: {  	v29 =	vsub.f32 $5.120000000e+02, v29;
	v8 =	vmax.f32 v11, v12;
	v11 =	vmax.f32 v28, $0.0e+00;
	[tilespmem:v39+s28+$0x0] =	vst.idx.add.f32.msk $0xffff, v2  }
0x135: {  	s3 =	sadd.s32 $0x400, s3;
	s4 =	sadd.s32 $0x80, s4;
	v30 =	vmul.f32 $4.096000000e+03, v47;
	v28 =	vmax.f32 v8, v11;
	v8 =	vmax.f32 v31, $0.0e+00;
	[tilespmem:v39+s29+$0x0] =	vst.idx.add.f32.msk $0xffff, v3;
	v3 =	vmovc v24  }
0x136: {  	v24 =	vmin.f32 v19, $8.191000000e+03  }
0x137: {  	v27 =	vmul.f32 $4.096000000e+03, v27;
	v24 =	vadd.f32 v24, v30  }
0x138: {  	v26 =	vmul.f32 $4.096000000e+03, v26;
	v30 =	vmin.f32 v18, $8.191000000e+03  }
0x139: {  	v15 =	vor.u32 v1, v15;
	v27 =	vadd.f32 v30, v27;
	v24 =	vadd.f32 $8.388608000e+06, v24  }
0x13a: {  	v13 =	vor.u32 v1, v13;
	v30 =	vmin.f32 v16, $8.191000000e+03  }
0x13b: {  	v26 =	vadd.f32 v30, v26;
	v27 =	vadd.f32 $8.388608000e+06, v27;
	v24 =	vand.u32 $0x3FF0, v24  }
0x13c: {  	v24 =	vor.u32 v1, v24  }
0x13d: {  	v26 =	vadd.f32 $8.388608000e+06, v26;
	v27 =	vand.u32 $0x3FF0, v27  }
0x13e: {  	[tilespmem:v15+s28+$0x0] =	vst.idx.add.f32.msk $0xffff, v2;
	v27 =	vor.u32 v1, v27  }
0x13f: {  	[tilespmem:v13+s28+$0x0] =	vst.idx.add.f32.msk $0xffff, v2;
	v26 =	vand.u32 $0x3FF0, v26  }
0x140: {  	[tilespmem:v15+s29+$0x0] =	vst.idx.add.f32.msk $0xffff, v7;
	v26 =	vor.u32 v1, v26  }
0x141: {  	[tilespmem:v24+s28+$0x0] =	vst.idx.add.f32.msk $0xffff, v2  }
0x142: {  	v7 =	vor.u32 v1, v14;
	v14 =	vmul.f32 $4.096000000e+03, v25;
	[tilespmem:v24+s29+$0x0] =	vst.idx.add.f32.msk $0xffff, v19  }
0x143: {  	v15 =	vmin.f32 v17, $8.191000000e+03;
	[tilespmem:v27+s28+$0x0] =	vst.idx.add.f32.msk $0xffff, v2  }
0x144: {  	v14 =	vadd.f32 v15, v14;
	[tilespmem:v27+s29+$0x0] =	vst.idx.add.f32.msk $0xffff, v18;
	v18 =	vmul.f32 $4.096000000e+03, v23  }
0x145: {  	v10 =	vor.u32 v1, v10;
	v9 =	vor.u32 v1, v9;
	v19 =	vmin.f32 v12, $8.191000000e+03;
	[tilespmem:v26+s28+$0x0] =	vst.idx.add.f32.msk $0xffff, v2  }
0x146: {  	v14 =	vadd.f32 $8.388608000e+06, v14;
	[tilespmem:v26+s29+$0x0] =	vst.idx.add.f32.msk $0xffff, v16;
	v16 =	vmul.f32 $4.096000000e+03, v22;
	v18 =	vadd.f32 v19, v18  }
0x147: {  	v15 =	vmax.f32 v29, $0.0e+00;
	[tilespmem:v7+s28+$0x0] =	vst.idx.add.f32.msk $0xffff, v2;
	v19 =	vmul.f32 $4.096000000e+03, v21;
	v21 =	vmin.f32 v11, $8.191000000e+03  }
0x148: {  	[tilespmem:v7+s29+$0x0] =	vst.idx.add.f32.msk $0xffff, v6;
	v14 =	vand.u32 $0x3FF0, v14;
	v6 =	vadd.f32 v21, v16;
	v7 =	vadd.f32 $8.388608000e+06, v18  }
0x149: {  	[tilespmem:v13+s29+$0x0] =	vst.idx.add.f32.msk $0xffff, v5;
	v5 =	vor.u32 v1, v14;
	v16 =	vmul.f32 $4.096000000e+03, v20;
	v18 =	vmin.f32 v8, $8.191000000e+03  }
0x14a: {  	[tilespmem:v10+s28+$0x0] =	vst.idx.add.f32.msk $0xffff, v2;
	v13 =	vadd.f32 v18, v19;
	v6 =	vadd.f32 $8.388608000e+06, v6;
	v7 =	vand.u32 $0x3FF0, v7  }
0x14b: {  	[tilespmem:v10+s29+$0x0] =	vst.idx.add.f32.msk $0xffff, v4;
	v14 =	vmin.f32 v15, $8.191000000e+03;
	v4 =	vor.u32 v1, v7  }
0x14c: {  	[tilespmem:v9+s28+$0x0] =	vst.idx.add.f32.msk $0xffff, v2;
	v7 =	vadd.f32 v14, v16;
	v10 =	vadd.f32 $8.388608000e+06, v13;
	v6 =	vand.u32 $0x3FF0, v6  }
0x14d: {  	[tilespmem:v9+s29+$0x0] =	vst.idx.add.f32.msk $0xffff, v3;
	v3 =	vor.u32 v1, v6  }
0x14e: {  	[tilespmem:v5+s28+$0x0] =	vst.idx.add.f32.msk $0xffff, v2;
	v6 =	vadd.f32 $8.388608000e+06, v7;
	v7 =	vand.u32 $0x3FF0, v10  }
0x14f: {  	[tilespmem:v5+s29+$0x0] =	vst.idx.add.f32.msk $0xffff, v17;
	v7 =	vor.u32 v1, v7  }
0x150: {  	v5 =	vand.u32 $0x3FF0, v6;
	[tilespmem:v4+s28+$0x0] =	vst.idx.add.f32.msk $0xffff, v2  }
0x151: {  	v5 =	vor.u32 v1, v5;
	[tilespmem:v4+s29+$0x0] =	vst.idx.add.f32.msk $0xffff, v12  }
0x152: {  	[tilespmem:v3+s28+$0x0] =	vst.idx.add.f32.msk $0xffff, v2  }
0x153: {  	[tilespmem:v3+s29+$0x0] =	vst.idx.add.f32.msk $0xffff, v11  }
0x154: {  	[tilespmem:v7+s28+$0x0] =	vst.idx.add.f32.msk $0xffff, v2  }
0x155: {  	[tilespmem:v7+s29+$0x0] =	vst.idx.add.f32.msk $0xffff, v8  }
0x156: {  	[tilespmem:v5+s28+$0x0] =	vst.idx.add.f32.msk $0xffff, v2  }
0x157: {  	s1 =	simm.s32 $0x0;
	[tilespmem:v5+s29+$0x0] =	vst.idx.add.f32.msk $0xffff, v15  }
0x158: {  	[tilespmem:s24], [sflag:$0x2] =	stream.linear.gather [hbm4b:s9+s1], $0x4000, $0x38;
	[tilespmem:$0x18080] =	vst v63  }
0x159: {  	_ = 	snop  }
0x15a: {  	[tilespmem:s25], [sflag:$0x2] =	stream.linear.gather [hbm4b:s10+s1], $0x4000, $0x38;
	[tilespmem:$0x18080] =	vst v63  }
0x15b: {  	_ =	swait.ge [sflag:s26], $0x4000  }
0x15c: {  	[sflag:s26] =	ssyncset.done $0x0  }
0x15d: {  	[sflag:s26] =	ssyncadd.s32 $0xFFFFC000  }
0x15e: {  	s3 =	sand.u32 $0x3000, s1;
	s4 =	sand.u32 $0xC00, s1;
	_ =	swait.ge [sflag:s26], $0x4000  }
0x15f: {  	s3 =	sor.u32 s4, s3;
	s1 =	sand.u32 $0x380, s1;
	[sflag:s26] =	ssyncset.done $0x0  }
0x160: {  	s1 =	sor.u32 s1, s3;
	[sflag:s26] =	ssyncadd.s32 $0xFFFFC000  }
0x161: {  	v3 =	vld [tilespmem:s1+$0x0]  }
0x162: {  	v4 =	vld [tilespmem:s1+$0x10]  }
0x163: {  	v5 =	vld [tilespmem:s1+$0x20]  }
0x164: {  	v6 =	vld [tilespmem:s1+$0x30]  }
0x165: {  	v7 =	vld [tilespmem:s1+$0x40]  }
0x166: {  	v9 =	vld [tilespmem:s1+$0x50]  }
0x167: {  	v10 =	vld [tilespmem:s1+$0x8000]  }
0x168: {  	v11 =	vld [tilespmem:s1+$0x8010]  }
0x169: {  	v12 =	vld [tilespmem:s1+$0x8020]  }
0x16a: {  	v13 =	vld [tilespmem:s1+$0x8030]  }
0x16b: {  	v14 =	vld [tilespmem:s1+$0x8040]  }
0x16c: {  	v16 =	vld [tilespmem:s1+$0x8050]  }
0x16d: {  	v8 =	vmax.f32 v28, v8;
	v17 =	vld [tilespmem:s1+$0x8060]  }
0x16e: {  	v8 =	vmax.f32 v8, v15;
	v15 =	vld [tilespmem:s1+$0x8070]  }
0x16f: {  	v18 =	vld [tilespmem:s1+$0x60];
	v3 =	vmul.f32 $5.120000000e+02, v3;
	v10 =	vadd.f32 v10, v10;
	v4 =	vmul.f32 $5.120000000e+02, v4  }
0x170: {  	v19 =	vadd.f32 v11, v11;
	v5 =	vmul.f32 $5.120000000e+02, v5;
	v20 =	vadd.f32 v12, v12  }
0x171: {  	s6 =	simm.s32 $0x400;
	s4 =	simm.s32 $0x80;
	v6 =	vmul.f32 $5.120000000e+02, v6;
	v13 =	vadd.f32 v13, v13;
	v14 =	vadd.f32 v14, v14  }
0x172: {  	s5 =	sand.u32 $0xC00, s6;
	s3 =	sand.u32 $0x3000, s4;
	v11 =	vld [tilespmem:s1+$0x70];
	v7 =	vmul.f32 $5.120000000e+02, v7;
	v16 =	vadd.f32 v16, v16;
	v17 =	vadd.f32 v17, v17;
	s1 =	simm.s32 $0x20  }
0x173: {  	s3 =	sor.u32 s5, s3;
	v9 =	vmul.f32 $5.120000000e+02, v9;
	v15 =	vadd.f32 v15, v15;
	s6 =	sand.u32 $0x380, s1;
	v12 =	vadd.f32 $-1.000000000e+00, v10  }
0x174: {  	v18 =	vmul.f32 $5.120000000e+02, v18;
	v21 =	vadd.f32 $-1.000000000e+00, v19;
	v22 =	vadd.f32 $-1.000000000e+00, v20;
	s3 =	sor.u32 s6, s3  }
0x175: {  	v23 =	vadd.f32 $-1.000000000e+00, v13;
	v10 =	vmul.f32 $4.096000000e+03, v10;
	v19 =	vmul.f32 $4.096000000e+03, v19;
	v28 =	vld [tilespmem:s3+$0x20]  }
0x176: {  	v24 =	vadd.f32 $-1.000000000e+00, v14;
	v13 =	vmul.f32 $4.096000000e+03, v13;
	v14 =	vmul.f32 $4.096000000e+03, v14;
	v29 =	vld [tilespmem:s3+$0x30]  }
0x177: {  	v25 =	vadd.f32 $-1.000000000e+00, v17;
	v17 =	vmul.f32 $4.096000000e+03, v17;
	v30 =	vld [tilespmem:s3+$0x50];
	v3 =	vmul.f32 v12, v3  }
0x178: {  	v31 =	vld [tilespmem:s3+$0x8040];
	v12 =	vadd.f32 $-1.000000000e+00, v16;
	v4 =	vmul.f32 v21, v4;
	v5 =	vmul.f32 v22, v5  }
0x179: {  	v38 =	vld [tilespmem:s3+$0x60];
	v21 =	vadd.f32 $-1.000000000e+00, v15;
	v6 =	vmul.f32 v23, v6;
	v7 =	vmul.f32 v24, v7  }
0x17a: {  	v39 =	vld [tilespmem:s3+$0x70];
	v18 =	vmul.f32 v25, v18;
	v11 =	vmul.f32 $5.120000000e+02, v11;
	v3 =	vsub.f32 $5.120000000e+02, v3  }
0x17b: {  	v16 =	vmul.f32 $4.096000000e+03, v16;
	v15 =	vmul.f32 $4.096000000e+03, v15;
	v23 =	vld [tilespmem:s3+$0x10];
	v4 =	vsub.f32 $5.120000000e+02, v4  }
0x17c: {  	v9 =	vmul.f32 v12, v9;
	v21 =	vmul.f32 v21, v11;
	v12 =	vmax.f32 v3, $0.0e+00  }
0x17d: {  	v3 =	vsub.f32 $5.120000000e+02, v5;
	v11 =	vmax.f32 v4, $0.0e+00;
	v28 =	vmul.f32 $5.120000000e+02, v28  }
0x17e: {  	v4 =	vsub.f32 $5.120000000e+02, v6;
	v29 =	vmul.f32 $5.120000000e+02, v29;
	v30 =	vmul.f32 $5.120000000e+02, v30  }
0x17f: {  	v58 =	vmul.f32 $5.120000000e+02, v38;
	v39 =	vmul.f32 $5.120000000e+02, v39;
	v5 =	vmax.f32 v8, v12  }
0x180: {  	v22 =	vmin.f32 v11, $8.191000000e+03;
	v37 =	vmul.f32 $5.120000000e+02, v23;
	v23 =	vadd.f32 v31, v31  }
0x181: {  	v5 =	vmax.f32 v5, v11;
	v8 =	vmax.f32 v3, $0.0e+00;
	v3 =	vsub.f32 $5.120000000e+02, v7  }
0x182: {  	v7 =	vmax.f32 v4, $0.0e+00;
	v4 =	vsub.f32 $5.120000000e+02, v9;
	v19 =	vadd.f32 v22, v19  }
0x183: {  	v5 =	vmax.f32 v5, v8;
	v24 =	vmin.f32 v8, $8.191000000e+03;
	v25 =	vmin.f32 v7, $8.191000000e+03  }
0x184: {  	v6 =	vmax.f32 v3, $0.0e+00;
	v3 =	vsub.f32 $5.120000000e+02, v18;
	v18 =	vsub.f32 $5.120000000e+02, v21  }
0x185: {  	v5 =	vmax.f32 v5, v7;
	v13 =	vadd.f32 v25, v13;
	v19 =	vadd.f32 $8.388608000e+06, v19  }
0x186: {  	v9 =	vmax.f32 v5, v6;
	v5 =	vmax.f32 v4, $0.0e+00;
	v26 =	vmin.f32 v6, $8.191000000e+03  }
0x187: {  	v35 =	vld [tilespmem:s3+$0x8060];
	v4 =	vmax.f32 v3, $0.0e+00;
	v3 =	vmax.f32 v18, $0.0e+00;
	v18 =	vmul.f32 $4.096000000e+03, v20  }
0x188: {  	v21 =	vld [tilespmem:s3+$0x0];
	v20 =	vmin.f32 v12, $8.191000000e+03;
	v27 =	vmin.f32 v5, $8.191000000e+03;
	v14 =	vadd.f32 v26, v14  }
0x189: {  	v25 =	vld [tilespmem:s3+$0x8000];
	v9 =	vmax.f32 v9, v5;
	v13 =	vadd.f32 $8.388608000e+06, v13;
	v19 =	vand.u32 $0x3FF0, v19  }
0x18a: {  	v10 =	vadd.f32 v20, v10;
	v20 =	vmin.f32 v4, $8.191000000e+03;
	v16 =	vadd.f32 v27, v16  }
0x18b: {  	v9 =	vmax.f32 v9, v4;
	v18 =	vadd.f32 v24, v18;
	v24 =	vmin.f32 v3, $8.191000000e+03  }
0x18c: {  	v26 =	vld [tilespmem:s3+$0x8020];
	v56 =	vor.u32 v1, v19;
	v17 =	vadd.f32 v20, v17;
	v15 =	vadd.f32 v24, v15  }
0x18d: {  	v10 =	vadd.f32 $8.388608000e+06, v10;
	v24 =	vmax.f32 v9, v3;
	v16 =	vadd.f32 $8.388608000e+06, v16  }
0x18e: {  	v22 =	vld [tilespmem:s3+$0x40];
	v19 =	vmul.f32 $5.120000000e+02, v21;
	v36 =	vadd.f32 v25, v25;
	v21 =	vadd.f32 v35, v35  }
0x18f: {  	v20 =	vld [tilespmem:s3+$0x8010];
	v9 =	vadd.f32 $8.388608000e+06, v18;
	v17 =	vadd.f32 $8.388608000e+06, v17;
	v27 =	vand.u32 $0x3FF0, v10  }
0x190: {  	v18 =	vld [tilespmem:s3+$0x8030];
	v10 =	vadd.f32 $8.388608000e+06, v14;
	v32 =	vadd.f32 $8.388608000e+06, v15;
	v15 =	vand.u32 $0x3FF0, v13  }
0x191: {  	v13 =	vand.u32 $0x3FF0, v16;
	v16 =	vld [tilespmem:s3+$0x8070];
	v26 =	vadd.f32 v26, v26;
	v31 =	vadd.f32 $-1.000000000e+00, v36  }
0x192: {  	v33 =	vld [tilespmem:s3+$0x8050];
	v61 =	vadd.f32 $-1.000000000e+00, v21;
	v34 =	vand.u32 $0x3FF0, v9;
	v14 =	vand.u32 $0x3FF0, v10  }
0x193: {  	v10 =	vand.u32 $0x3FF0, v17;
	v9 =	vand.u32 $0x3FF0, v32;
	v17 =	vor.u32 v1, v27  }
0x194: {  	v34 =	vor.u32 v1, v34;
	v27 =	vadd.f32 v20, v20;
	v57 =	vadd.f32 $-1.000000000e+00, v26  }
0x195: {  	v19 =	vmul.f32 v31, v19;
	v31 =	vadd.f32 $-1.000000000e+00, v23;
	v25 =	vadd.f32 v18, v18  }
0x196: {  	v18 =	vmul.f32 $5.120000000e+02, v22;
	v20 =	vadd.f32 v16, v16;
	v16 =	vadd.f32 $-1.000000000e+00, v27  }
0x197: {  	v22 =	vadd.f32 v33, v33;
	v28 =	vmul.f32 v57, v28;
	v19 =	vsub.f32 $5.120000000e+02, v19  }
0x198: {  	v33 =	vmul.f32 v61, v58;
	v59 =	vadd.f32 $-1.000000000e+00, v25;
	v16 =	vmul.f32 v16, v37  }
0x199: {  	v60 =	vadd.f32 $-1.000000000e+00, v22;
	v31 =	vmul.f32 v31, v18;
	v19 =	vmax.f32 v19, $0.0e+00  }
0x19a: {  	v62 =	vadd.f32 $-1.000000000e+00, v20;
	v29 =	vmul.f32 v59, v29;
	v16 =	vsub.f32 $5.120000000e+02, v16  }
0x19b: {  	v28 =	vsub.f32 $5.120000000e+02, v28;
	v24 =	vmax.f32 v24, v19;
	v30 =	vmul.f32 v60, v30  }
0x19c: {  	[tilespmem:v17+s28+$0x0] =	vst.idx.add.f32.msk $0xffff, v2;
	v63 =	vmul.f32 v62, v39;
	v29 =	vsub.f32 $5.120000000e+02, v29;
	v18 =	vmax.f32 v16, $0.0e+00  }
0x19d: {  	[tilespmem:v17+s29+$0x0] =	vst.idx.add.f32.msk $0xffff, v12;
	v16 =	vmax.f32 v28, $0.0e+00;
	v12 =	vmax.f32 v24, v18;
	v24 =	vsub.f32 $5.120000000e+02, v31  }
0x19e: {  	[tilespmem:v56+s28+$0x0] =	vst.idx.add.f32.msk $0xffff, v2;
	v28 =	vsub.f32 $5.120000000e+02, v30;
	v17 =	vmax.f32 v29, $0.0e+00;
	v12 =	vmax.f32 v12, v16  }
0x19f: {  	[tilespmem:v56+s29+$0x0] =	vst.idx.add.f32.msk $0xffff, v11;
	v11 =	vmax.f32 v12, v17;
	v12 =	vmax.f32 v24, $0.0e+00;
	v24 =	vsub.f32 $5.120000000e+02, v33  }
0x1a0: {  	[tilespmem:v34+s28+$0x0] =	vst.idx.add.f32.msk $0xffff, v2;
	v29 =	vsub.f32 $5.120000000e+02, v63;
	v31 =	vmax.f32 v11, v12;
	v11 =	vmax.f32 v28, $0.0e+00  }
0x1a1: {  	s31 =	simm.s32 $0x8;
	s4 =	simm.s32 $0x100;
	s3 =	simm.s32 $0x800;
	[tilespmem:v34+s29+$0x0] =	vst.idx.add.f32.msk $0xffff, v8;
	v30 =	vmul.f32 $4.096000000e+03, v36;
	v28 =	vmax.f32 v31, v11;
	v8 =	vmax.f32 v24, $0.0e+00  }
.LBB2_8:
0x1a2: {  	s5 =	sand.u32 $0x3000, s4;
	s6 =	sand.u32 $0xC00, s3;
	v27 =	vmul.f32 $4.096000000e+03, v27;
	v28 =	vmax.f32 v28, v8;
	v24 =	vmax.f32 v29, $0.0e+00;
	s1 =	sadd.s32 $0x20, s1  }
0x1a3: {  	v26 =	vmul.f32 $4.096000000e+03, v26;
	v25 =	vmul.f32 $4.096000000e+03, v25;
	s5 =	sor.u32 s6, s5;
	s6 =	sand.u32 $0x380, s1;
	v28 =	vmax.f32 v28, v24  }
0x1a4: {  	v29 =	vmin.f32 v19, $8.191000000e+03;
	v23 =	vmul.f32 $4.096000000e+03, v23;
	v22 =	vmul.f32 $4.096000000e+03, v22;
	s5 =	sor.u32 s6, s5  }
0x1a5: {  	v32 =	vmin.f32 v18, $8.191000000e+03;
	v21 =	vmul.f32 $4.096000000e+03, v21;
	v20 =	vmul.f32 $4.096000000e+03, v20;
	v31 =	vld [tilespmem:s5+$0x0]  }
0x1a6: {  	v34 =	vmin.f32 v16, $8.191000000e+03;
	v35 =	vmin.f32 v17, $8.191000000e+03;
	v36 =	vmin.f32 v12, $8.191000000e+03;
	v33 =	vld [tilespmem:s5+$0x10]  }
0x1a7: {  	v38 =	vmin.f32 v11, $8.191000000e+03;
	v39 =	vmin.f32 v8, $8.191000000e+03;
	v40 =	vmin.f32 v24, $8.191000000e+03;
	v37 =	vld [tilespmem:s5+$0x20]  }
0x1a8: {  	v29 =	vadd.f32 v29, v30;
	v30 =	vor.u32 v1, v15;
	v27 =	vadd.f32 v32, v27;
	v41 =	vld [tilespmem:s5+$0x30]  }
0x1a9: {  	v15 =	vadd.f32 v34, v26;
	v25 =	vadd.f32 v35, v25;
	v34 =	vor.u32 v1, v14;
	v32 =	vld [tilespmem:s5+$0x40]  }
0x1aa: {  	s31 =	sadd.s32 $0x8, s31;
	v14 =	vadd.f32 v36, v23;
	v22 =	vadd.f32 v38, v22;
	v36 =	vor.u32 v1, v13;
	v35 =	vld [tilespmem:s5+$0x50]  }
0x1ab: {  	p0 =	slt.u32 s31, $0x3F8;
	v13 =	vadd.f32 v39, v21;
	v20 =	vadd.f32 v40, v20;
	v38 =	vor.u32 v1, v10;
	v23 =	vld [tilespmem:s5+$0x8000]  }
0x1ac: {  	v39 =	vor.u32 v1, v9;
	v10 =	vadd.f32 $8.388608000e+06, v29;
	v26 =	vadd.f32 $8.388608000e+06, v27;
	v21 =	vld [tilespmem:s5+$0x8010]  }
0x1ad: {  	v9 =	vadd.f32 $8.388608000e+06, v15;
	v15 =	vadd.f32 $8.388608000e+06, v25;
	v29 =	vld [tilespmem:s5+$0x8020]  }
0x1ae: {  	v22 =	vadd.f32 $8.388608000e+06, v22;
	v27 =	vand.u32 $0x3FF0, v10;
	v10 =	vadd.f32 $8.388608000e+06, v14;
	v25 =	vld [tilespmem:s5+$0x8030]  }
0x1af: {  	v42 =	vadd.f32 $8.388608000e+06, v13;
	v20 =	vadd.f32 $8.388608000e+06, v20;
	v26 =	vand.u32 $0x3FF0, v26;
	v40 =	vld [tilespmem:s5+$0x8040]  }
0x1b0: {  	v44 =	vand.u32 $0x3FF0, v9;
	v15 =	vand.u32 $0x3FF0, v15;
	v14 =	vand.u32 $0x3FF0, v10;
	v43 =	vld [tilespmem:s5+$0x8050]  }
0x1b1: {  	v13 =	vand.u32 $0x3FF0, v22;
	v9 =	vand.u32 $0x3FF0, v20;
	v10 =	vand.u32 $0x3FF0, v42;
	v45 =	vld [tilespmem:s5+$0x8060]  }
0x1b2: {  	v42 =	vor.u32 v1, v27;
	v46 =	vor.u32 v1, v26;
	v44 =	vor.u32 v1, v44;
	v20 =	vld [tilespmem:s5+$0x8070]  }
0x1b3: {  	v31 =	vmul.f32 $5.120000000e+02, v31;
	v33 =	vmul.f32 $5.120000000e+02, v33;
	v47 =	vadd.f32 v23, v23;
	v48 =	vld [tilespmem:s5+$0x60]  }
0x1b4: {  	v37 =	vmul.f32 $5.120000000e+02, v37;
	v27 =	vadd.f32 v21, v21;
	v26 =	vadd.f32 v29, v29;
	v29 =	vld [tilespmem:s5+$0x70]  }
0x1b5: {  	v41 =	vmul.f32 $5.120000000e+02, v41;
	v25 =	vadd.f32 v25, v25;
	v23 =	vadd.f32 v40, v40;
	[tilespmem:v30+s28+$0x0] =	vst.idx.add.f32.msk $0xffff, v2  }
0x1b6: {  	v32 =	vmul.f32 $5.120000000e+02, v32;
	v22 =	vadd.f32 v43, v43;
	v21 =	vadd.f32 v45, v45;
	[tilespmem:v30+s29+$0x0] =	vst.idx.add.f32.msk $0xffff, v7  }
0x1b7: {  	v35 =	vmul.f32 $5.120000000e+02, v35;
	v30 =	vadd.f32 $-1.000000000e+00, v47;
	v7 =	vmovc v17;
	v20 =	vadd.f32 v20, v20;
	[tilespmem:v42+s28+$0x0] =	vst.idx.add.f32.msk $0xffff, v2  }
0x1b8: {  	v40 =	vadd.f32 $-1.000000000e+00, v26;
	v17 =	vadd.f32 $-1.000000000e+00, v27;
	v43 =	vmul.f32 $5.120000000e+02, v48;
	[tilespmem:v42+s29+$0x0] =	vst.idx.add.f32.msk $0xffff, v19  }
0x1b9: {  	v19 =	vadd.f32 $-1.000000000e+00, v25;
	v42 =	vadd.f32 $-1.000000000e+00, v23;
	v29 =	vmul.f32 $5.120000000e+02, v29;
	[tilespmem:v46+s28+$0x0] =	vst.idx.add.f32.msk $0xffff, v2  }
0x1ba: {  	v30 =	vmul.f32 v30, v31;
	v31 =	vadd.f32 $-1.000000000e+00, v22;
	v45 =	vadd.f32 $-1.000000000e+00, v21;
	[tilespmem:v46+s29+$0x0] =	vst.idx.add.f32.msk $0xffff, v18  }
0x1bb: {  	v17 =	vmul.f32 v17, v33;
	v33 =	vadd.f32 $-1.000000000e+00, v20;
	v18 =	vmul.f32 v40, v37;
	[tilespmem:v44+s28+$0x0] =	vst.idx.add.f32.msk $0xffff, v2  }
0x1bc: {  	v30 =	vsub.f32 $5.120000000e+02, v30;
	v37 =	vmul.f32 v19, v41;
	v32 =	vmul.f32 v42, v32;
	[tilespmem:v44+s29+$0x0] =	vst.idx.add.f32.msk $0xffff, v16  }
0x1bd: {  	v31 =	vmul.f32 v31, v35;
	v35 =	vmul.f32 v45, v43;
	v16 =	vsub.f32 $5.120000000e+02, v17;
	[tilespmem:v34+s28+$0x0] =	vst.idx.add.f32.msk $0xffff, v2  }
0x1be: {  	v29 =	vmul.f32 v33, v29;
	v19 =	vmax.f32 v30, $0.0e+00;
	v17 =	vsub.f32 $5.120000000e+02, v18;
	[tilespmem:v34+s29+$0x0] =	vst.idx.add.f32.msk $0xffff, v6;
	v6 =	vmovc v12  }
0x1bf: {  	v12 =	vmax.f32 v28, v19;
	v18 =	vmax.f32 v16, $0.0e+00;
	v28 =	vsub.f32 $5.120000000e+02, v37;
	[tilespmem:v36+s28+$0x0] =	vst.idx.add.f32.msk $0xffff, v2  }
.Ltmp3:
0x1c0: {  	v30 =	vsub.f32 $5.120000000e+02, v32;
	v16 =	vmax.f32 v17, $0.0e+00;
	v12 =	vmax.f32 v12, v18;
	[tilespmem:v36+s29+$0x0] =	vst.idx.add.f32.msk $0xffff, v5;
	v5 =	vmovc v11;
	(pc) =	sbr.rel @p0 .LBB2_8-.Ltmp3, $4  }
0x1c1: {  	v11 =	vmax.f32 v12, v16;
	v17 =	vmax.f32 v28, $0.0e+00;
	v28 =	vsub.f32 $5.120000000e+02, v31;
	[tilespmem:v38+s28+$0x0] =	vst.idx.add.f32.msk $0xffff, v2  }
0x1c2: {  	v12 =	vmax.f32 v30, $0.0e+00;
	v31 =	vsub.f32 $5.120000000e+02, v35;
	v11 =	vmax.f32 v11, v17;
	[tilespmem:v38+s29+$0x0] =	vst.idx.add.f32.msk $0xffff, v4;
	v4 =	vmovc v8  }
0x1c3: {  	v29 =	vsub.f32 $5.120000000e+02, v29;
	v8 =	vmax.f32 v11, v12;
	v11 =	vmax.f32 v28, $0.0e+00;
	[tilespmem:v39+s28+$0x0] =	vst.idx.add.f32.msk $0xffff, v2  }
0x1c4: {  	s3 =	sadd.s32 $0x400, s3;
	s4 =	sadd.s32 $0x80, s4;
	v30 =	vmul.f32 $4.096000000e+03, v47;
	v28 =	vmax.f32 v8, v11;
	v8 =	vmax.f32 v31, $0.0e+00;
	[tilespmem:v39+s29+$0x0] =	vst.idx.add.f32.msk $0xffff, v3;
	v3 =	vmovc v24  }
0x1c5: {  	v24 =	vmin.f32 v19, $8.191000000e+03  }
0x1c6: {  	v27 =	vmul.f32 $4.096000000e+03, v27;
	v24 =	vadd.f32 v24, v30  }
0x1c7: {  	v26 =	vmul.f32 $4.096000000e+03, v26;
	v30 =	vmin.f32 v18, $8.191000000e+03  }
0x1c8: {  	v15 =	vor.u32 v1, v15;
	v27 =	vadd.f32 v30, v27;
	v24 =	vadd.f32 $8.388608000e+06, v24  }
0x1c9: {  	v13 =	vor.u32 v1, v13;
	v30 =	vmin.f32 v16, $8.191000000e+03  }
0x1ca: {  	v26 =	vadd.f32 v30, v26;
	v27 =	vadd.f32 $8.388608000e+06, v27;
	v24 =	vand.u32 $0x3FF0, v24  }
0x1cb: {  	v24 =	vor.u32 v1, v24  }
0x1cc: {  	v26 =	vadd.f32 $8.388608000e+06, v26;
	v27 =	vand.u32 $0x3FF0, v27  }
0x1cd: {  	[tilespmem:v15+s28+$0x0] =	vst.idx.add.f32.msk $0xffff, v2;
	v27 =	vor.u32 v1, v27  }
0x1ce: {  	[tilespmem:v13+s28+$0x0] =	vst.idx.add.f32.msk $0xffff, v2;
	v26 =	vand.u32 $0x3FF0, v26  }
0x1cf: {  	[tilespmem:v15+s29+$0x0] =	vst.idx.add.f32.msk $0xffff, v7;
	v26 =	vor.u32 v1, v26  }
0x1d0: {  	[tilespmem:v24+s28+$0x0] =	vst.idx.add.f32.msk $0xffff, v2  }
0x1d1: {  	v7 =	vor.u32 v1, v14;
	v14 =	vmul.f32 $4.096000000e+03, v25;
	[tilespmem:v24+s29+$0x0] =	vst.idx.add.f32.msk $0xffff, v19  }
0x1d2: {  	v15 =	vmin.f32 v17, $8.191000000e+03;
	[tilespmem:v27+s28+$0x0] =	vst.idx.add.f32.msk $0xffff, v2  }
0x1d3: {  	v14 =	vadd.f32 v15, v14;
	[tilespmem:v27+s29+$0x0] =	vst.idx.add.f32.msk $0xffff, v18;
	v18 =	vmul.f32 $4.096000000e+03, v23  }
0x1d4: {  	v10 =	vor.u32 v1, v10;
	v9 =	vor.u32 v1, v9;
	v19 =	vmin.f32 v12, $8.191000000e+03;
	[tilespmem:v26+s28+$0x0] =	vst.idx.add.f32.msk $0xffff, v2  }
0x1d5: {  	v14 =	vadd.f32 $8.388608000e+06, v14;
	[tilespmem:v26+s29+$0x0] =	vst.idx.add.f32.msk $0xffff, v16;
	v16 =	vmul.f32 $4.096000000e+03, v22;
	v18 =	vadd.f32 v19, v18  }
0x1d6: {  	v15 =	vmax.f32 v29, $0.0e+00;
	[tilespmem:v7+s28+$0x0] =	vst.idx.add.f32.msk $0xffff, v2;
	v19 =	vmul.f32 $4.096000000e+03, v21;
	v21 =	vmin.f32 v11, $8.191000000e+03  }
0x1d7: {  	[tilespmem:v7+s29+$0x0] =	vst.idx.add.f32.msk $0xffff, v6;
	v14 =	vand.u32 $0x3FF0, v14;
	v6 =	vadd.f32 v21, v16;
	v7 =	vadd.f32 $8.388608000e+06, v18  }
0x1d8: {  	[tilespmem:v13+s29+$0x0] =	vst.idx.add.f32.msk $0xffff, v5;
	v5 =	vor.u32 v1, v14;
	v16 =	vmul.f32 $4.096000000e+03, v20;
	v18 =	vmin.f32 v8, $8.191000000e+03  }
0x1d9: {  	[tilespmem:v10+s28+$0x0] =	vst.idx.add.f32.msk $0xffff, v2;
	v13 =	vadd.f32 v18, v19;
	v6 =	vadd.f32 $8.388608000e+06, v6;
	v7 =	vand.u32 $0x3FF0, v7  }
0x1da: {  	[tilespmem:v10+s29+$0x0] =	vst.idx.add.f32.msk $0xffff, v4;
	v14 =	vmin.f32 v15, $8.191000000e+03;
	v4 =	vor.u32 v1, v7  }
0x1db: {  	[tilespmem:v9+s28+$0x0] =	vst.idx.add.f32.msk $0xffff, v2;
	v7 =	vadd.f32 v14, v16;
	v10 =	vadd.f32 $8.388608000e+06, v13;
	v6 =	vand.u32 $0x3FF0, v6  }
0x1dc: {  	[tilespmem:v9+s29+$0x0] =	vst.idx.add.f32.msk $0xffff, v3;
	v3 =	vor.u32 v1, v6  }
0x1dd: {  	[tilespmem:v5+s28+$0x0] =	vst.idx.add.f32.msk $0xffff, v2;
	v6 =	vadd.f32 $8.388608000e+06, v7;
	v7 =	vand.u32 $0x3FF0, v10  }
0x1de: {  	[tilespmem:v5+s29+$0x0] =	vst.idx.add.f32.msk $0xffff, v17;
	v7 =	vor.u32 v1, v7  }
0x1df: {  	v5 =	vand.u32 $0x3FF0, v6;
	[tilespmem:v4+s28+$0x0] =	vst.idx.add.f32.msk $0xffff, v2  }
0x1e0: {  	v5 =	vor.u32 v1, v5;
	[tilespmem:v4+s29+$0x0] =	vst.idx.add.f32.msk $0xffff, v12  }
0x1e1: {  	[tilespmem:v3+s28+$0x0] =	vst.idx.add.f32.msk $0xffff, v2  }
0x1e2: {  	[tilespmem:v3+s29+$0x0] =	vst.idx.add.f32.msk $0xffff, v11  }
0x1e3: {  	[tilespmem:v7+s28+$0x0] =	vst.idx.add.f32.msk $0xffff, v2  }
0x1e4: {  	[tilespmem:v7+s29+$0x0] =	vst.idx.add.f32.msk $0xffff, v8  }
0x1e5: {  	[tilespmem:v5+s28+$0x0] =	vst.idx.add.f32.msk $0xffff, v2  }
0x1e6: {  	s1 =	simm.s32 $0x0;
	[tilespmem:v5+s29+$0x0] =	vst.idx.add.f32.msk $0xffff, v15  }
0x1e7: {  	[tilespmem:s1], [sflag:$0x1] =	stream.linear.gather [hbm4b:s11+s1], $0x4000, $0x38;
	[tilespmem:$0x18080] =	vst v63  }
0x1e8: {  	_ = 	snop  }
0x1e9: {  	[tilespmem:s23], [sflag:$0x1] =	stream.linear.gather [hbm4b:s12+s1], $0x4000, $0x38;
	[tilespmem:$0x18080] =	vst v63  }
0x1ea: {  	_ =	swait.ge [sflag:s30], $0x4000  }
0x1eb: {  	[sflag:s30] =	ssyncset.done $0x0  }
0x1ec: {  	[sflag:s30] =	ssyncadd.s32 $0xFFFFC000  }
0x1ed: {  	s3 =	sand.u32 $0x3000, s1;
	s4 =	sand.u32 $0xC00, s1;
	_ =	swait.ge [sflag:s30], $0x4000  }
0x1ee: {  	s3 =	sor.u32 s4, s3;
	s1 =	sand.u32 $0x380, s1;
	[sflag:s30] =	ssyncset.done $0x0  }
0x1ef: {  	s1 =	sor.u32 s1, s3;
	[sflag:s30] =	ssyncadd.s32 $0xFFFFC000  }
0x1f0: {  	v3 =	vld [tilespmem:s1+$0x4000]  }
0x1f1: {  	v4 =	vld [tilespmem:s1+$0x4010]  }
0x1f2: {  	v5 =	vld [tilespmem:s1+$0x4020]  }
0x1f3: {  	v6 =	vld [tilespmem:s1+$0x4030]  }
0x1f4: {  	v7 =	vld [tilespmem:s1+$0x4040]  }
0x1f5: {  	v9 =	vld [tilespmem:s1+$0x4050]  }
0x1f6: {  	v10 =	vld [tilespmem:s1+$0xC000]  }
0x1f7: {  	v11 =	vld [tilespmem:s1+$0xC010]  }
0x1f8: {  	v12 =	vld [tilespmem:s1+$0xC020]  }
0x1f9: {  	v13 =	vld [tilespmem:s1+$0xC030]  }
0x1fa: {  	v14 =	vld [tilespmem:s1+$0xC040]  }
0x1fb: {  	v16 =	vld [tilespmem:s1+$0xC050]  }
0x1fc: {  	v8 =	vmax.f32 v28, v8;
	v17 =	vld [tilespmem:s1+$0xC060]  }
0x1fd: {  	v8 =	vmax.f32 v8, v15;
	v15 =	vld [tilespmem:s1+$0xC070]  }
0x1fe: {  	v18 =	vld [tilespmem:s1+$0x4060];
	v3 =	vmul.f32 $5.120000000e+02, v3;
	v10 =	vadd.f32 v10, v10;
	v4 =	vmul.f32 $5.120000000e+02, v4  }
0x1ff: {  	v19 =	vadd.f32 v11, v11;
	v5 =	vmul.f32 $5.120000000e+02, v5;
	v20 =	vadd.f32 v12, v12  }
0x200: {  	s6 =	simm.s32 $0x400;
	s4 =	simm.s32 $0x80;
	v6 =	vmul.f32 $5.120000000e+02, v6;
	v13 =	vadd.f32 v13, v13;
	v14 =	vadd.f32 v14, v14  }
0x201: {  	s5 =	sand.u32 $0xC00, s6;
	s3 =	sand.u32 $0x3000, s4;
	v11 =	vld [tilespmem:s1+$0x4070];
	v7 =	vmul.f32 $5.120000000e+02, v7;
	v16 =	vadd.f32 v16, v16;
	v17 =	vadd.f32 v17, v17;
	s1 =	simm.s32 $0x20  }
0x202: {  	s3 =	sor.u32 s5, s3;
	v9 =	vmul.f32 $5.120000000e+02, v9;
	v15 =	vadd.f32 v15, v15;
	s6 =	sand.u32 $0x380, s1;
	v12 =	vadd.f32 $-1.000000000e+00, v10  }
0x203: {  	v18 =	vmul.f32 $5.120000000e+02, v18;
	v21 =	vadd.f32 $-1.000000000e+00, v19;
	v22 =	vadd.f32 $-1.000000000e+00, v20;
	s3 =	sor.u32 s6, s3  }
0x204: {  	v23 =	vadd.f32 $-1.000000000e+00, v13;
	v10 =	vmul.f32 $4.096000000e+03, v10;
	v19 =	vmul.f32 $4.096000000e+03, v19;
	v28 =	vld [tilespmem:s3+$0x4020]  }
0x205: {  	v24 =	vadd.f32 $-1.000000000e+00, v14;
	v13 =	vmul.f32 $4.096000000e+03, v13;
	v14 =	vmul.f32 $4.096000000e+03, v14;
	v29 =	vld [tilespmem:s3+$0x4030]  }
0x206: {  	v25 =	vadd.f32 $-1.000000000e+00, v17;
	v17 =	vmul.f32 $4.096000000e+03, v17;
	v30 =	vld [tilespmem:s3+$0x4050];
	v3 =	vmul.f32 v12, v3  }
0x207: {  	v31 =	vld [tilespmem:s3+$0xC040];
	v12 =	vadd.f32 $-1.000000000e+00, v16;
	v4 =	vmul.f32 v21, v4;
	v5 =	vmul.f32 v22, v5  }
0x208: {  	v38 =	vld [tilespmem:s3+$0x4060];
	v21 =	vadd.f32 $-1.000000000e+00, v15;
	v6 =	vmul.f32 v23, v6;
	v7 =	vmul.f32 v24, v7  }
0x209: {  	v39 =	vld [tilespmem:s3+$0x4070];
	v18 =	vmul.f32 v25, v18;
	v11 =	vmul.f32 $5.120000000e+02, v11;
	v3 =	vsub.f32 $5.120000000e+02, v3  }
0x20a: {  	v16 =	vmul.f32 $4.096000000e+03, v16;
	v15 =	vmul.f32 $4.096000000e+03, v15;
	v23 =	vld [tilespmem:s3+$0x4010];
	v4 =	vsub.f32 $5.120000000e+02, v4  }
0x20b: {  	v9 =	vmul.f32 v12, v9;
	v21 =	vmul.f32 v21, v11;
	v12 =	vmax.f32 v3, $0.0e+00  }
0x20c: {  	v3 =	vsub.f32 $5.120000000e+02, v5;
	v11 =	vmax.f32 v4, $0.0e+00;
	v28 =	vmul.f32 $5.120000000e+02, v28  }
0x20d: {  	v4 =	vsub.f32 $5.120000000e+02, v6;
	v29 =	vmul.f32 $5.120000000e+02, v29;
	v30 =	vmul.f32 $5.120000000e+02, v30  }
0x20e: {  	v58 =	vmul.f32 $5.120000000e+02, v38;
	v39 =	vmul.f32 $5.120000000e+02, v39;
	v5 =	vmax.f32 v8, v12  }
0x20f: {  	v22 =	vmin.f32 v11, $8.191000000e+03;
	v37 =	vmul.f32 $5.120000000e+02, v23;
	v23 =	vadd.f32 v31, v31  }
0x210: {  	v5 =	vmax.f32 v5, v11;
	v8 =	vmax.f32 v3, $0.0e+00;
	v3 =	vsub.f32 $5.120000000e+02, v7  }
0x211: {  	v7 =	vmax.f32 v4, $0.0e+00;
	v4 =	vsub.f32 $5.120000000e+02, v9;
	v19 =	vadd.f32 v22, v19  }
0x212: {  	v5 =	vmax.f32 v5, v8;
	v24 =	vmin.f32 v8, $8.191000000e+03;
	v25 =	vmin.f32 v7, $8.191000000e+03  }
0x213: {  	v6 =	vmax.f32 v3, $0.0e+00;
	v3 =	vsub.f32 $5.120000000e+02, v18;
	v18 =	vsub.f32 $5.120000000e+02, v21  }
0x214: {  	v5 =	vmax.f32 v5, v7;
	v13 =	vadd.f32 v25, v13;
	v19 =	vadd.f32 $8.388608000e+06, v19  }
0x215: {  	v9 =	vmax.f32 v5, v6;
	v5 =	vmax.f32 v4, $0.0e+00;
	v26 =	vmin.f32 v6, $8.191000000e+03  }
0x216: {  	v35 =	vld [tilespmem:s3+$0xC060];
	v4 =	vmax.f32 v3, $0.0e+00;
	v3 =	vmax.f32 v18, $0.0e+00;
	v18 =	vmul.f32 $4.096000000e+03, v20  }
0x217: {  	v21 =	vld [tilespmem:s3+$0x4000];
	v20 =	vmin.f32 v12, $8.191000000e+03;
	v27 =	vmin.f32 v5, $8.191000000e+03;
	v14 =	vadd.f32 v26, v14  }
0x218: {  	v25 =	vld [tilespmem:s3+$0xC000];
	v9 =	vmax.f32 v9, v5;
	v13 =	vadd.f32 $8.388608000e+06, v13;
	v19 =	vand.u32 $0x3FF0, v19  }
0x219: {  	v10 =	vadd.f32 v20, v10;
	v20 =	vmin.f32 v4, $8.191000000e+03;
	v16 =	vadd.f32 v27, v16  }
0x21a: {  	v9 =	vmax.f32 v9, v4;
	v18 =	vadd.f32 v24, v18;
	v24 =	vmin.f32 v3, $8.191000000e+03  }
0x21b: {  	v26 =	vld [tilespmem:s3+$0xC020];
	v56 =	vor.u32 v1, v19;
	v17 =	vadd.f32 v20, v17;
	v15 =	vadd.f32 v24, v15  }
0x21c: {  	v10 =	vadd.f32 $8.388608000e+06, v10;
	v24 =	vmax.f32 v9, v3;
	v16 =	vadd.f32 $8.388608000e+06, v16  }
0x21d: {  	v22 =	vld [tilespmem:s3+$0x4040];
	v19 =	vmul.f32 $5.120000000e+02, v21;
	v36 =	vadd.f32 v25, v25;
	v21 =	vadd.f32 v35, v35  }
0x21e: {  	v20 =	vld [tilespmem:s3+$0xC010];
	v9 =	vadd.f32 $8.388608000e+06, v18;
	v17 =	vadd.f32 $8.388608000e+06, v17;
	v27 =	vand.u32 $0x3FF0, v10  }
0x21f: {  	v18 =	vld [tilespmem:s3+$0xC030];
	v10 =	vadd.f32 $8.388608000e+06, v14;
	v32 =	vadd.f32 $8.388608000e+06, v15;
	v15 =	vand.u32 $0x3FF0, v13  }
0x220: {  	v13 =	vand.u32 $0x3FF0, v16;
	v16 =	vld [tilespmem:s3+$0xC070];
	v26 =	vadd.f32 v26, v26;
	v31 =	vadd.f32 $-1.000000000e+00, v36  }
0x221: {  	v33 =	vld [tilespmem:s3+$0xC050];
	v61 =	vadd.f32 $-1.000000000e+00, v21;
	v34 =	vand.u32 $0x3FF0, v9;
	v14 =	vand.u32 $0x3FF0, v10  }
0x222: {  	v10 =	vand.u32 $0x3FF0, v17;
	v9 =	vand.u32 $0x3FF0, v32;
	v17 =	vor.u32 v1, v27  }
0x223: {  	v34 =	vor.u32 v1, v34;
	v27 =	vadd.f32 v20, v20;
	v57 =	vadd.f32 $-1.000000000e+00, v26  }
0x224: {  	v19 =	vmul.f32 v31, v19;
	v31 =	vadd.f32 $-1.000000000e+00, v23;
	v25 =	vadd.f32 v18, v18  }
0x225: {  	v18 =	vmul.f32 $5.120000000e+02, v22;
	v20 =	vadd.f32 v16, v16;
	v16 =	vadd.f32 $-1.000000000e+00, v27  }
0x226: {  	v22 =	vadd.f32 v33, v33;
	v28 =	vmul.f32 v57, v28;
	v19 =	vsub.f32 $5.120000000e+02, v19  }
0x227: {  	v33 =	vmul.f32 v61, v58;
	v59 =	vadd.f32 $-1.000000000e+00, v25;
	v16 =	vmul.f32 v16, v37  }
0x228: {  	v60 =	vadd.f32 $-1.000000000e+00, v22;
	v31 =	vmul.f32 v31, v18;
	v19 =	vmax.f32 v19, $0.0e+00  }
0x229: {  	v62 =	vadd.f32 $-1.000000000e+00, v20;
	v29 =	vmul.f32 v59, v29;
	v16 =	vsub.f32 $5.120000000e+02, v16  }
0x22a: {  	v28 =	vsub.f32 $5.120000000e+02, v28;
	v24 =	vmax.f32 v24, v19;
	v30 =	vmul.f32 v60, v30  }
0x22b: {  	[tilespmem:v17+s28+$0x0] =	vst.idx.add.f32.msk $0xffff, v2;
	v63 =	vmul.f32 v62, v39;
	v29 =	vsub.f32 $5.120000000e+02, v29;
	v18 =	vmax.f32 v16, $0.0e+00  }
0x22c: {  	[tilespmem:v17+s29+$0x0] =	vst.idx.add.f32.msk $0xffff, v12;
	v16 =	vmax.f32 v28, $0.0e+00;
	v12 =	vmax.f32 v24, v18;
	v24 =	vsub.f32 $5.120000000e+02, v31  }
0x22d: {  	[tilespmem:v56+s28+$0x0] =	vst.idx.add.f32.msk $0xffff, v2;
	v28 =	vsub.f32 $5.120000000e+02, v30;
	v17 =	vmax.f32 v29, $0.0e+00;
	v12 =	vmax.f32 v12, v16  }
0x22e: {  	[tilespmem:v56+s29+$0x0] =	vst.idx.add.f32.msk $0xffff, v11;
	v11 =	vmax.f32 v12, v17;
	v12 =	vmax.f32 v24, $0.0e+00;
	v24 =	vsub.f32 $5.120000000e+02, v33  }
0x22f: {  	[tilespmem:v34+s28+$0x0] =	vst.idx.add.f32.msk $0xffff, v2;
	v29 =	vsub.f32 $5.120000000e+02, v63;
	v31 =	vmax.f32 v11, v12;
	v11 =	vmax.f32 v28, $0.0e+00  }
0x230: {  	s31 =	simm.s32 $0x8;
	s4 =	simm.s32 $0x100;
	s3 =	simm.s32 $0x800;
	[tilespmem:v34+s29+$0x0] =	vst.idx.add.f32.msk $0xffff, v8;
	v30 =	vmul.f32 $4.096000000e+03, v36;
	v28 =	vmax.f32 v31, v11;
	v8 =	vmax.f32 v24, $0.0e+00  }
.LBB2_10:
0x231: {  	s5 =	sand.u32 $0x3000, s4;
	s6 =	sand.u32 $0xC00, s3;
	v27 =	vmul.f32 $4.096000000e+03, v27;
	v28 =	vmax.f32 v28, v8;
	v24 =	vmax.f32 v29, $0.0e+00;
	s1 =	sadd.s32 $0x20, s1  }
0x232: {  	v26 =	vmul.f32 $4.096000000e+03, v26;
	v25 =	vmul.f32 $4.096000000e+03, v25;
	s5 =	sor.u32 s6, s5;
	s6 =	sand.u32 $0x380, s1;
	v28 =	vmax.f32 v28, v24  }
0x233: {  	v29 =	vmin.f32 v19, $8.191000000e+03;
	v23 =	vmul.f32 $4.096000000e+03, v23;
	v22 =	vmul.f32 $4.096000000e+03, v22;
	s5 =	sor.u32 s6, s5  }
0x234: {  	v32 =	vmin.f32 v18, $8.191000000e+03;
	v21 =	vmul.f32 $4.096000000e+03, v21;
	v20 =	vmul.f32 $4.096000000e+03, v20;
	v31 =	vld [tilespmem:s5+$0x4000]  }
0x235: {  	v34 =	vmin.f32 v16, $8.191000000e+03;
	v35 =	vmin.f32 v17, $8.191000000e+03;
	v36 =	vmin.f32 v12, $8.191000000e+03;
	v33 =	vld [tilespmem:s5+$0x4010]  }
0x236: {  	v38 =	vmin.f32 v11, $8.191000000e+03;
	v39 =	vmin.f32 v8, $8.191000000e+03;
	v40 =	vmin.f32 v24, $8.191000000e+03;
	v37 =	vld [tilespmem:s5+$0x4020]  }
0x237: {  	v29 =	vadd.f32 v29, v30;
	v30 =	vor.u32 v1, v15;
	v27 =	vadd.f32 v32, v27;
	v41 =	vld [tilespmem:s5+$0x4030]  }
0x238: {  	v15 =	vadd.f32 v34, v26;
	v25 =	vadd.f32 v35, v25;
	v34 =	vor.u32 v1, v14;
	v32 =	vld [tilespmem:s5+$0x4040]  }
0x239: {  	s31 =	sadd.s32 $0x8, s31;
	v14 =	vadd.f32 v36, v23;
	v22 =	vadd.f32 v38, v22;
	v36 =	vor.u32 v1, v13;
	v35 =	vld [tilespmem:s5+$0x4050]  }
0x23a: {  	p0 =	slt.u32 s31, $0x3F8;
	v13 =	vadd.f32 v39, v21;
	v20 =	vadd.f32 v40, v20;
	v38 =	vor.u32 v1, v10;
	v23 =	vld [tilespmem:s5+$0xC000]  }
0x23b: {  	v39 =	vor.u32 v1, v9;
	v10 =	vadd.f32 $8.388608000e+06, v29;
	v26 =	vadd.f32 $8.388608000e+06, v27;
	v21 =	vld [tilespmem:s5+$0xC010]  }
0x23c: {  	v9 =	vadd.f32 $8.388608000e+06, v15;
	v15 =	vadd.f32 $8.388608000e+06, v25;
	v29 =	vld [tilespmem:s5+$0xC020]  }
0x23d: {  	v22 =	vadd.f32 $8.388608000e+06, v22;
	v27 =	vand.u32 $0x3FF0, v10;
	v10 =	vadd.f32 $8.388608000e+06, v14;
	v25 =	vld [tilespmem:s5+$0xC030]  }
0x23e: {  	v42 =	vadd.f32 $8.388608000e+06, v13;
	v20 =	vadd.f32 $8.388608000e+06, v20;
	v26 =	vand.u32 $0x3FF0, v26;
	v40 =	vld [tilespmem:s5+$0xC040]  }
0x23f: {  	v44 =	vand.u32 $0x3FF0, v9;
	v15 =	vand.u32 $0x3FF0, v15;
	v14 =	vand.u32 $0x3FF0, v10;
	v43 =	vld [tilespmem:s5+$0xC050]  }
0x240: {  	v13 =	vand.u32 $0x3FF0, v22;
	v9 =	vand.u32 $0x3FF0, v20;
	v10 =	vand.u32 $0x3FF0, v42;
	v45 =	vld [tilespmem:s5+$0xC060]  }
0x241: {  	v42 =	vor.u32 v1, v27;
	v46 =	vor.u32 v1, v26;
	v44 =	vor.u32 v1, v44;
	v20 =	vld [tilespmem:s5+$0xC070]  }
0x242: {  	v31 =	vmul.f32 $5.120000000e+02, v31;
	v33 =	vmul.f32 $5.120000000e+02, v33;
	v47 =	vadd.f32 v23, v23;
	v48 =	vld [tilespmem:s5+$0x4060]  }
0x243: {  	v37 =	vmul.f32 $5.120000000e+02, v37;
	v27 =	vadd.f32 v21, v21;
	v26 =	vadd.f32 v29, v29;
	v29 =	vld [tilespmem:s5+$0x4070]  }
0x244: {  	v41 =	vmul.f32 $5.120000000e+02, v41;
	v25 =	vadd.f32 v25, v25;
	v23 =	vadd.f32 v40, v40;
	[tilespmem:v30+s28+$0x0] =	vst.idx.add.f32.msk $0xffff, v2  }
0x245: {  	v32 =	vmul.f32 $5.120000000e+02, v32;
	v22 =	vadd.f32 v43, v43;
	v21 =	vadd.f32 v45, v45;
	[tilespmem:v30+s29+$0x0] =	vst.idx.add.f32.msk $0xffff, v7  }
0x246: {  	v35 =	vmul.f32 $5.120000000e+02, v35;
	v30 =	vadd.f32 $-1.000000000e+00, v47;
	v7 =	vmovc v17;
	v20 =	vadd.f32 v20, v20;
	[tilespmem:v42+s28+$0x0] =	vst.idx.add.f32.msk $0xffff, v2  }
0x247: {  	v40 =	vadd.f32 $-1.000000000e+00, v26;
	v17 =	vadd.f32 $-1.000000000e+00, v27;
	v43 =	vmul.f32 $5.120000000e+02, v48;
	[tilespmem:v42+s29+$0x0] =	vst.idx.add.f32.msk $0xffff, v19  }
0x248: {  	v19 =	vadd.f32 $-1.000000000e+00, v25;
	v42 =	vadd.f32 $-1.000000000e+00, v23;
	v29 =	vmul.f32 $5.120000000e+02, v29;
	[tilespmem:v46+s28+$0x0] =	vst.idx.add.f32.msk $0xffff, v2  }
0x249: {  	v30 =	vmul.f32 v30, v31;
	v31 =	vadd.f32 $-1.000000000e+00, v22;
	v45 =	vadd.f32 $-1.000000000e+00, v21;
	[tilespmem:v46+s29+$0x0] =	vst.idx.add.f32.msk $0xffff, v18  }
0x24a: {  	v17 =	vmul.f32 v17, v33;
	v33 =	vadd.f32 $-1.000000000e+00, v20;
	v18 =	vmul.f32 v40, v37;
	[tilespmem:v44+s28+$0x0] =	vst.idx.add.f32.msk $0xffff, v2  }
0x24b: {  	v30 =	vsub.f32 $5.120000000e+02, v30;
	v37 =	vmul.f32 v19, v41;
	v32 =	vmul.f32 v42, v32;
	[tilespmem:v44+s29+$0x0] =	vst.idx.add.f32.msk $0xffff, v16  }
0x24c: {  	v31 =	vmul.f32 v31, v35;
	v35 =	vmul.f32 v45, v43;
	v16 =	vsub.f32 $5.120000000e+02, v17;
	[tilespmem:v34+s28+$0x0] =	vst.idx.add.f32.msk $0xffff, v2  }
0x24d: {  	v29 =	vmul.f32 v33, v29;
	v19 =	vmax.f32 v30, $0.0e+00;
	v17 =	vsub.f32 $5.120000000e+02, v18;
	[tilespmem:v34+s29+$0x0] =	vst.idx.add.f32.msk $0xffff, v6;
	v6 =	vmovc v12  }
0x24e: {  	v12 =	vmax.f32 v28, v19;
	v18 =	vmax.f32 v16, $0.0e+00;
	v28 =	vsub.f32 $5.120000000e+02, v37;
	[tilespmem:v36+s28+$0x0] =	vst.idx.add.f32.msk $0xffff, v2  }
.Ltmp4:
0x24f: {  	v30 =	vsub.f32 $5.120000000e+02, v32;
	v16 =	vmax.f32 v17, $0.0e+00;
	v12 =	vmax.f32 v12, v18;
	[tilespmem:v36+s29+$0x0] =	vst.idx.add.f32.msk $0xffff, v5;
	v5 =	vmovc v11;
	(pc) =	sbr.rel @p0 .LBB2_10-.Ltmp4, $4  }
0x250: {  	v11 =	vmax.f32 v12, v16;
	v17 =	vmax.f32 v28, $0.0e+00;
	v28 =	vsub.f32 $5.120000000e+02, v31;
	[tilespmem:v38+s28+$0x0] =	vst.idx.add.f32.msk $0xffff, v2  }
0x251: {  	v12 =	vmax.f32 v30, $0.0e+00;
	v31 =	vsub.f32 $5.120000000e+02, v35;
	v11 =	vmax.f32 v11, v17;
	[tilespmem:v38+s29+$0x0] =	vst.idx.add.f32.msk $0xffff, v4;
	v4 =	vmovc v8  }
0x252: {  	v29 =	vsub.f32 $5.120000000e+02, v29;
	v8 =	vmax.f32 v11, v12;
	v11 =	vmax.f32 v28, $0.0e+00;
	[tilespmem:v39+s28+$0x0] =	vst.idx.add.f32.msk $0xffff, v2  }
0x253: {  	s3 =	sadd.s32 $0x400, s3;
	s4 =	sadd.s32 $0x80, s4;
	v30 =	vmul.f32 $4.096000000e+03, v47;
	v28 =	vmax.f32 v8, v11;
	v8 =	vmax.f32 v31, $0.0e+00;
	[tilespmem:v39+s29+$0x0] =	vst.idx.add.f32.msk $0xffff, v3;
	v3 =	vmovc v24  }
0x254: {  	v24 =	vmin.f32 v19, $8.191000000e+03  }
0x255: {  	v27 =	vmul.f32 $4.096000000e+03, v27;
	v24 =	vadd.f32 v24, v30  }
0x256: {  	v26 =	vmul.f32 $4.096000000e+03, v26;
	v30 =	vmin.f32 v18, $8.191000000e+03  }
0x257: {  	v15 =	vor.u32 v1, v15;
	v27 =	vadd.f32 v30, v27;
	v24 =	vadd.f32 $8.388608000e+06, v24  }
0x258: {  	v13 =	vor.u32 v1, v13;
	v30 =	vmin.f32 v16, $8.191000000e+03  }
0x259: {  	v26 =	vadd.f32 v30, v26;
	v27 =	vadd.f32 $8.388608000e+06, v27;
	v24 =	vand.u32 $0x3FF0, v24  }
0x25a: {  	v24 =	vor.u32 v1, v24  }
0x25b: {  	v26 =	vadd.f32 $8.388608000e+06, v26;
	v27 =	vand.u32 $0x3FF0, v27  }
0x25c: {  	[tilespmem:v15+s28+$0x0] =	vst.idx.add.f32.msk $0xffff, v2;
	v27 =	vor.u32 v1, v27  }
0x25d: {  	[tilespmem:v13+s28+$0x0] =	vst.idx.add.f32.msk $0xffff, v2;
	v26 =	vand.u32 $0x3FF0, v26  }
0x25e: {  	[tilespmem:v15+s29+$0x0] =	vst.idx.add.f32.msk $0xffff, v7;
	v26 =	vor.u32 v1, v26  }
0x25f: {  	[tilespmem:v24+s28+$0x0] =	vst.idx.add.f32.msk $0xffff, v2  }
0x260: {  	v7 =	vor.u32 v1, v14;
	v14 =	vmul.f32 $4.096000000e+03, v25;
	[tilespmem:v24+s29+$0x0] =	vst.idx.add.f32.msk $0xffff, v19  }
0x261: {  	v15 =	vmin.f32 v17, $8.191000000e+03;
	[tilespmem:v27+s28+$0x0] =	vst.idx.add.f32.msk $0xffff, v2  }
0x262: {  	v14 =	vadd.f32 v15, v14;
	[tilespmem:v27+s29+$0x0] =	vst.idx.add.f32.msk $0xffff, v18;
	v18 =	vmul.f32 $4.096000000e+03, v23  }
0x263: {  	v10 =	vor.u32 v1, v10;
	v9 =	vor.u32 v1, v9;
	v19 =	vmin.f32 v12, $8.191000000e+03;
	[tilespmem:v26+s28+$0x0] =	vst.idx.add.f32.msk $0xffff, v2  }
0x264: {  	v14 =	vadd.f32 $8.388608000e+06, v14;
	[tilespmem:v26+s29+$0x0] =	vst.idx.add.f32.msk $0xffff, v16;
	v16 =	vmul.f32 $4.096000000e+03, v22;
	v18 =	vadd.f32 v19, v18  }
0x265: {  	v15 =	vmax.f32 v29, $0.0e+00;
	[tilespmem:v7+s28+$0x0] =	vst.idx.add.f32.msk $0xffff, v2;
	v19 =	vmul.f32 $4.096000000e+03, v21;
	v21 =	vmin.f32 v11, $8.191000000e+03  }
0x266: {  	[tilespmem:v7+s29+$0x0] =	vst.idx.add.f32.msk $0xffff, v6;
	v14 =	vand.u32 $0x3FF0, v14;
	v6 =	vadd.f32 v21, v16;
	v7 =	vadd.f32 $8.388608000e+06, v18  }
0x267: {  	[tilespmem:v13+s29+$0x0] =	vst.idx.add.f32.msk $0xffff, v5;
	v5 =	vor.u32 v1, v14;
	v16 =	vmul.f32 $4.096000000e+03, v20;
	v18 =	vmin.f32 v8, $8.191000000e+03  }
0x268: {  	[tilespmem:v10+s28+$0x0] =	vst.idx.add.f32.msk $0xffff, v2;
	v13 =	vadd.f32 v18, v19;
	v6 =	vadd.f32 $8.388608000e+06, v6;
	v7 =	vand.u32 $0x3FF0, v7  }
0x269: {  	[tilespmem:v10+s29+$0x0] =	vst.idx.add.f32.msk $0xffff, v4;
	v14 =	vmin.f32 v15, $8.191000000e+03;
	v4 =	vor.u32 v1, v7  }
0x26a: {  	[tilespmem:v9+s28+$0x0] =	vst.idx.add.f32.msk $0xffff, v2;
	v7 =	vadd.f32 v14, v16;
	v10 =	vadd.f32 $8.388608000e+06, v13;
	v6 =	vand.u32 $0x3FF0, v6  }
0x26b: {  	[tilespmem:v9+s29+$0x0] =	vst.idx.add.f32.msk $0xffff, v3;
	v3 =	vor.u32 v1, v6  }
0x26c: {  	[tilespmem:v5+s28+$0x0] =	vst.idx.add.f32.msk $0xffff, v2;
	v6 =	vadd.f32 $8.388608000e+06, v7;
	v7 =	vand.u32 $0x3FF0, v10  }
0x26d: {  	[tilespmem:v5+s29+$0x0] =	vst.idx.add.f32.msk $0xffff, v17;
	v7 =	vor.u32 v1, v7  }
0x26e: {  	v5 =	vand.u32 $0x3FF0, v6;
	[tilespmem:v4+s28+$0x0] =	vst.idx.add.f32.msk $0xffff, v2  }
0x26f: {  	v5 =	vor.u32 v1, v5;
	[tilespmem:v4+s29+$0x0] =	vst.idx.add.f32.msk $0xffff, v12  }
0x270: {  	[tilespmem:v3+s28+$0x0] =	vst.idx.add.f32.msk $0xffff, v2  }
0x271: {  	[tilespmem:v3+s29+$0x0] =	vst.idx.add.f32.msk $0xffff, v11  }
0x272: {  	[tilespmem:v7+s28+$0x0] =	vst.idx.add.f32.msk $0xffff, v2  }
0x273: {  	[tilespmem:v7+s29+$0x0] =	vst.idx.add.f32.msk $0xffff, v8  }
0x274: {  	[tilespmem:v5+s28+$0x0] =	vst.idx.add.f32.msk $0xffff, v2  }
0x275: {  	s1 =	simm.s32 $0x0;
	[tilespmem:v5+s29+$0x0] =	vst.idx.add.f32.msk $0xffff, v15  }
0x276: {  	[tilespmem:s24], [sflag:$0x2] =	stream.linear.gather [hbm4b:s13+s1], $0x4000, $0x38;
	[tilespmem:$0x18080] =	vst v63  }
0x277: {  	_ = 	snop  }
0x278: {  	[tilespmem:s25], [sflag:$0x2] =	stream.linear.gather [hbm4b:s14+s1], $0x4000, $0x38;
	[tilespmem:$0x18080] =	vst v63  }
0x279: {  	_ =	swait.ge [sflag:s26], $0x4000  }
0x27a: {  	[sflag:s26] =	ssyncset.done $0x0  }
0x27b: {  	[sflag:s26] =	ssyncadd.s32 $0xFFFFC000  }
0x27c: {  	s3 =	sand.u32 $0x3000, s1;
	s4 =	sand.u32 $0xC00, s1;
	_ =	swait.ge [sflag:s26], $0x4000  }
0x27d: {  	s3 =	sor.u32 s4, s3;
	s1 =	sand.u32 $0x380, s1;
	[sflag:s26] =	ssyncset.done $0x0  }
0x27e: {  	s1 =	sor.u32 s1, s3;
	[sflag:s26] =	ssyncadd.s32 $0xFFFFC000  }
0x27f: {  	v3 =	vld [tilespmem:s1+$0x0]  }
0x280: {  	v4 =	vld [tilespmem:s1+$0x10]  }
0x281: {  	v5 =	vld [tilespmem:s1+$0x20]  }
0x282: {  	v6 =	vld [tilespmem:s1+$0x30]  }
0x283: {  	v7 =	vld [tilespmem:s1+$0x40]  }
0x284: {  	v9 =	vld [tilespmem:s1+$0x50]  }
0x285: {  	v10 =	vld [tilespmem:s1+$0x8000]  }
0x286: {  	v11 =	vld [tilespmem:s1+$0x8010]  }
0x287: {  	v12 =	vld [tilespmem:s1+$0x8020]  }
0x288: {  	v13 =	vld [tilespmem:s1+$0x8030]  }
0x289: {  	v14 =	vld [tilespmem:s1+$0x8040]  }
0x28a: {  	v16 =	vld [tilespmem:s1+$0x8050]  }
0x28b: {  	v8 =	vmax.f32 v28, v8;
	v17 =	vld [tilespmem:s1+$0x8060]  }
0x28c: {  	v8 =	vmax.f32 v8, v15;
	v15 =	vld [tilespmem:s1+$0x8070]  }
0x28d: {  	v18 =	vld [tilespmem:s1+$0x60];
	v3 =	vmul.f32 $5.120000000e+02, v3;
	v10 =	vadd.f32 v10, v10;
	v4 =	vmul.f32 $5.120000000e+02, v4  }
0x28e: {  	v19 =	vadd.f32 v11, v11;
	v5 =	vmul.f32 $5.120000000e+02, v5;
	v20 =	vadd.f32 v12, v12  }
0x28f: {  	s6 =	simm.s32 $0x400;
	s4 =	simm.s32 $0x80;
	v6 =	vmul.f32 $5.120000000e+02, v6;
	v13 =	vadd.f32 v13, v13;
	v14 =	vadd.f32 v14, v14  }
0x290: {  	s5 =	sand.u32 $0xC00, s6;
	s3 =	sand.u32 $0x3000, s4;
	v11 =	vld [tilespmem:s1+$0x70];
	v7 =	vmul.f32 $5.120000000e+02, v7;
	v16 =	vadd.f32 v16, v16;
	v17 =	vadd.f32 v17, v17;
	s1 =	simm.s32 $0x20  }
0x291: {  	s3 =	sor.u32 s5, s3;
	v9 =	vmul.f32 $5.120000000e+02, v9;
	v15 =	vadd.f32 v15, v15;
	s6 =	sand.u32 $0x380, s1;
	v12 =	vadd.f32 $-1.000000000e+00, v10  }
0x292: {  	v18 =	vmul.f32 $5.120000000e+02, v18;
	v21 =	vadd.f32 $-1.000000000e+00, v19;
	v22 =	vadd.f32 $-1.000000000e+00, v20;
	s3 =	sor.u32 s6, s3  }
0x293: {  	v23 =	vadd.f32 $-1.000000000e+00, v13;
	v10 =	vmul.f32 $4.096000000e+03, v10;
	v19 =	vmul.f32 $4.096000000e+03, v19;
	v28 =	vld [tilespmem:s3+$0x20]  }
0x294: {  	v24 =	vadd.f32 $-1.000000000e+00, v14;
	v13 =	vmul.f32 $4.096000000e+03, v13;
	v14 =	vmul.f32 $4.096000000e+03, v14;
	v29 =	vld [tilespmem:s3+$0x30]  }
0x295: {  	v25 =	vadd.f32 $-1.000000000e+00, v17;
	v17 =	vmul.f32 $4.096000000e+03, v17;
	v30 =	vld [tilespmem:s3+$0x50];
	v3 =	vmul.f32 v12, v3  }
0x296: {  	v31 =	vld [tilespmem:s3+$0x8040];
	v12 =	vadd.f32 $-1.000000000e+00, v16;
	v4 =	vmul.f32 v21, v4;
	v5 =	vmul.f32 v22, v5  }
0x297: {  	v38 =	vld [tilespmem:s3+$0x60];
	v21 =	vadd.f32 $-1.000000000e+00, v15;
	v6 =	vmul.f32 v23, v6;
	v7 =	vmul.f32 v24, v7  }
0x298: {  	v39 =	vld [tilespmem:s3+$0x70];
	v18 =	vmul.f32 v25, v18;
	v11 =	vmul.f32 $5.120000000e+02, v11;
	v3 =	vsub.f32 $5.120000000e+02, v3  }
0x299: {  	v16 =	vmul.f32 $4.096000000e+03, v16;
	v15 =	vmul.f32 $4.096000000e+03, v15;
	v23 =	vld [tilespmem:s3+$0x10];
	v4 =	vsub.f32 $5.120000000e+02, v4  }
0x29a: {  	v9 =	vmul.f32 v12, v9;
	v21 =	vmul.f32 v21, v11;
	v12 =	vmax.f32 v3, $0.0e+00  }
0x29b: {  	v3 =	vsub.f32 $5.120000000e+02, v5;
	v11 =	vmax.f32 v4, $0.0e+00;
	v28 =	vmul.f32 $5.120000000e+02, v28  }
0x29c: {  	v4 =	vsub.f32 $5.120000000e+02, v6;
	v29 =	vmul.f32 $5.120000000e+02, v29;
	v30 =	vmul.f32 $5.120000000e+02, v30  }
0x29d: {  	v58 =	vmul.f32 $5.120000000e+02, v38;
	v39 =	vmul.f32 $5.120000000e+02, v39;
	v5 =	vmax.f32 v8, v12  }
0x29e: {  	v22 =	vmin.f32 v11, $8.191000000e+03;
	v37 =	vmul.f32 $5.120000000e+02, v23;
	v23 =	vadd.f32 v31, v31  }
0x29f: {  	v5 =	vmax.f32 v5, v11;
	v8 =	vmax.f32 v3, $0.0e+00;
	v3 =	vsub.f32 $5.120000000e+02, v7  }
0x2a0: {  	v7 =	vmax.f32 v4, $0.0e+00;
	v4 =	vsub.f32 $5.120000000e+02, v9;
	v19 =	vadd.f32 v22, v19  }
0x2a1: {  	v5 =	vmax.f32 v5, v8;
	v24 =	vmin.f32 v8, $8.191000000e+03;
	v25 =	vmin.f32 v7, $8.191000000e+03  }
0x2a2: {  	v6 =	vmax.f32 v3, $0.0e+00;
	v3 =	vsub.f32 $5.120000000e+02, v18;
	v18 =	vsub.f32 $5.120000000e+02, v21  }
0x2a3: {  	v5 =	vmax.f32 v5, v7;
	v13 =	vadd.f32 v25, v13;
	v19 =	vadd.f32 $8.388608000e+06, v19  }
0x2a4: {  	v9 =	vmax.f32 v5, v6;
	v5 =	vmax.f32 v4, $0.0e+00;
	v26 =	vmin.f32 v6, $8.191000000e+03  }
0x2a5: {  	v35 =	vld [tilespmem:s3+$0x8060];
	v4 =	vmax.f32 v3, $0.0e+00;
	v3 =	vmax.f32 v18, $0.0e+00;
	v18 =	vmul.f32 $4.096000000e+03, v20  }
0x2a6: {  	v21 =	vld [tilespmem:s3+$0x0];
	v20 =	vmin.f32 v12, $8.191000000e+03;
	v27 =	vmin.f32 v5, $8.191000000e+03;
	v14 =	vadd.f32 v26, v14  }
0x2a7: {  	v25 =	vld [tilespmem:s3+$0x8000];
	v9 =	vmax.f32 v9, v5;
	v13 =	vadd.f32 $8.388608000e+06, v13;
	v19 =	vand.u32 $0x3FF0, v19  }
0x2a8: {  	v10 =	vadd.f32 v20, v10;
	v20 =	vmin.f32 v4, $8.191000000e+03;
	v16 =	vadd.f32 v27, v16  }
0x2a9: {  	v9 =	vmax.f32 v9, v4;
	v18 =	vadd.f32 v24, v18;
	v24 =	vmin.f32 v3, $8.191000000e+03  }
0x2aa: {  	v26 =	vld [tilespmem:s3+$0x8020];
	v56 =	vor.u32 v1, v19;
	v17 =	vadd.f32 v20, v17;
	v15 =	vadd.f32 v24, v15  }
0x2ab: {  	v10 =	vadd.f32 $8.388608000e+06, v10;
	v24 =	vmax.f32 v9, v3;
	v16 =	vadd.f32 $8.388608000e+06, v16  }
0x2ac: {  	v22 =	vld [tilespmem:s3+$0x40];
	v19 =	vmul.f32 $5.120000000e+02, v21;
	v36 =	vadd.f32 v25, v25;
	v21 =	vadd.f32 v35, v35  }
0x2ad: {  	v20 =	vld [tilespmem:s3+$0x8010];
	v9 =	vadd.f32 $8.388608000e+06, v18;
	v17 =	vadd.f32 $8.388608000e+06, v17;
	v27 =	vand.u32 $0x3FF0, v10  }
0x2ae: {  	v18 =	vld [tilespmem:s3+$0x8030];
	v10 =	vadd.f32 $8.388608000e+06, v14;
	v32 =	vadd.f32 $8.388608000e+06, v15;
	v15 =	vand.u32 $0x3FF0, v13  }
0x2af: {  	v13 =	vand.u32 $0x3FF0, v16;
	v16 =	vld [tilespmem:s3+$0x8070];
	v26 =	vadd.f32 v26, v26;
	v31 =	vadd.f32 $-1.000000000e+00, v36  }
0x2b0: {  	v33 =	vld [tilespmem:s3+$0x8050];
	v61 =	vadd.f32 $-1.000000000e+00, v21;
	v34 =	vand.u32 $0x3FF0, v9;
	v14 =	vand.u32 $0x3FF0, v10  }
0x2b1: {  	v10 =	vand.u32 $0x3FF0, v17;
	v9 =	vand.u32 $0x3FF0, v32;
	v17 =	vor.u32 v1, v27  }
0x2b2: {  	v34 =	vor.u32 v1, v34;
	v27 =	vadd.f32 v20, v20;
	v57 =	vadd.f32 $-1.000000000e+00, v26  }
0x2b3: {  	v19 =	vmul.f32 v31, v19;
	v31 =	vadd.f32 $-1.000000000e+00, v23;
	v25 =	vadd.f32 v18, v18  }
0x2b4: {  	v18 =	vmul.f32 $5.120000000e+02, v22;
	v20 =	vadd.f32 v16, v16;
	v16 =	vadd.f32 $-1.000000000e+00, v27  }
0x2b5: {  	v22 =	vadd.f32 v33, v33;
	v28 =	vmul.f32 v57, v28;
	v19 =	vsub.f32 $5.120000000e+02, v19  }
0x2b6: {  	v33 =	vmul.f32 v61, v58;
	v59 =	vadd.f32 $-1.000000000e+00, v25;
	v16 =	vmul.f32 v16, v37  }
0x2b7: {  	v60 =	vadd.f32 $-1.000000000e+00, v22;
	v31 =	vmul.f32 v31, v18;
	v19 =	vmax.f32 v19, $0.0e+00  }
0x2b8: {  	v62 =	vadd.f32 $-1.000000000e+00, v20;
	v29 =	vmul.f32 v59, v29;
	v16 =	vsub.f32 $5.120000000e+02, v16  }
0x2b9: {  	v28 =	vsub.f32 $5.120000000e+02, v28;
	v24 =	vmax.f32 v24, v19;
	v30 =	vmul.f32 v60, v30  }
0x2ba: {  	[tilespmem:v17+s28+$0x0] =	vst.idx.add.f32.msk $0xffff, v2;
	v63 =	vmul.f32 v62, v39;
	v29 =	vsub.f32 $5.120000000e+02, v29;
	v18 =	vmax.f32 v16, $0.0e+00  }
0x2bb: {  	[tilespmem:v17+s29+$0x0] =	vst.idx.add.f32.msk $0xffff, v12;
	v16 =	vmax.f32 v28, $0.0e+00;
	v12 =	vmax.f32 v24, v18;
	v24 =	vsub.f32 $5.120000000e+02, v31  }
0x2bc: {  	[tilespmem:v56+s28+$0x0] =	vst.idx.add.f32.msk $0xffff, v2;
	v28 =	vsub.f32 $5.120000000e+02, v30;
	v17 =	vmax.f32 v29, $0.0e+00;
	v12 =	vmax.f32 v12, v16  }
0x2bd: {  	[tilespmem:v56+s29+$0x0] =	vst.idx.add.f32.msk $0xffff, v11;
	v11 =	vmax.f32 v12, v17;
	v12 =	vmax.f32 v24, $0.0e+00;
	v24 =	vsub.f32 $5.120000000e+02, v33  }
0x2be: {  	[tilespmem:v34+s28+$0x0] =	vst.idx.add.f32.msk $0xffff, v2;
	v29 =	vsub.f32 $5.120000000e+02, v63;
	v31 =	vmax.f32 v11, v12;
	v11 =	vmax.f32 v28, $0.0e+00  }
0x2bf: {  	s31 =	simm.s32 $0x8;
	s4 =	simm.s32 $0x100;
	s3 =	simm.s32 $0x800;
	[tilespmem:v34+s29+$0x0] =	vst.idx.add.f32.msk $0xffff, v8;
	v30 =	vmul.f32 $4.096000000e+03, v36;
	v28 =	vmax.f32 v31, v11;
	v8 =	vmax.f32 v24, $0.0e+00  }
.LBB2_12:
0x2c0: {  	s5 =	sand.u32 $0x3000, s4;
	s6 =	sand.u32 $0xC00, s3;
	v27 =	vmul.f32 $4.096000000e+03, v27;
	v28 =	vmax.f32 v28, v8;
	v24 =	vmax.f32 v29, $0.0e+00;
	s1 =	sadd.s32 $0x20, s1  }
0x2c1: {  	v26 =	vmul.f32 $4.096000000e+03, v26;
	v25 =	vmul.f32 $4.096000000e+03, v25;
	s5 =	sor.u32 s6, s5;
	s6 =	sand.u32 $0x380, s1;
	v28 =	vmax.f32 v28, v24  }
0x2c2: {  	v29 =	vmin.f32 v19, $8.191000000e+03;
	v23 =	vmul.f32 $4.096000000e+03, v23;
	v22 =	vmul.f32 $4.096000000e+03, v22;
	s5 =	sor.u32 s6, s5  }
0x2c3: {  	v32 =	vmin.f32 v18, $8.191000000e+03;
	v21 =	vmul.f32 $4.096000000e+03, v21;
	v20 =	vmul.f32 $4.096000000e+03, v20;
	v31 =	vld [tilespmem:s5+$0x0]  }
0x2c4: {  	v34 =	vmin.f32 v16, $8.191000000e+03;
	v35 =	vmin.f32 v17, $8.191000000e+03;
	v36 =	vmin.f32 v12, $8.191000000e+03;
	v33 =	vld [tilespmem:s5+$0x10]  }
0x2c5: {  	v38 =	vmin.f32 v11, $8.191000000e+03;
	v39 =	vmin.f32 v8, $8.191000000e+03;
	v40 =	vmin.f32 v24, $8.191000000e+03;
	v37 =	vld [tilespmem:s5+$0x20]  }
0x2c6: {  	v29 =	vadd.f32 v29, v30;
	v30 =	vor.u32 v1, v15;
	v27 =	vadd.f32 v32, v27;
	v41 =	vld [tilespmem:s5+$0x30]  }
0x2c7: {  	v15 =	vadd.f32 v34, v26;
	v25 =	vadd.f32 v35, v25;
	v34 =	vor.u32 v1, v14;
	v32 =	vld [tilespmem:s5+$0x40]  }
0x2c8: {  	s31 =	sadd.s32 $0x8, s31;
	v14 =	vadd.f32 v36, v23;
	v22 =	vadd.f32 v38, v22;
	v36 =	vor.u32 v1, v13;
	v35 =	vld [tilespmem:s5+$0x50]  }
0x2c9: {  	p0 =	slt.u32 s31, $0x3F8;
	v13 =	vadd.f32 v39, v21;
	v20 =	vadd.f32 v40, v20;
	v38 =	vor.u32 v1, v10;
	v23 =	vld [tilespmem:s5+$0x8000]  }
0x2ca: {  	v39 =	vor.u32 v1, v9;
	v10 =	vadd.f32 $8.388608000e+06, v29;
	v26 =	vadd.f32 $8.388608000e+06, v27;
	v21 =	vld [tilespmem:s5+$0x8010]  }
0x2cb: {  	v9 =	vadd.f32 $8.388608000e+06, v15;
	v15 =	vadd.f32 $8.388608000e+06, v25;
	v29 =	vld [tilespmem:s5+$0x8020]  }
0x2cc: {  	v22 =	vadd.f32 $8.388608000e+06, v22;
	v27 =	vand.u32 $0x3FF0, v10;
	v10 =	vadd.f32 $8.388608000e+06, v14;
	v25 =	vld [tilespmem:s5+$0x8030]  }
0x2cd: {  	v42 =	vadd.f32 $8.388608000e+06, v13;
	v20 =	vadd.f32 $8.388608000e+06, v20;
	v26 =	vand.u32 $0x3FF0, v26;
	v40 =	vld [tilespmem:s5+$0x8040]  }
0x2ce: {  	v44 =	vand.u32 $0x3FF0, v9;
	v15 =	vand.u32 $0x3FF0, v15;
	v14 =	vand.u32 $0x3FF0, v10;
	v43 =	vld [tilespmem:s5+$0x8050]  }
0x2cf: {  	v13 =	vand.u32 $0x3FF0, v22;
	v9 =	vand.u32 $0x3FF0, v20;
	v10 =	vand.u32 $0x3FF0, v42;
	v45 =	vld [tilespmem:s5+$0x8060]  }
0x2d0: {  	v42 =	vor.u32 v1, v27;
	v46 =	vor.u32 v1, v26;
	v44 =	vor.u32 v1, v44;
	v20 =	vld [tilespmem:s5+$0x8070]  }
0x2d1: {  	v31 =	vmul.f32 $5.120000000e+02, v31;
	v33 =	vmul.f32 $5.120000000e+02, v33;
	v47 =	vadd.f32 v23, v23;
	v48 =	vld [tilespmem:s5+$0x60]  }
0x2d2: {  	v37 =	vmul.f32 $5.120000000e+02, v37;
	v27 =	vadd.f32 v21, v21;
	v26 =	vadd.f32 v29, v29;
	v29 =	vld [tilespmem:s5+$0x70]  }
0x2d3: {  	v41 =	vmul.f32 $5.120000000e+02, v41;
	v25 =	vadd.f32 v25, v25;
	v23 =	vadd.f32 v40, v40;
	[tilespmem:v30+s28+$0x0] =	vst.idx.add.f32.msk $0xffff, v2  }
0x2d4: {  	v32 =	vmul.f32 $5.120000000e+02, v32;
	v22 =	vadd.f32 v43, v43;
	v21 =	vadd.f32 v45, v45;
	[tilespmem:v30+s29+$0x0] =	vst.idx.add.f32.msk $0xffff, v7  }
0x2d5: {  	v35 =	vmul.f32 $5.120000000e+02, v35;
	v30 =	vadd.f32 $-1.000000000e+00, v47;
	v7 =	vmovc v17;
	v20 =	vadd.f32 v20, v20;
	[tilespmem:v42+s28+$0x0] =	vst.idx.add.f32.msk $0xffff, v2  }
0x2d6: {  	v40 =	vadd.f32 $-1.000000000e+00, v26;
	v17 =	vadd.f32 $-1.000000000e+00, v27;
	v43 =	vmul.f32 $5.120000000e+02, v48;
	[tilespmem:v42+s29+$0x0] =	vst.idx.add.f32.msk $0xffff, v19  }
0x2d7: {  	v19 =	vadd.f32 $-1.000000000e+00, v25;
	v42 =	vadd.f32 $-1.000000000e+00, v23;
	v29 =	vmul.f32 $5.120000000e+02, v29;
	[tilespmem:v46+s28+$0x0] =	vst.idx.add.f32.msk $0xffff, v2  }
0x2d8: {  	v30 =	vmul.f32 v30, v31;
	v31 =	vadd.f32 $-1.000000000e+00, v22;
	v45 =	vadd.f32 $-1.000000000e+00, v21;
	[tilespmem:v46+s29+$0x0] =	vst.idx.add.f32.msk $0xffff, v18  }
0x2d9: {  	v17 =	vmul.f32 v17, v33;
	v33 =	vadd.f32 $-1.000000000e+00, v20;
	v18 =	vmul.f32 v40, v37;
	[tilespmem:v44+s28+$0x0] =	vst.idx.add.f32.msk $0xffff, v2  }
0x2da: {  	v30 =	vsub.f32 $5.120000000e+02, v30;
	v37 =	vmul.f32 v19, v41;
	v32 =	vmul.f32 v42, v32;
	[tilespmem:v44+s29+$0x0] =	vst.idx.add.f32.msk $0xffff, v16  }
0x2db: {  	v31 =	vmul.f32 v31, v35;
	v35 =	vmul.f32 v45, v43;
	v16 =	vsub.f32 $5.120000000e+02, v17;
	[tilespmem:v34+s28+$0x0] =	vst.idx.add.f32.msk $0xffff, v2  }
0x2dc: {  	v29 =	vmul.f32 v33, v29;
	v19 =	vmax.f32 v30, $0.0e+00;
	v17 =	vsub.f32 $5.120000000e+02, v18;
	[tilespmem:v34+s29+$0x0] =	vst.idx.add.f32.msk $0xffff, v6;
	v6 =	vmovc v12  }
0x2dd: {  	v12 =	vmax.f32 v28, v19;
	v18 =	vmax.f32 v16, $0.0e+00;
	v28 =	vsub.f32 $5.120000000e+02, v37;
	[tilespmem:v36+s28+$0x0] =	vst.idx.add.f32.msk $0xffff, v2  }
.Ltmp5:
0x2de: {  	v30 =	vsub.f32 $5.120000000e+02, v32;
	v16 =	vmax.f32 v17, $0.0e+00;
	v12 =	vmax.f32 v12, v18;
	[tilespmem:v36+s29+$0x0] =	vst.idx.add.f32.msk $0xffff, v5;
	v5 =	vmovc v11;
	(pc) =	sbr.rel @p0 .LBB2_12-.Ltmp5, $4  }
0x2df: {  	v11 =	vmax.f32 v12, v16;
	v17 =	vmax.f32 v28, $0.0e+00;
	v28 =	vsub.f32 $5.120000000e+02, v31;
	[tilespmem:v38+s28+$0x0] =	vst.idx.add.f32.msk $0xffff, v2  }
0x2e0: {  	v12 =	vmax.f32 v30, $0.0e+00;
	v31 =	vsub.f32 $5.120000000e+02, v35;
	v11 =	vmax.f32 v11, v17;
	[tilespmem:v38+s29+$0x0] =	vst.idx.add.f32.msk $0xffff, v4;
	v4 =	vmovc v8  }
0x2e1: {  	v29 =	vsub.f32 $5.120000000e+02, v29;
	v8 =	vmax.f32 v11, v12;
	v11 =	vmax.f32 v28, $0.0e+00;
	[tilespmem:v39+s28+$0x0] =	vst.idx.add.f32.msk $0xffff, v2  }
0x2e2: {  	s3 =	sadd.s32 $0x400, s3;
	s4 =	sadd.s32 $0x80, s4;
	v30 =	vmul.f32 $4.096000000e+03, v47;
	v28 =	vmax.f32 v8, v11;
	v8 =	vmax.f32 v31, $0.0e+00;
	[tilespmem:v39+s29+$0x0] =	vst.idx.add.f32.msk $0xffff, v3;
	v3 =	vmovc v24  }
0x2e3: {  	v24 =	vmin.f32 v19, $8.191000000e+03  }
0x2e4: {  	v27 =	vmul.f32 $4.096000000e+03, v27;
	v24 =	vadd.f32 v24, v30  }
0x2e5: {  	v26 =	vmul.f32 $4.096000000e+03, v26;
	v30 =	vmin.f32 v18, $8.191000000e+03  }
0x2e6: {  	v15 =	vor.u32 v1, v15;
	v27 =	vadd.f32 v30, v27;
	v24 =	vadd.f32 $8.388608000e+06, v24  }
0x2e7: {  	v13 =	vor.u32 v1, v13;
	v30 =	vmin.f32 v16, $8.191000000e+03  }
0x2e8: {  	v26 =	vadd.f32 v30, v26;
	v27 =	vadd.f32 $8.388608000e+06, v27;
	v24 =	vand.u32 $0x3FF0, v24  }
0x2e9: {  	v24 =	vor.u32 v1, v24  }
0x2ea: {  	v26 =	vadd.f32 $8.388608000e+06, v26;
	v27 =	vand.u32 $0x3FF0, v27  }
0x2eb: {  	[tilespmem:v15+s28+$0x0] =	vst.idx.add.f32.msk $0xffff, v2;
	v27 =	vor.u32 v1, v27  }
0x2ec: {  	[tilespmem:v13+s28+$0x0] =	vst.idx.add.f32.msk $0xffff, v2;
	v26 =	vand.u32 $0x3FF0, v26  }
0x2ed: {  	[tilespmem:v15+s29+$0x0] =	vst.idx.add.f32.msk $0xffff, v7;
	v26 =	vor.u32 v1, v26  }
0x2ee: {  	[tilespmem:v24+s28+$0x0] =	vst.idx.add.f32.msk $0xffff, v2  }
0x2ef: {  	v7 =	vor.u32 v1, v14;
	v14 =	vmul.f32 $4.096000000e+03, v25;
	[tilespmem:v24+s29+$0x0] =	vst.idx.add.f32.msk $0xffff, v19  }
0x2f0: {  	v15 =	vmin.f32 v17, $8.191000000e+03;
	[tilespmem:v27+s28+$0x0] =	vst.idx.add.f32.msk $0xffff, v2  }
0x2f1: {  	v14 =	vadd.f32 v15, v14;
	[tilespmem:v27+s29+$0x0] =	vst.idx.add.f32.msk $0xffff, v18;
	v18 =	vmul.f32 $4.096000000e+03, v23  }
0x2f2: {  	v10 =	vor.u32 v1, v10;
	v9 =	vor.u32 v1, v9;
	v19 =	vmin.f32 v12, $8.191000000e+03;
	[tilespmem:v26+s28+$0x0] =	vst.idx.add.f32.msk $0xffff, v2  }
0x2f3: {  	v14 =	vadd.f32 $8.388608000e+06, v14;
	[tilespmem:v26+s29+$0x0] =	vst.idx.add.f32.msk $0xffff, v16;
	v16 =	vmul.f32 $4.096000000e+03, v22;
	v18 =	vadd.f32 v19, v18  }
0x2f4: {  	v15 =	vmax.f32 v29, $0.0e+00;
	[tilespmem:v7+s28+$0x0] =	vst.idx.add.f32.msk $0xffff, v2;
	v19 =	vmul.f32 $4.096000000e+03, v21;
	v21 =	vmin.f32 v11, $8.191000000e+03  }
0x2f5: {  	[tilespmem:v7+s29+$0x0] =	vst.idx.add.f32.msk $0xffff, v6;
	v14 =	vand.u32 $0x3FF0, v14;
	v6 =	vadd.f32 v21, v16;
	v7 =	vadd.f32 $8.388608000e+06, v18  }
0x2f6: {  	[tilespmem:v13+s29+$0x0] =	vst.idx.add.f32.msk $0xffff, v5;
	v5 =	vor.u32 v1, v14;
	v16 =	vmul.f32 $4.096000000e+03, v20;
	v18 =	vmin.f32 v8, $8.191000000e+03  }
0x2f7: {  	[tilespmem:v10+s28+$0x0] =	vst.idx.add.f32.msk $0xffff, v2;
	v13 =	vadd.f32 v18, v19;
	v6 =	vadd.f32 $8.388608000e+06, v6;
	v7 =	vand.u32 $0x3FF0, v7  }
0x2f8: {  	[tilespmem:v10+s29+$0x0] =	vst.idx.add.f32.msk $0xffff, v4;
	v14 =	vmin.f32 v15, $8.191000000e+03;
	v4 =	vor.u32 v1, v7  }
0x2f9: {  	[tilespmem:v9+s28+$0x0] =	vst.idx.add.f32.msk $0xffff, v2;
	v7 =	vadd.f32 v14, v16;
	v10 =	vadd.f32 $8.388608000e+06, v13;
	v6 =	vand.u32 $0x3FF0, v6  }
0x2fa: {  	[tilespmem:v9+s29+$0x0] =	vst.idx.add.f32.msk $0xffff, v3;
	v3 =	vor.u32 v1, v6  }
0x2fb: {  	[tilespmem:v5+s28+$0x0] =	vst.idx.add.f32.msk $0xffff, v2;
	v6 =	vadd.f32 $8.388608000e+06, v7;
	v7 =	vand.u32 $0x3FF0, v10  }
0x2fc: {  	[tilespmem:v5+s29+$0x0] =	vst.idx.add.f32.msk $0xffff, v17;
	v7 =	vor.u32 v1, v7  }
0x2fd: {  	v5 =	vand.u32 $0x3FF0, v6;
	[tilespmem:v4+s28+$0x0] =	vst.idx.add.f32.msk $0xffff, v2  }
0x2fe: {  	v5 =	vor.u32 v1, v5;
	[tilespmem:v4+s29+$0x0] =	vst.idx.add.f32.msk $0xffff, v12  }
0x2ff: {  	[tilespmem:v3+s28+$0x0] =	vst.idx.add.f32.msk $0xffff, v2  }
0x300: {  	[tilespmem:v3+s29+$0x0] =	vst.idx.add.f32.msk $0xffff, v11  }
0x301: {  	[tilespmem:v7+s28+$0x0] =	vst.idx.add.f32.msk $0xffff, v2  }
0x302: {  	[tilespmem:v7+s29+$0x0] =	vst.idx.add.f32.msk $0xffff, v8  }
0x303: {  	[tilespmem:v5+s28+$0x0] =	vst.idx.add.f32.msk $0xffff, v2  }
0x304: {  	s1 =	simm.s32 $0x0;
	[tilespmem:v5+s29+$0x0] =	vst.idx.add.f32.msk $0xffff, v15  }
0x305: {  	[tilespmem:s1], [sflag:$0x1] =	stream.linear.gather [hbm4b:s15+s1], $0x4000, $0x38;
	[tilespmem:$0x18080] =	vst v63  }
0x306: {  	_ = 	snop  }
0x307: {  	[tilespmem:s23], [sflag:$0x1] =	stream.linear.gather [hbm4b:s16+s1], $0x4000, $0x38;
	[tilespmem:$0x18080] =	vst v63  }
0x308: {  	_ =	swait.ge [sflag:s30], $0x4000  }
0x309: {  	[sflag:s30] =	ssyncset.done $0x0  }
0x30a: {  	[sflag:s30] =	ssyncadd.s32 $0xFFFFC000  }
0x30b: {  	s3 =	sand.u32 $0x3000, s1;
	s4 =	sand.u32 $0xC00, s1;
	_ =	swait.ge [sflag:s30], $0x4000  }
0x30c: {  	s3 =	sor.u32 s4, s3;
	s1 =	sand.u32 $0x380, s1;
	[sflag:s30] =	ssyncset.done $0x0  }
0x30d: {  	s1 =	sor.u32 s1, s3;
	[sflag:s30] =	ssyncadd.s32 $0xFFFFC000  }
0x30e: {  	v3 =	vld [tilespmem:s1+$0x4000]  }
0x30f: {  	v4 =	vld [tilespmem:s1+$0x4010]  }
0x310: {  	v5 =	vld [tilespmem:s1+$0x4020]  }
0x311: {  	v6 =	vld [tilespmem:s1+$0x4030]  }
0x312: {  	v7 =	vld [tilespmem:s1+$0x4040]  }
0x313: {  	v9 =	vld [tilespmem:s1+$0x4050]  }
0x314: {  	v10 =	vld [tilespmem:s1+$0xC000]  }
0x315: {  	v11 =	vld [tilespmem:s1+$0xC010]  }
0x316: {  	v12 =	vld [tilespmem:s1+$0xC020]  }
0x317: {  	v13 =	vld [tilespmem:s1+$0xC030]  }
0x318: {  	v14 =	vld [tilespmem:s1+$0xC040]  }
0x319: {  	v16 =	vld [tilespmem:s1+$0xC050]  }
0x31a: {  	v8 =	vmax.f32 v28, v8;
	v17 =	vld [tilespmem:s1+$0xC060]  }
0x31b: {  	v8 =	vmax.f32 v8, v15;
	v15 =	vld [tilespmem:s1+$0xC070]  }
0x31c: {  	v18 =	vld [tilespmem:s1+$0x4060];
	v3 =	vmul.f32 $5.120000000e+02, v3;
	v10 =	vadd.f32 v10, v10;
	v4 =	vmul.f32 $5.120000000e+02, v4  }
0x31d: {  	v19 =	vadd.f32 v11, v11;
	v5 =	vmul.f32 $5.120000000e+02, v5;
	v20 =	vadd.f32 v12, v12  }
0x31e: {  	s6 =	simm.s32 $0x400;
	s4 =	simm.s32 $0x80;
	v6 =	vmul.f32 $5.120000000e+02, v6;
	v13 =	vadd.f32 v13, v13;
	v14 =	vadd.f32 v14, v14  }
0x31f: {  	s5 =	sand.u32 $0xC00, s6;
	s3 =	sand.u32 $0x3000, s4;
	v11 =	vld [tilespmem:s1+$0x4070];
	v7 =	vmul.f32 $5.120000000e+02, v7;
	v16 =	vadd.f32 v16, v16;
	v17 =	vadd.f32 v17, v17;
	s1 =	simm.s32 $0x20  }
0x320: {  	s3 =	sor.u32 s5, s3;
	v9 =	vmul.f32 $5.120000000e+02, v9;
	v15 =	vadd.f32 v15, v15;
	s6 =	sand.u32 $0x380, s1;
	v12 =	vadd.f32 $-1.000000000e+00, v10  }
0x321: {  	v18 =	vmul.f32 $5.120000000e+02, v18;
	v21 =	vadd.f32 $-1.000000000e+00, v19;
	v22 =	vadd.f32 $-1.000000000e+00, v20;
	s3 =	sor.u32 s6, s3  }
0x322: {  	v23 =	vadd.f32 $-1.000000000e+00, v13;
	v10 =	vmul.f32 $4.096000000e+03, v10;
	v19 =	vmul.f32 $4.096000000e+03, v19;
	v28 =	vld [tilespmem:s3+$0x4020]  }
0x323: {  	v24 =	vadd.f32 $-1.000000000e+00, v14;
	v13 =	vmul.f32 $4.096000000e+03, v13;
	v14 =	vmul.f32 $4.096000000e+03, v14;
	v29 =	vld [tilespmem:s3+$0x4030]  }
0x324: {  	v25 =	vadd.f32 $-1.000000000e+00, v17;
	v17 =	vmul.f32 $4.096000000e+03, v17;
	v30 =	vld [tilespmem:s3+$0x4050];
	v3 =	vmul.f32 v12, v3  }
0x325: {  	v31 =	vld [tilespmem:s3+$0xC040];
	v12 =	vadd.f32 $-1.000000000e+00, v16;
	v4 =	vmul.f32 v21, v4;
	v5 =	vmul.f32 v22, v5  }
0x326: {  	v38 =	vld [tilespmem:s3+$0x4060];
	v21 =	vadd.f32 $-1.000000000e+00, v15;
	v6 =	vmul.f32 v23, v6;
	v7 =	vmul.f32 v24, v7  }
0x327: {  	v39 =	vld [tilespmem:s3+$0x4070];
	v18 =	vmul.f32 v25, v18;
	v11 =	vmul.f32 $5.120000000e+02, v11;
	v3 =	vsub.f32 $5.120000000e+02, v3  }
0x328: {  	v16 =	vmul.f32 $4.096000000e+03, v16;
	v15 =	vmul.f32 $4.096000000e+03, v15;
	v23 =	vld [tilespmem:s3+$0x4010];
	v4 =	vsub.f32 $5.120000000e+02, v4  }
0x329: {  	v9 =	vmul.f32 v12, v9;
	v21 =	vmul.f32 v21, v11;
	v12 =	vmax.f32 v3, $0.0e+00  }
0x32a: {  	v3 =	vsub.f32 $5.120000000e+02, v5;
	v11 =	vmax.f32 v4, $0.0e+00;
	v28 =	vmul.f32 $5.120000000e+02, v28  }
0x32b: {  	v4 =	vsub.f32 $5.120000000e+02, v6;
	v29 =	vmul.f32 $5.120000000e+02, v29;
	v30 =	vmul.f32 $5.120000000e+02, v30  }
0x32c: {  	v58 =	vmul.f32 $5.120000000e+02, v38;
	v39 =	vmul.f32 $5.120000000e+02, v39;
	v5 =	vmax.f32 v8, v12  }
0x32d: {  	v22 =	vmin.f32 v11, $8.191000000e+03;
	v37 =	vmul.f32 $5.120000000e+02, v23;
	v23 =	vadd.f32 v31, v31  }
0x32e: {  	v5 =	vmax.f32 v5, v11;
	v8 =	vmax.f32 v3, $0.0e+00;
	v3 =	vsub.f32 $5.120000000e+02, v7  }
0x32f: {  	v7 =	vmax.f32 v4, $0.0e+00;
	v4 =	vsub.f32 $5.120000000e+02, v9;
	v19 =	vadd.f32 v22, v19  }
0x330: {  	v5 =	vmax.f32 v5, v8;
	v24 =	vmin.f32 v8, $8.191000000e+03;
	v25 =	vmin.f32 v7, $8.191000000e+03  }
0x331: {  	v6 =	vmax.f32 v3, $0.0e+00;
	v3 =	vsub.f32 $5.120000000e+02, v18;
	v18 =	vsub.f32 $5.120000000e+02, v21  }
0x332: {  	v5 =	vmax.f32 v5, v7;
	v13 =	vadd.f32 v25, v13;
	v19 =	vadd.f32 $8.388608000e+06, v19  }
0x333: {  	v9 =	vmax.f32 v5, v6;
	v5 =	vmax.f32 v4, $0.0e+00;
	v26 =	vmin.f32 v6, $8.191000000e+03  }
0x334: {  	v35 =	vld [tilespmem:s3+$0xC060];
	v4 =	vmax.f32 v3, $0.0e+00;
	v3 =	vmax.f32 v18, $0.0e+00;
	v18 =	vmul.f32 $4.096000000e+03, v20  }
0x335: {  	v21 =	vld [tilespmem:s3+$0x4000];
	v20 =	vmin.f32 v12, $8.191000000e+03;
	v27 =	vmin.f32 v5, $8.191000000e+03;
	v14 =	vadd.f32 v26, v14  }
0x336: {  	v25 =	vld [tilespmem:s3+$0xC000];
	v9 =	vmax.f32 v9, v5;
	v13 =	vadd.f32 $8.388608000e+06, v13;
	v19 =	vand.u32 $0x3FF0, v19  }
0x337: {  	v10 =	vadd.f32 v20, v10;
	v20 =	vmin.f32 v4, $8.191000000e+03;
	v16 =	vadd.f32 v27, v16  }
0x338: {  	v9 =	vmax.f32 v9, v4;
	v18 =	vadd.f32 v24, v18;
	v24 =	vmin.f32 v3, $8.191000000e+03  }
0x339: {  	v26 =	vld [tilespmem:s3+$0xC020];
	v56 =	vor.u32 v1, v19;
	v17 =	vadd.f32 v20, v17;
	v15 =	vadd.f32 v24, v15  }
0x33a: {  	v10 =	vadd.f32 $8.388608000e+06, v10;
	v24 =	vmax.f32 v9, v3;
	v16 =	vadd.f32 $8.388608000e+06, v16  }
0x33b: {  	v22 =	vld [tilespmem:s3+$0x4040];
	v19 =	vmul.f32 $5.120000000e+02, v21;
	v36 =	vadd.f32 v25, v25;
	v21 =	vadd.f32 v35, v35  }
0x33c: {  	v20 =	vld [tilespmem:s3+$0xC010];
	v9 =	vadd.f32 $8.388608000e+06, v18;
	v17 =	vadd.f32 $8.388608000e+06, v17;
	v27 =	vand.u32 $0x3FF0, v10  }
0x33d: {  	v18 =	vld [tilespmem:s3+$0xC030];
	v10 =	vadd.f32 $8.388608000e+06, v14;
	v32 =	vadd.f32 $8.388608000e+06, v15;
	v15 =	vand.u32 $0x3FF0, v13  }
0x33e: {  	v13 =	vand.u32 $0x3FF0, v16;
	v16 =	vld [tilespmem:s3+$0xC070];
	v26 =	vadd.f32 v26, v26;
	v31 =	vadd.f32 $-1.000000000e+00, v36  }
0x33f: {  	v33 =	vld [tilespmem:s3+$0xC050];
	v61 =	vadd.f32 $-1.000000000e+00, v21;
	v34 =	vand.u32 $0x3FF0, v9;
	v14 =	vand.u32 $0x3FF0, v10  }
0x340: {  	v10 =	vand.u32 $0x3FF0, v17;
	v9 =	vand.u32 $0x3FF0, v32;
	v17 =	vor.u32 v1, v27  }
0x341: {  	v34 =	vor.u32 v1, v34;
	v27 =	vadd.f32 v20, v20;
	v57 =	vadd.f32 $-1.000000000e+00, v26  }
0x342: {  	v19 =	vmul.f32 v31, v19;
	v31 =	vadd.f32 $-1.000000000e+00, v23;
	v25 =	vadd.f32 v18, v18  }
0x343: {  	v18 =	vmul.f32 $5.120000000e+02, v22;
	v20 =	vadd.f32 v16, v16;
	v16 =	vadd.f32 $-1.000000000e+00, v27  }
0x344: {  	v22 =	vadd.f32 v33, v33;
	v28 =	vmul.f32 v57, v28;
	v19 =	vsub.f32 $5.120000000e+02, v19  }
0x345: {  	v33 =	vmul.f32 v61, v58;
	v59 =	vadd.f32 $-1.000000000e+00, v25;
	v16 =	vmul.f32 v16, v37  }
0x346: {  	v60 =	vadd.f32 $-1.000000000e+00, v22;
	v31 =	vmul.f32 v31, v18;
	v19 =	vmax.f32 v19, $0.0e+00  }
0x347: {  	v62 =	vadd.f32 $-1.000000000e+00, v20;
	v29 =	vmul.f32 v59, v29;
	v16 =	vsub.f32 $5.120000000e+02, v16  }
0x348: {  	v28 =	vsub.f32 $5.120000000e+02, v28;
	v24 =	vmax.f32 v24, v19;
	v30 =	vmul.f32 v60, v30  }
0x349: {  	[tilespmem:v17+s28+$0x0] =	vst.idx.add.f32.msk $0xffff, v2;
	v63 =	vmul.f32 v62, v39;
	v29 =	vsub.f32 $5.120000000e+02, v29;
	v18 =	vmax.f32 v16, $0.0e+00  }
0x34a: {  	[tilespmem:v17+s29+$0x0] =	vst.idx.add.f32.msk $0xffff, v12;
	v16 =	vmax.f32 v28, $0.0e+00;
	v12 =	vmax.f32 v24, v18;
	v24 =	vsub.f32 $5.120000000e+02, v31  }
0x34b: {  	[tilespmem:v56+s28+$0x0] =	vst.idx.add.f32.msk $0xffff, v2;
	v28 =	vsub.f32 $5.120000000e+02, v30;
	v17 =	vmax.f32 v29, $0.0e+00;
	v12 =	vmax.f32 v12, v16  }
0x34c: {  	[tilespmem:v56+s29+$0x0] =	vst.idx.add.f32.msk $0xffff, v11;
	v11 =	vmax.f32 v12, v17;
	v12 =	vmax.f32 v24, $0.0e+00;
	v24 =	vsub.f32 $5.120000000e+02, v33  }
0x34d: {  	[tilespmem:v34+s28+$0x0] =	vst.idx.add.f32.msk $0xffff, v2;
	v29 =	vsub.f32 $5.120000000e+02, v63;
	v31 =	vmax.f32 v11, v12;
	v11 =	vmax.f32 v28, $0.0e+00  }
0x34e: {  	s31 =	simm.s32 $0x8;
	s4 =	simm.s32 $0x100;
	s3 =	simm.s32 $0x800;
	[tilespmem:v34+s29+$0x0] =	vst.idx.add.f32.msk $0xffff, v8;
	v30 =	vmul.f32 $4.096000000e+03, v36;
	v28 =	vmax.f32 v31, v11;
	v8 =	vmax.f32 v24, $0.0e+00  }
.LBB2_14:
0x34f: {  	s5 =	sand.u32 $0x3000, s4;
	s6 =	sand.u32 $0xC00, s3;
	v27 =	vmul.f32 $4.096000000e+03, v27;
	v28 =	vmax.f32 v28, v8;
	v24 =	vmax.f32 v29, $0.0e+00;
	s1 =	sadd.s32 $0x20, s1  }
0x350: {  	v26 =	vmul.f32 $4.096000000e+03, v26;
	v25 =	vmul.f32 $4.096000000e+03, v25;
	s5 =	sor.u32 s6, s5;
	s6 =	sand.u32 $0x380, s1;
	v28 =	vmax.f32 v28, v24  }
0x351: {  	v29 =	vmin.f32 v19, $8.191000000e+03;
	v23 =	vmul.f32 $4.096000000e+03, v23;
	v22 =	vmul.f32 $4.096000000e+03, v22;
	s5 =	sor.u32 s6, s5  }
0x352: {  	v32 =	vmin.f32 v18, $8.191000000e+03;
	v21 =	vmul.f32 $4.096000000e+03, v21;
	v20 =	vmul.f32 $4.096000000e+03, v20;
	v31 =	vld [tilespmem:s5+$0x4000]  }
0x353: {  	v34 =	vmin.f32 v16, $8.191000000e+03;
	v35 =	vmin.f32 v17, $8.191000000e+03;
	v36 =	vmin.f32 v12, $8.191000000e+03;
	v33 =	vld [tilespmem:s5+$0x4010]  }
0x354: {  	v38 =	vmin.f32 v11, $8.191000000e+03;
	v39 =	vmin.f32 v8, $8.191000000e+03;
	v40 =	vmin.f32 v24, $8.191000000e+03;
	v37 =	vld [tilespmem:s5+$0x4020]  }
0x355: {  	v29 =	vadd.f32 v29, v30;
	v30 =	vor.u32 v1, v15;
	v27 =	vadd.f32 v32, v27;
	v41 =	vld [tilespmem:s5+$0x4030]  }
0x356: {  	v15 =	vadd.f32 v34, v26;
	v25 =	vadd.f32 v35, v25;
	v34 =	vor.u32 v1, v14;
	v32 =	vld [tilespmem:s5+$0x4040]  }
0x357: {  	s31 =	sadd.s32 $0x8, s31;
	v14 =	vadd.f32 v36, v23;
	v22 =	vadd.f32 v38, v22;
	v36 =	vor.u32 v1, v13;
	v35 =	vld [tilespmem:s5+$0x4050]  }
0x358: {  	p0 =	slt.u32 s31, $0x3F8;
	v13 =	vadd.f32 v39, v21;
	v20 =	vadd.f32 v40, v20;
	v38 =	vor.u32 v1, v10;
	v23 =	vld [tilespmem:s5+$0xC000]  }
0x359: {  	v39 =	vor.u32 v1, v9;
	v10 =	vadd.f32 $8.388608000e+06, v29;
	v26 =	vadd.f32 $8.388608000e+06, v27;
	v21 =	vld [tilespmem:s5+$0xC010]  }
0x35a: {  	v9 =	vadd.f32 $8.388608000e+06, v15;
	v15 =	vadd.f32 $8.388608000e+06, v25;
	v29 =	vld [tilespmem:s5+$0xC020]  }
0x35b: {  	v22 =	vadd.f32 $8.388608000e+06, v22;
	v27 =	vand.u32 $0x3FF0, v10;
	v10 =	vadd.f32 $8.388608000e+06, v14;
	v25 =	vld [tilespmem:s5+$0xC030]  }
0x35c: {  	v42 =	vadd.f32 $8.388608000e+06, v13;
	v20 =	vadd.f32 $8.388608000e+06, v20;
	v26 =	vand.u32 $0x3FF0, v26;
	v40 =	vld [tilespmem:s5+$0xC040]  }
0x35d: {  	v44 =	vand.u32 $0x3FF0, v9;
	v15 =	vand.u32 $0x3FF0, v15;
	v14 =	vand.u32 $0x3FF0, v10;
	v43 =	vld [tilespmem:s5+$0xC050]  }
0x35e: {  	v13 =	vand.u32 $0x3FF0, v22;
	v9 =	vand.u32 $0x3FF0, v20;
	v10 =	vand.u32 $0x3FF0, v42;
	v45 =	vld [tilespmem:s5+$0xC060]  }
0x35f: {  	v42 =	vor.u32 v1, v27;
	v46 =	vor.u32 v1, v26;
	v44 =	vor.u32 v1, v44;
	v20 =	vld [tilespmem:s5+$0xC070]  }
0x360: {  	v31 =	vmul.f32 $5.120000000e+02, v31;
	v33 =	vmul.f32 $5.120000000e+02, v33;
	v47 =	vadd.f32 v23, v23;
	v48 =	vld [tilespmem:s5+$0x4060]  }
0x361: {  	v37 =	vmul.f32 $5.120000000e+02, v37;
	v27 =	vadd.f32 v21, v21;
	v26 =	vadd.f32 v29, v29;
	v29 =	vld [tilespmem:s5+$0x4070]  }
0x362: {  	v41 =	vmul.f32 $5.120000000e+02, v41;
	v25 =	vadd.f32 v25, v25;
	v23 =	vadd.f32 v40, v40;
	[tilespmem:v30+s28+$0x0] =	vst.idx.add.f32.msk $0xffff, v2  }
0x363: {  	v32 =	vmul.f32 $5.120000000e+02, v32;
	v22 =	vadd.f32 v43, v43;
	v21 =	vadd.f32 v45, v45;
	[tilespmem:v30+s29+$0x0] =	vst.idx.add.f32.msk $0xffff, v7  }
0x364: {  	v35 =	vmul.f32 $5.120000000e+02, v35;
	v30 =	vadd.f32 $-1.000000000e+00, v47;
	v7 =	vmovc v17;
	v20 =	vadd.f32 v20, v20;
	[tilespmem:v42+s28+$0x0] =	vst.idx.add.f32.msk $0xffff, v2  }
0x365: {  	v40 =	vadd.f32 $-1.000000000e+00, v26;
	v17 =	vadd.f32 $-1.000000000e+00, v27;
	v43 =	vmul.f32 $5.120000000e+02, v48;
	[tilespmem:v42+s29+$0x0] =	vst.idx.add.f32.msk $0xffff, v19  }
0x366: {  	v19 =	vadd.f32 $-1.000000000e+00, v25;
	v42 =	vadd.f32 $-1.000000000e+00, v23;
	v29 =	vmul.f32 $5.120000000e+02, v29;
	[tilespmem:v46+s28+$0x0] =	vst.idx.add.f32.msk $0xffff, v2  }
0x367: {  	v30 =	vmul.f32 v30, v31;
	v31 =	vadd.f32 $-1.000000000e+00, v22;
	v45 =	vadd.f32 $-1.000000000e+00, v21;
	[tilespmem:v46+s29+$0x0] =	vst.idx.add.f32.msk $0xffff, v18  }
0x368: {  	v17 =	vmul.f32 v17, v33;
	v33 =	vadd.f32 $-1.000000000e+00, v20;
	v18 =	vmul.f32 v40, v37;
	[tilespmem:v44+s28+$0x0] =	vst.idx.add.f32.msk $0xffff, v2  }
0x369: {  	v30 =	vsub.f32 $5.120000000e+02, v30;
	v37 =	vmul.f32 v19, v41;
	v32 =	vmul.f32 v42, v32;
	[tilespmem:v44+s29+$0x0] =	vst.idx.add.f32.msk $0xffff, v16  }
0x36a: {  	v31 =	vmul.f32 v31, v35;
	v35 =	vmul.f32 v45, v43;
	v16 =	vsub.f32 $5.120000000e+02, v17;
	[tilespmem:v34+s28+$0x0] =	vst.idx.add.f32.msk $0xffff, v2  }
0x36b: {  	v29 =	vmul.f32 v33, v29;
	v19 =	vmax.f32 v30, $0.0e+00;
	v17 =	vsub.f32 $5.120000000e+02, v18;
	[tilespmem:v34+s29+$0x0] =	vst.idx.add.f32.msk $0xffff, v6;
	v6 =	vmovc v12  }
0x36c: {  	v12 =	vmax.f32 v28, v19;
	v18 =	vmax.f32 v16, $0.0e+00;
	v28 =	vsub.f32 $5.120000000e+02, v37;
	[tilespmem:v36+s28+$0x0] =	vst.idx.add.f32.msk $0xffff, v2  }
.Ltmp6:
0x36d: {  	v30 =	vsub.f32 $5.120000000e+02, v32;
	v16 =	vmax.f32 v17, $0.0e+00;
	v12 =	vmax.f32 v12, v18;
	[tilespmem:v36+s29+$0x0] =	vst.idx.add.f32.msk $0xffff, v5;
	v5 =	vmovc v11;
	(pc) =	sbr.rel @p0 .LBB2_14-.Ltmp6, $4  }
0x36e: {  	v11 =	vmax.f32 v12, v16;
	v17 =	vmax.f32 v28, $0.0e+00;
	v28 =	vsub.f32 $5.120000000e+02, v31;
	[tilespmem:v38+s28+$0x0] =	vst.idx.add.f32.msk $0xffff, v2  }
0x36f: {  	v12 =	vmax.f32 v30, $0.0e+00;
	v31 =	vsub.f32 $5.120000000e+02, v35;
	v11 =	vmax.f32 v11, v17;
	[tilespmem:v38+s29+$0x0] =	vst.idx.add.f32.msk $0xffff, v4;
	v4 =	vmovc v8  }
0x370: {  	v29 =	vsub.f32 $5.120000000e+02, v29;
	v8 =	vmax.f32 v11, v12;
	v11 =	vmax.f32 v28, $0.0e+00;
	[tilespmem:v39+s28+$0x0] =	vst.idx.add.f32.msk $0xffff, v2  }
0x371: {  	s3 =	sadd.s32 $0x400, s3;
	s4 =	sadd.s32 $0x80, s4;
	v30 =	vmul.f32 $4.096000000e+03, v47;
	v28 =	vmax.f32 v8, v11;
	v8 =	vmax.f32 v31, $0.0e+00;
	[tilespmem:v39+s29+$0x0] =	vst.idx.add.f32.msk $0xffff, v3;
	v3 =	vmovc v24  }
0x372: {  	v24 =	vmin.f32 v19, $8.191000000e+03  }
0x373: {  	v27 =	vmul.f32 $4.096000000e+03, v27;
	v24 =	vadd.f32 v24, v30  }
0x374: {  	v26 =	vmul.f32 $4.096000000e+03, v26;
	v30 =	vmin.f32 v18, $8.191000000e+03  }
0x375: {  	v15 =	vor.u32 v1, v15;
	v27 =	vadd.f32 v30, v27;
	v24 =	vadd.f32 $8.388608000e+06, v24  }
0x376: {  	v13 =	vor.u32 v1, v13;
	v30 =	vmin.f32 v16, $8.191000000e+03  }
0x377: {  	v26 =	vadd.f32 v30, v26;
	v27 =	vadd.f32 $8.388608000e+06, v27;
	v24 =	vand.u32 $0x3FF0, v24  }
0x378: {  	v24 =	vor.u32 v1, v24  }
0x379: {  	v26 =	vadd.f32 $8.388608000e+06, v26;
	v27 =	vand.u32 $0x3FF0, v27  }
0x37a: {  	[tilespmem:v15+s28+$0x0] =	vst.idx.add.f32.msk $0xffff, v2;
	v27 =	vor.u32 v1, v27  }
0x37b: {  	[tilespmem:v13+s28+$0x0] =	vst.idx.add.f32.msk $0xffff, v2;
	v26 =	vand.u32 $0x3FF0, v26  }
0x37c: {  	[tilespmem:v15+s29+$0x0] =	vst.idx.add.f32.msk $0xffff, v7;
	v26 =	vor.u32 v1, v26  }
0x37d: {  	[tilespmem:v24+s28+$0x0] =	vst.idx.add.f32.msk $0xffff, v2  }
0x37e: {  	v7 =	vor.u32 v1, v14;
	v14 =	vmul.f32 $4.096000000e+03, v25;
	[tilespmem:v24+s29+$0x0] =	vst.idx.add.f32.msk $0xffff, v19  }
0x37f: {  	v15 =	vmin.f32 v17, $8.191000000e+03;
	[tilespmem:v27+s28+$0x0] =	vst.idx.add.f32.msk $0xffff, v2  }
0x380: {  	v14 =	vadd.f32 v15, v14;
	[tilespmem:v27+s29+$0x0] =	vst.idx.add.f32.msk $0xffff, v18;
	v18 =	vmul.f32 $4.096000000e+03, v23  }
0x381: {  	v10 =	vor.u32 v1, v10;
	v9 =	vor.u32 v1, v9;
	v19 =	vmin.f32 v12, $8.191000000e+03;
	[tilespmem:v26+s28+$0x0] =	vst.idx.add.f32.msk $0xffff, v2  }
0x382: {  	v14 =	vadd.f32 $8.388608000e+06, v14;
	[tilespmem:v26+s29+$0x0] =	vst.idx.add.f32.msk $0xffff, v16;
	v16 =	vmul.f32 $4.096000000e+03, v22;
	v18 =	vadd.f32 v19, v18  }
0x383: {  	v15 =	vmax.f32 v29, $0.0e+00;
	[tilespmem:v7+s28+$0x0] =	vst.idx.add.f32.msk $0xffff, v2;
	v19 =	vmul.f32 $4.096000000e+03, v21;
	v21 =	vmin.f32 v11, $8.191000000e+03  }
0x384: {  	[tilespmem:v7+s29+$0x0] =	vst.idx.add.f32.msk $0xffff, v6;
	v14 =	vand.u32 $0x3FF0, v14;
	v6 =	vadd.f32 v21, v16;
	v7 =	vadd.f32 $8.388608000e+06, v18  }
0x385: {  	[tilespmem:v13+s29+$0x0] =	vst.idx.add.f32.msk $0xffff, v5;
	v5 =	vor.u32 v1, v14;
	v16 =	vmul.f32 $4.096000000e+03, v20;
	v18 =	vmin.f32 v8, $8.191000000e+03  }
0x386: {  	[tilespmem:v10+s28+$0x0] =	vst.idx.add.f32.msk $0xffff, v2;
	v13 =	vadd.f32 v18, v19;
	v6 =	vadd.f32 $8.388608000e+06, v6;
	v7 =	vand.u32 $0x3FF0, v7  }
0x387: {  	[tilespmem:v10+s29+$0x0] =	vst.idx.add.f32.msk $0xffff, v4;
	v14 =	vmin.f32 v15, $8.191000000e+03;
	v4 =	vor.u32 v1, v7  }
0x388: {  	[tilespmem:v9+s28+$0x0] =	vst.idx.add.f32.msk $0xffff, v2;
	v7 =	vadd.f32 v14, v16;
	v10 =	vadd.f32 $8.388608000e+06, v13;
	v6 =	vand.u32 $0x3FF0, v6  }
0x389: {  	[tilespmem:v9+s29+$0x0] =	vst.idx.add.f32.msk $0xffff, v3;
	v3 =	vor.u32 v1, v6  }
0x38a: {  	[tilespmem:v5+s28+$0x0] =	vst.idx.add.f32.msk $0xffff, v2;
	v6 =	vadd.f32 $8.388608000e+06, v7;
	v7 =	vand.u32 $0x3FF0, v10  }
0x38b: {  	[tilespmem:v5+s29+$0x0] =	vst.idx.add.f32.msk $0xffff, v17;
	v7 =	vor.u32 v1, v7  }
0x38c: {  	v5 =	vand.u32 $0x3FF0, v6;
	[tilespmem:v4+s28+$0x0] =	vst.idx.add.f32.msk $0xffff, v2  }
0x38d: {  	v5 =	vor.u32 v1, v5;
	[tilespmem:v4+s29+$0x0] =	vst.idx.add.f32.msk $0xffff, v12  }
0x38e: {  	[tilespmem:v3+s28+$0x0] =	vst.idx.add.f32.msk $0xffff, v2  }
0x38f: {  	[tilespmem:v3+s29+$0x0] =	vst.idx.add.f32.msk $0xffff, v11  }
0x390: {  	[tilespmem:v7+s28+$0x0] =	vst.idx.add.f32.msk $0xffff, v2  }
0x391: {  	[tilespmem:v7+s29+$0x0] =	vst.idx.add.f32.msk $0xffff, v8  }
0x392: {  	[tilespmem:v5+s28+$0x0] =	vst.idx.add.f32.msk $0xffff, v2  }
0x393: {  	s1 =	simm.s32 $0x0;
	[tilespmem:v5+s29+$0x0] =	vst.idx.add.f32.msk $0xffff, v15  }
0x394: {  	[tilespmem:s24], [sflag:$0x2] =	stream.linear.gather [hbm4b:s17+s1], $0x4000, $0x38;
	[tilespmem:$0x18080] =	vst v63  }
0x395: {  	_ = 	snop  }
0x396: {  	[tilespmem:s25], [sflag:$0x2] =	stream.linear.gather [hbm4b:s18+s1], $0x4000, $0x38;
	[tilespmem:$0x18080] =	vst v63  }
0x397: {  	_ =	swait.ge [sflag:s26], $0x4000  }
0x398: {  	[sflag:s26] =	ssyncset.done $0x0  }
0x399: {  	[sflag:s26] =	ssyncadd.s32 $0xFFFFC000  }
0x39a: {  	s3 =	sand.u32 $0x3000, s1;
	s4 =	sand.u32 $0xC00, s1;
	_ =	swait.ge [sflag:s26], $0x4000  }
0x39b: {  	s3 =	sor.u32 s4, s3;
	s1 =	sand.u32 $0x380, s1;
	[sflag:s26] =	ssyncset.done $0x0  }
0x39c: {  	s1 =	sor.u32 s1, s3;
	[sflag:s26] =	ssyncadd.s32 $0xFFFFC000  }
0x39d: {  	v3 =	vld [tilespmem:s1+$0x0]  }
0x39e: {  	v4 =	vld [tilespmem:s1+$0x10]  }
0x39f: {  	v5 =	vld [tilespmem:s1+$0x20]  }
0x3a0: {  	v6 =	vld [tilespmem:s1+$0x30]  }
0x3a1: {  	v7 =	vld [tilespmem:s1+$0x40]  }
0x3a2: {  	v9 =	vld [tilespmem:s1+$0x50]  }
0x3a3: {  	v10 =	vld [tilespmem:s1+$0x8000]  }
0x3a4: {  	v11 =	vld [tilespmem:s1+$0x8010]  }
0x3a5: {  	v12 =	vld [tilespmem:s1+$0x8020]  }
0x3a6: {  	v13 =	vld [tilespmem:s1+$0x8030]  }
0x3a7: {  	v14 =	vld [tilespmem:s1+$0x8040]  }
0x3a8: {  	v16 =	vld [tilespmem:s1+$0x8050]  }
0x3a9: {  	v8 =	vmax.f32 v28, v8;
	v17 =	vld [tilespmem:s1+$0x8060]  }
0x3aa: {  	v8 =	vmax.f32 v8, v15;
	v15 =	vld [tilespmem:s1+$0x8070]  }
0x3ab: {  	v18 =	vld [tilespmem:s1+$0x60];
	v3 =	vmul.f32 $5.120000000e+02, v3;
	v10 =	vadd.f32 v10, v10;
	v4 =	vmul.f32 $5.120000000e+02, v4  }
0x3ac: {  	v19 =	vadd.f32 v11, v11;
	v5 =	vmul.f32 $5.120000000e+02, v5;
	v20 =	vadd.f32 v12, v12  }
0x3ad: {  	s6 =	simm.s32 $0x400;
	s4 =	simm.s32 $0x80;
	v6 =	vmul.f32 $5.120000000e+02, v6;
	v13 =	vadd.f32 v13, v13;
	v14 =	vadd.f32 v14, v14  }
0x3ae: {  	s5 =	sand.u32 $0xC00, s6;
	s3 =	sand.u32 $0x3000, s4;
	v11 =	vld [tilespmem:s1+$0x70];
	v7 =	vmul.f32 $5.120000000e+02, v7;
	v16 =	vadd.f32 v16, v16;
	v17 =	vadd.f32 v17, v17;
	s1 =	simm.s32 $0x20  }
0x3af: {  	s3 =	sor.u32 s5, s3;
	v9 =	vmul.f32 $5.120000000e+02, v9;
	v15 =	vadd.f32 v15, v15;
	s6 =	sand.u32 $0x380, s1;
	v12 =	vadd.f32 $-1.000000000e+00, v10  }
0x3b0: {  	v18 =	vmul.f32 $5.120000000e+02, v18;
	v21 =	vadd.f32 $-1.000000000e+00, v19;
	v22 =	vadd.f32 $-1.000000000e+00, v20;
	s3 =	sor.u32 s6, s3  }
0x3b1: {  	v23 =	vadd.f32 $-1.000000000e+00, v13;
	v10 =	vmul.f32 $4.096000000e+03, v10;
	v19 =	vmul.f32 $4.096000000e+03, v19;
	v28 =	vld [tilespmem:s3+$0x20]  }
0x3b2: {  	v24 =	vadd.f32 $-1.000000000e+00, v14;
	v13 =	vmul.f32 $4.096000000e+03, v13;
	v14 =	vmul.f32 $4.096000000e+03, v14;
	v29 =	vld [tilespmem:s3+$0x30]  }
0x3b3: {  	v25 =	vadd.f32 $-1.000000000e+00, v17;
	v17 =	vmul.f32 $4.096000000e+03, v17;
	v30 =	vld [tilespmem:s3+$0x50];
	v3 =	vmul.f32 v12, v3  }
0x3b4: {  	v31 =	vld [tilespmem:s3+$0x8040];
	v12 =	vadd.f32 $-1.000000000e+00, v16;
	v4 =	vmul.f32 v21, v4;
	v5 =	vmul.f32 v22, v5  }
0x3b5: {  	v38 =	vld [tilespmem:s3+$0x60];
	v21 =	vadd.f32 $-1.000000000e+00, v15;
	v6 =	vmul.f32 v23, v6;
	v7 =	vmul.f32 v24, v7  }
0x3b6: {  	v39 =	vld [tilespmem:s3+$0x70];
	v18 =	vmul.f32 v25, v18;
	v11 =	vmul.f32 $5.120000000e+02, v11;
	v3 =	vsub.f32 $5.120000000e+02, v3  }
0x3b7: {  	v16 =	vmul.f32 $4.096000000e+03, v16;
	v15 =	vmul.f32 $4.096000000e+03, v15;
	v23 =	vld [tilespmem:s3+$0x10];
	v4 =	vsub.f32 $5.120000000e+02, v4  }
0x3b8: {  	v9 =	vmul.f32 v12, v9;
	v21 =	vmul.f32 v21, v11;
	v12 =	vmax.f32 v3, $0.0e+00  }
0x3b9: {  	v3 =	vsub.f32 $5.120000000e+02, v5;
	v11 =	vmax.f32 v4, $0.0e+00;
	v28 =	vmul.f32 $5.120000000e+02, v28  }
0x3ba: {  	v4 =	vsub.f32 $5.120000000e+02, v6;
	v29 =	vmul.f32 $5.120000000e+02, v29;
	v30 =	vmul.f32 $5.120000000e+02, v30  }
0x3bb: {  	v58 =	vmul.f32 $5.120000000e+02, v38;
	v39 =	vmul.f32 $5.120000000e+02, v39;
	v5 =	vmax.f32 v8, v12  }
0x3bc: {  	v22 =	vmin.f32 v11, $8.191000000e+03;
	v37 =	vmul.f32 $5.120000000e+02, v23;
	v23 =	vadd.f32 v31, v31  }
0x3bd: {  	v5 =	vmax.f32 v5, v11;
	v8 =	vmax.f32 v3, $0.0e+00;
	v3 =	vsub.f32 $5.120000000e+02, v7  }
0x3be: {  	v7 =	vmax.f32 v4, $0.0e+00;
	v4 =	vsub.f32 $5.120000000e+02, v9;
	v19 =	vadd.f32 v22, v19  }
0x3bf: {  	v5 =	vmax.f32 v5, v8;
	v24 =	vmin.f32 v8, $8.191000000e+03;
	v25 =	vmin.f32 v7, $8.191000000e+03  }
0x3c0: {  	v6 =	vmax.f32 v3, $0.0e+00;
	v3 =	vsub.f32 $5.120000000e+02, v18;
	v18 =	vsub.f32 $5.120000000e+02, v21  }
0x3c1: {  	v5 =	vmax.f32 v5, v7;
	v13 =	vadd.f32 v25, v13;
	v19 =	vadd.f32 $8.388608000e+06, v19  }
0x3c2: {  	v9 =	vmax.f32 v5, v6;
	v5 =	vmax.f32 v4, $0.0e+00;
	v26 =	vmin.f32 v6, $8.191000000e+03  }
0x3c3: {  	v35 =	vld [tilespmem:s3+$0x8060];
	v4 =	vmax.f32 v3, $0.0e+00;
	v3 =	vmax.f32 v18, $0.0e+00;
	v18 =	vmul.f32 $4.096000000e+03, v20  }
0x3c4: {  	v21 =	vld [tilespmem:s3+$0x0];
	v20 =	vmin.f32 v12, $8.191000000e+03;
	v27 =	vmin.f32 v5, $8.191000000e+03;
	v14 =	vadd.f32 v26, v14  }
0x3c5: {  	v25 =	vld [tilespmem:s3+$0x8000];
	v9 =	vmax.f32 v9, v5;
	v13 =	vadd.f32 $8.388608000e+06, v13;
	v19 =	vand.u32 $0x3FF0, v19  }
0x3c6: {  	v10 =	vadd.f32 v20, v10;
	v20 =	vmin.f32 v4, $8.191000000e+03;
	v16 =	vadd.f32 v27, v16  }
0x3c7: {  	v9 =	vmax.f32 v9, v4;
	v18 =	vadd.f32 v24, v18;
	v24 =	vmin.f32 v3, $8.191000000e+03  }
0x3c8: {  	v26 =	vld [tilespmem:s3+$0x8020];
	v56 =	vor.u32 v1, v19;
	v17 =	vadd.f32 v20, v17;
	v15 =	vadd.f32 v24, v15  }
0x3c9: {  	v10 =	vadd.f32 $8.388608000e+06, v10;
	v24 =	vmax.f32 v9, v3;
	v16 =	vadd.f32 $8.388608000e+06, v16  }
0x3ca: {  	v22 =	vld [tilespmem:s3+$0x40];
	v19 =	vmul.f32 $5.120000000e+02, v21;
	v36 =	vadd.f32 v25, v25;
	v21 =	vadd.f32 v35, v35  }
0x3cb: {  	v20 =	vld [tilespmem:s3+$0x8010];
	v9 =	vadd.f32 $8.388608000e+06, v18;
	v17 =	vadd.f32 $8.388608000e+06, v17;
	v27 =	vand.u32 $0x3FF0, v10  }
0x3cc: {  	v18 =	vld [tilespmem:s3+$0x8030];
	v10 =	vadd.f32 $8.388608000e+06, v14;
	v32 =	vadd.f32 $8.388608000e+06, v15;
	v15 =	vand.u32 $0x3FF0, v13  }
0x3cd: {  	v13 =	vand.u32 $0x3FF0, v16;
	v16 =	vld [tilespmem:s3+$0x8070];
	v26 =	vadd.f32 v26, v26;
	v31 =	vadd.f32 $-1.000000000e+00, v36  }
0x3ce: {  	v33 =	vld [tilespmem:s3+$0x8050];
	v61 =	vadd.f32 $-1.000000000e+00, v21;
	v34 =	vand.u32 $0x3FF0, v9;
	v14 =	vand.u32 $0x3FF0, v10  }
0x3cf: {  	v10 =	vand.u32 $0x3FF0, v17;
	v9 =	vand.u32 $0x3FF0, v32;
	v17 =	vor.u32 v1, v27  }
0x3d0: {  	v34 =	vor.u32 v1, v34;
	v27 =	vadd.f32 v20, v20;
	v57 =	vadd.f32 $-1.000000000e+00, v26  }
0x3d1: {  	v19 =	vmul.f32 v31, v19;
	v31 =	vadd.f32 $-1.000000000e+00, v23;
	v25 =	vadd.f32 v18, v18  }
0x3d2: {  	v18 =	vmul.f32 $5.120000000e+02, v22;
	v20 =	vadd.f32 v16, v16;
	v16 =	vadd.f32 $-1.000000000e+00, v27  }
0x3d3: {  	v22 =	vadd.f32 v33, v33;
	v28 =	vmul.f32 v57, v28;
	v19 =	vsub.f32 $5.120000000e+02, v19  }
0x3d4: {  	v33 =	vmul.f32 v61, v58;
	v59 =	vadd.f32 $-1.000000000e+00, v25;
	v16 =	vmul.f32 v16, v37  }
0x3d5: {  	v60 =	vadd.f32 $-1.000000000e+00, v22;
	v31 =	vmul.f32 v31, v18;
	v19 =	vmax.f32 v19, $0.0e+00  }
0x3d6: {  	v62 =	vadd.f32 $-1.000000000e+00, v20;
	v29 =	vmul.f32 v59, v29;
	v16 =	vsub.f32 $5.120000000e+02, v16  }
0x3d7: {  	v28 =	vsub.f32 $5.120000000e+02, v28;
	v24 =	vmax.f32 v24, v19;
	v30 =	vmul.f32 v60, v30  }
0x3d8: {  	[tilespmem:v17+s28+$0x0] =	vst.idx.add.f32.msk $0xffff, v2;
	v63 =	vmul.f32 v62, v39;
	v29 =	vsub.f32 $5.120000000e+02, v29;
	v18 =	vmax.f32 v16, $0.0e+00  }
0x3d9: {  	[tilespmem:v17+s29+$0x0] =	vst.idx.add.f32.msk $0xffff, v12;
	v16 =	vmax.f32 v28, $0.0e+00;
	v12 =	vmax.f32 v24, v18;
	v24 =	vsub.f32 $5.120000000e+02, v31  }
0x3da: {  	[tilespmem:v56+s28+$0x0] =	vst.idx.add.f32.msk $0xffff, v2;
	v28 =	vsub.f32 $5.120000000e+02, v30;
	v17 =	vmax.f32 v29, $0.0e+00;
	v12 =	vmax.f32 v12, v16  }
0x3db: {  	[tilespmem:v56+s29+$0x0] =	vst.idx.add.f32.msk $0xffff, v11;
	v11 =	vmax.f32 v12, v17;
	v12 =	vmax.f32 v24, $0.0e+00;
	v24 =	vsub.f32 $5.120000000e+02, v33  }
0x3dc: {  	[tilespmem:v34+s28+$0x0] =	vst.idx.add.f32.msk $0xffff, v2;
	v29 =	vsub.f32 $5.120000000e+02, v63;
	v31 =	vmax.f32 v11, v12;
	v11 =	vmax.f32 v28, $0.0e+00  }
0x3dd: {  	s31 =	simm.s32 $0x8;
	s4 =	simm.s32 $0x100;
	s3 =	simm.s32 $0x800;
	[tilespmem:v34+s29+$0x0] =	vst.idx.add.f32.msk $0xffff, v8;
	v30 =	vmul.f32 $4.096000000e+03, v36;
	v28 =	vmax.f32 v31, v11;
	v8 =	vmax.f32 v24, $0.0e+00  }
.LBB2_16:
0x3de: {  	s5 =	sand.u32 $0x3000, s4;
	s6 =	sand.u32 $0xC00, s3;
	v27 =	vmul.f32 $4.096000000e+03, v27;
	v28 =	vmax.f32 v28, v8;
	v24 =	vmax.f32 v29, $0.0e+00;
	s1 =	sadd.s32 $0x20, s1  }
0x3df: {  	v26 =	vmul.f32 $4.096000000e+03, v26;
	v25 =	vmul.f32 $4.096000000e+03, v25;
	s5 =	sor.u32 s6, s5;
	s6 =	sand.u32 $0x380, s1;
	v28 =	vmax.f32 v28, v24  }
0x3e0: {  	v29 =	vmin.f32 v19, $8.191000000e+03;
	v23 =	vmul.f32 $4.096000000e+03, v23;
	v22 =	vmul.f32 $4.096000000e+03, v22;
	s5 =	sor.u32 s6, s5  }
0x3e1: {  	v32 =	vmin.f32 v18, $8.191000000e+03;
	v21 =	vmul.f32 $4.096000000e+03, v21;
	v20 =	vmul.f32 $4.096000000e+03, v20;
	v31 =	vld [tilespmem:s5+$0x0]  }
0x3e2: {  	v34 =	vmin.f32 v16, $8.191000000e+03;
	v35 =	vmin.f32 v17, $8.191000000e+03;
	v36 =	vmin.f32 v12, $8.191000000e+03;
	v33 =	vld [tilespmem:s5+$0x10]  }
0x3e3: {  	v38 =	vmin.f32 v11, $8.191000000e+03;
	v39 =	vmin.f32 v8, $8.191000000e+03;
	v40 =	vmin.f32 v24, $8.191000000e+03;
	v37 =	vld [tilespmem:s5+$0x20]  }
0x3e4: {  	v29 =	vadd.f32 v29, v30;
	v30 =	vor.u32 v1, v15;
	v27 =	vadd.f32 v32, v27;
	v41 =	vld [tilespmem:s5+$0x30]  }
0x3e5: {  	v15 =	vadd.f32 v34, v26;
	v25 =	vadd.f32 v35, v25;
	v34 =	vor.u32 v1, v14;
	v32 =	vld [tilespmem:s5+$0x40]  }
0x3e6: {  	s31 =	sadd.s32 $0x8, s31;
	v14 =	vadd.f32 v36, v23;
	v22 =	vadd.f32 v38, v22;
	v36 =	vor.u32 v1, v13;
	v35 =	vld [tilespmem:s5+$0x50]  }
0x3e7: {  	p0 =	slt.u32 s31, $0x3F8;
	v13 =	vadd.f32 v39, v21;
	v20 =	vadd.f32 v40, v20;
	v38 =	vor.u32 v1, v10;
	v23 =	vld [tilespmem:s5+$0x8000]  }
0x3e8: {  	v39 =	vor.u32 v1, v9;
	v10 =	vadd.f32 $8.388608000e+06, v29;
	v26 =	vadd.f32 $8.388608000e+06, v27;
	v21 =	vld [tilespmem:s5+$0x8010]  }
0x3e9: {  	v9 =	vadd.f32 $8.388608000e+06, v15;
	v15 =	vadd.f32 $8.388608000e+06, v25;
	v29 =	vld [tilespmem:s5+$0x8020]  }
0x3ea: {  	v22 =	vadd.f32 $8.388608000e+06, v22;
	v27 =	vand.u32 $0x3FF0, v10;
	v10 =	vadd.f32 $8.388608000e+06, v14;
	v25 =	vld [tilespmem:s5+$0x8030]  }
0x3eb: {  	v42 =	vadd.f32 $8.388608000e+06, v13;
	v20 =	vadd.f32 $8.388608000e+06, v20;
	v26 =	vand.u32 $0x3FF0, v26;
	v40 =	vld [tilespmem:s5+$0x8040]  }
0x3ec: {  	v44 =	vand.u32 $0x3FF0, v9;
	v15 =	vand.u32 $0x3FF0, v15;
	v14 =	vand.u32 $0x3FF0, v10;
	v43 =	vld [tilespmem:s5+$0x8050]  }
0x3ed: {  	v13 =	vand.u32 $0x3FF0, v22;
	v9 =	vand.u32 $0x3FF0, v20;
	v10 =	vand.u32 $0x3FF0, v42;
	v45 =	vld [tilespmem:s5+$0x8060]  }
0x3ee: {  	v42 =	vor.u32 v1, v27;
	v46 =	vor.u32 v1, v26;
	v44 =	vor.u32 v1, v44;
	v20 =	vld [tilespmem:s5+$0x8070]  }
0x3ef: {  	v31 =	vmul.f32 $5.120000000e+02, v31;
	v33 =	vmul.f32 $5.120000000e+02, v33;
	v47 =	vadd.f32 v23, v23;
	v48 =	vld [tilespmem:s5+$0x60]  }
0x3f0: {  	v37 =	vmul.f32 $5.120000000e+02, v37;
	v27 =	vadd.f32 v21, v21;
	v26 =	vadd.f32 v29, v29;
	v29 =	vld [tilespmem:s5+$0x70]  }
0x3f1: {  	v41 =	vmul.f32 $5.120000000e+02, v41;
	v25 =	vadd.f32 v25, v25;
	v23 =	vadd.f32 v40, v40;
	[tilespmem:v30+s28+$0x0] =	vst.idx.add.f32.msk $0xffff, v2  }
0x3f2: {  	v32 =	vmul.f32 $5.120000000e+02, v32;
	v22 =	vadd.f32 v43, v43;
	v21 =	vadd.f32 v45, v45;
	[tilespmem:v30+s29+$0x0] =	vst.idx.add.f32.msk $0xffff, v7  }
0x3f3: {  	v35 =	vmul.f32 $5.120000000e+02, v35;
	v30 =	vadd.f32 $-1.000000000e+00, v47;
	v7 =	vmovc v17;
	v20 =	vadd.f32 v20, v20;
	[tilespmem:v42+s28+$0x0] =	vst.idx.add.f32.msk $0xffff, v2  }
0x3f4: {  	v40 =	vadd.f32 $-1.000000000e+00, v26;
	v17 =	vadd.f32 $-1.000000000e+00, v27;
	v43 =	vmul.f32 $5.120000000e+02, v48;
	[tilespmem:v42+s29+$0x0] =	vst.idx.add.f32.msk $0xffff, v19  }
0x3f5: {  	v19 =	vadd.f32 $-1.000000000e+00, v25;
	v42 =	vadd.f32 $-1.000000000e+00, v23;
	v29 =	vmul.f32 $5.120000000e+02, v29;
	[tilespmem:v46+s28+$0x0] =	vst.idx.add.f32.msk $0xffff, v2  }
0x3f6: {  	v30 =	vmul.f32 v30, v31;
	v31 =	vadd.f32 $-1.000000000e+00, v22;
	v45 =	vadd.f32 $-1.000000000e+00, v21;
	[tilespmem:v46+s29+$0x0] =	vst.idx.add.f32.msk $0xffff, v18  }
0x3f7: {  	v17 =	vmul.f32 v17, v33;
	v33 =	vadd.f32 $-1.000000000e+00, v20;
	v18 =	vmul.f32 v40, v37;
	[tilespmem:v44+s28+$0x0] =	vst.idx.add.f32.msk $0xffff, v2  }
0x3f8: {  	v30 =	vsub.f32 $5.120000000e+02, v30;
	v37 =	vmul.f32 v19, v41;
	v32 =	vmul.f32 v42, v32;
	[tilespmem:v44+s29+$0x0] =	vst.idx.add.f32.msk $0xffff, v16  }
0x3f9: {  	v31 =	vmul.f32 v31, v35;
	v35 =	vmul.f32 v45, v43;
	v16 =	vsub.f32 $5.120000000e+02, v17;
	[tilespmem:v34+s28+$0x0] =	vst.idx.add.f32.msk $0xffff, v2  }
0x3fa: {  	v29 =	vmul.f32 v33, v29;
	v19 =	vmax.f32 v30, $0.0e+00;
	v17 =	vsub.f32 $5.120000000e+02, v18;
	[tilespmem:v34+s29+$0x0] =	vst.idx.add.f32.msk $0xffff, v6;
	v6 =	vmovc v12  }
0x3fb: {  	v12 =	vmax.f32 v28, v19;
	v18 =	vmax.f32 v16, $0.0e+00;
	v28 =	vsub.f32 $5.120000000e+02, v37;
	[tilespmem:v36+s28+$0x0] =	vst.idx.add.f32.msk $0xffff, v2  }
.Ltmp7:
0x3fc: {  	v30 =	vsub.f32 $5.120000000e+02, v32;
	v16 =	vmax.f32 v17, $0.0e+00;
	v12 =	vmax.f32 v12, v18;
	[tilespmem:v36+s29+$0x0] =	vst.idx.add.f32.msk $0xffff, v5;
	v5 =	vmovc v11;
	(pc) =	sbr.rel @p0 .LBB2_16-.Ltmp7, $4  }
0x3fd: {  	v11 =	vmax.f32 v12, v16;
	v17 =	vmax.f32 v28, $0.0e+00;
	v28 =	vsub.f32 $5.120000000e+02, v31;
	[tilespmem:v38+s28+$0x0] =	vst.idx.add.f32.msk $0xffff, v2  }
0x3fe: {  	v12 =	vmax.f32 v30, $0.0e+00;
	v31 =	vsub.f32 $5.120000000e+02, v35;
	v11 =	vmax.f32 v11, v17;
	[tilespmem:v38+s29+$0x0] =	vst.idx.add.f32.msk $0xffff, v4;
	v4 =	vmovc v8  }
0x3ff: {  	v29 =	vsub.f32 $5.120000000e+02, v29;
	v8 =	vmax.f32 v11, v12;
	v11 =	vmax.f32 v28, $0.0e+00;
	[tilespmem:v39+s28+$0x0] =	vst.idx.add.f32.msk $0xffff, v2  }
0x400: {  	s3 =	sadd.s32 $0x400, s3;
	s4 =	sadd.s32 $0x80, s4;
	v30 =	vmul.f32 $4.096000000e+03, v47;
	v28 =	vmax.f32 v8, v11;
	v8 =	vmax.f32 v31, $0.0e+00;
	[tilespmem:v39+s29+$0x0] =	vst.idx.add.f32.msk $0xffff, v3;
	v3 =	vmovc v24  }
0x401: {  	v24 =	vmin.f32 v19, $8.191000000e+03  }
0x402: {  	v27 =	vmul.f32 $4.096000000e+03, v27;
	v24 =	vadd.f32 v24, v30  }
0x403: {  	v26 =	vmul.f32 $4.096000000e+03, v26;
	v30 =	vmin.f32 v18, $8.191000000e+03  }
0x404: {  	v15 =	vor.u32 v1, v15;
	v27 =	vadd.f32 v30, v27;
	v24 =	vadd.f32 $8.388608000e+06, v24  }
0x405: {  	v13 =	vor.u32 v1, v13;
	v30 =	vmin.f32 v16, $8.191000000e+03  }
0x406: {  	v26 =	vadd.f32 v30, v26;
	v27 =	vadd.f32 $8.388608000e+06, v27;
	v24 =	vand.u32 $0x3FF0, v24  }
0x407: {  	v24 =	vor.u32 v1, v24  }
0x408: {  	v26 =	vadd.f32 $8.388608000e+06, v26;
	v27 =	vand.u32 $0x3FF0, v27  }
0x409: {  	[tilespmem:v15+s28+$0x0] =	vst.idx.add.f32.msk $0xffff, v2;
	v27 =	vor.u32 v1, v27  }
0x40a: {  	[tilespmem:v13+s28+$0x0] =	vst.idx.add.f32.msk $0xffff, v2;
	v26 =	vand.u32 $0x3FF0, v26  }
0x40b: {  	[tilespmem:v15+s29+$0x0] =	vst.idx.add.f32.msk $0xffff, v7;
	v26 =	vor.u32 v1, v26  }
0x40c: {  	[tilespmem:v24+s28+$0x0] =	vst.idx.add.f32.msk $0xffff, v2  }
0x40d: {  	v7 =	vor.u32 v1, v14;
	v14 =	vmul.f32 $4.096000000e+03, v25;
	[tilespmem:v24+s29+$0x0] =	vst.idx.add.f32.msk $0xffff, v19  }
0x40e: {  	v15 =	vmin.f32 v17, $8.191000000e+03;
	[tilespmem:v27+s28+$0x0] =	vst.idx.add.f32.msk $0xffff, v2  }
0x40f: {  	v14 =	vadd.f32 v15, v14;
	[tilespmem:v27+s29+$0x0] =	vst.idx.add.f32.msk $0xffff, v18;
	v18 =	vmul.f32 $4.096000000e+03, v23  }
0x410: {  	v10 =	vor.u32 v1, v10;
	v9 =	vor.u32 v1, v9;
	v19 =	vmin.f32 v12, $8.191000000e+03;
	[tilespmem:v26+s28+$0x0] =	vst.idx.add.f32.msk $0xffff, v2  }
0x411: {  	v14 =	vadd.f32 $8.388608000e+06, v14;
	[tilespmem:v26+s29+$0x0] =	vst.idx.add.f32.msk $0xffff, v16;
	v16 =	vmul.f32 $4.096000000e+03, v22;
	v18 =	vadd.f32 v19, v18  }
0x412: {  	v15 =	vmax.f32 v29, $0.0e+00;
	[tilespmem:v7+s28+$0x0] =	vst.idx.add.f32.msk $0xffff, v2;
	v19 =	vmul.f32 $4.096000000e+03, v21;
	v21 =	vmin.f32 v11, $8.191000000e+03  }
0x413: {  	[tilespmem:v7+s29+$0x0] =	vst.idx.add.f32.msk $0xffff, v6;
	v14 =	vand.u32 $0x3FF0, v14;
	v6 =	vadd.f32 v21, v16;
	v7 =	vadd.f32 $8.388608000e+06, v18  }
0x414: {  	[tilespmem:v13+s29+$0x0] =	vst.idx.add.f32.msk $0xffff, v5;
	v5 =	vor.u32 v1, v14;
	v16 =	vmul.f32 $4.096000000e+03, v20;
	v18 =	vmin.f32 v8, $8.191000000e+03  }
0x415: {  	[tilespmem:v10+s28+$0x0] =	vst.idx.add.f32.msk $0xffff, v2;
	v13 =	vadd.f32 v18, v19;
	v6 =	vadd.f32 $8.388608000e+06, v6;
	v7 =	vand.u32 $0x3FF0, v7  }
0x416: {  	[tilespmem:v10+s29+$0x0] =	vst.idx.add.f32.msk $0xffff, v4;
	v14 =	vmin.f32 v15, $8.191000000e+03;
	v4 =	vor.u32 v1, v7  }
0x417: {  	[tilespmem:v9+s28+$0x0] =	vst.idx.add.f32.msk $0xffff, v2;
	v7 =	vadd.f32 v14, v16;
	v10 =	vadd.f32 $8.388608000e+06, v13;
	v6 =	vand.u32 $0x3FF0, v6  }
0x418: {  	[tilespmem:v9+s29+$0x0] =	vst.idx.add.f32.msk $0xffff, v3;
	v3 =	vor.u32 v1, v6  }
0x419: {  	[tilespmem:v5+s28+$0x0] =	vst.idx.add.f32.msk $0xffff, v2;
	v6 =	vadd.f32 $8.388608000e+06, v7;
	v7 =	vand.u32 $0x3FF0, v10  }
0x41a: {  	[tilespmem:v5+s29+$0x0] =	vst.idx.add.f32.msk $0xffff, v17;
	v7 =	vor.u32 v1, v7  }
0x41b: {  	v5 =	vand.u32 $0x3FF0, v6;
	[tilespmem:v4+s28+$0x0] =	vst.idx.add.f32.msk $0xffff, v2  }
0x41c: {  	v5 =	vor.u32 v1, v5;
	[tilespmem:v4+s29+$0x0] =	vst.idx.add.f32.msk $0xffff, v12  }
0x41d: {  	[tilespmem:v3+s28+$0x0] =	vst.idx.add.f32.msk $0xffff, v2  }
0x41e: {  	[tilespmem:v3+s29+$0x0] =	vst.idx.add.f32.msk $0xffff, v11  }
0x41f: {  	[tilespmem:v7+s28+$0x0] =	vst.idx.add.f32.msk $0xffff, v2  }
0x420: {  	[tilespmem:v7+s29+$0x0] =	vst.idx.add.f32.msk $0xffff, v8  }
0x421: {  	[tilespmem:v5+s28+$0x0] =	vst.idx.add.f32.msk $0xffff, v2  }
0x422: {  	[tilespmem:v5+s29+$0x0] =	vst.idx.add.f32.msk $0xffff, v15  }
0x423: {  	_ =	swait.ge [sflag:s30], $0x4000  }
0x424: {  	[sflag:s30] =	ssyncset.done $0x0  }
0x425: {  	s1 =	simm.s32 $0x0;
	[sflag:s30] =	ssyncadd.s32 $0xFFFFC000  }
0x426: {  	s3 =	sand.u32 $0x3000, s1;
	s4 =	sand.u32 $0xC00, s1;
	_ =	swait.ge [sflag:s30], $0x4000  }
0x427: {  	s1 =	sand.u32 $0x380, s1;
	s3 =	sor.u32 s4, s3;
	[sflag:s30] =	ssyncset.done $0x0  }
0x428: {  	s1 =	sor.u32 s1, s3;
	[sflag:s30] =	ssyncadd.s32 $0xFFFFC000  }
0x429: {  	v3 =	vld [tilespmem:s1+$0x4000]  }
0x42a: {  	v4 =	vld [tilespmem:s1+$0x4010]  }
0x42b: {  	v5 =	vld [tilespmem:s1+$0x4020]  }
0x42c: {  	v6 =	vld [tilespmem:s1+$0x4030]  }
0x42d: {  	v7 =	vld [tilespmem:s1+$0x4040]  }
0x42e: {  	v10 =	vld [tilespmem:s1+$0xC000]  }
0x42f: {  	v11 =	vld [tilespmem:s1+$0xC010]  }
0x430: {  	v12 =	vld [tilespmem:s1+$0xC020]  }
0x431: {  	v13 =	vld [tilespmem:s1+$0xC030]  }
0x432: {  	v14 =	vld [tilespmem:s1+$0xC040]  }
0x433: {  	v16 =	vld [tilespmem:s1+$0xC050]  }
0x434: {  	v8 =	vmax.f32 v28, v8;
	v17 =	vld [tilespmem:s1+$0xC060]  }
0x435: {  	v8 =	vmax.f32 v8, v15;
	v9 =	vld [tilespmem:s1+$0x4050]  }
0x436: {  	v3 =	vmul.f32 $5.120000000e+02, v3;
	v18 =	vadd.f32 v10, v10;
	v4 =	vmul.f32 $5.120000000e+02, v4  }
0x437: {  	v19 =	vadd.f32 v11, v11;
	v5 =	vmul.f32 $5.120000000e+02, v5;
	v20 =	vadd.f32 v12, v12  }
0x438: {  	v6 =	vmul.f32 $5.120000000e+02, v6;
	v13 =	vadd.f32 v13, v13;
	v14 =	vadd.f32 v14, v14  }
0x439: {  	v15 =	vld [tilespmem:s1+$0xC070];
	v7 =	vmul.f32 $5.120000000e+02, v7;
	v16 =	vadd.f32 v16, v16;
	v17 =	vadd.f32 v17, v17  }
0x43a: {  	s6 =	simm.s32 $0x400;
	s4 =	simm.s32 $0x80;
	v10 =	vld [tilespmem:s1+$0x4060];
	v9 =	vmul.f32 $5.120000000e+02, v9;
	v12 =	vadd.f32 $-1.000000000e+00, v18;
	v21 =	vadd.f32 $-1.000000000e+00, v19  }
0x43b: {  	s5 =	sand.u32 $0xC00, s6;
	s3 =	sand.u32 $0x3000, s4;
	v11 =	vld [tilespmem:s1+$0x4070];
	s1 =	simm.s32 $0x20;
	v22 =	vadd.f32 $-1.000000000e+00, v20;
	v23 =	vadd.f32 $-1.000000000e+00, v13;
	v18 =	vmul.f32 $4.096000000e+03, v18  }
0x43c: {  	s3 =	sor.u32 s5, s3;
	s6 =	sand.u32 $0x380, s1;
	v24 =	vadd.f32 $-1.000000000e+00, v14;
	v19 =	vmul.f32 $4.096000000e+03, v19;
	v13 =	vmul.f32 $4.096000000e+03, v13  }
0x43d: {  	v25 =	vadd.f32 $-1.000000000e+00, v17;
	s3 =	sor.u32 s6, s3;
	v14 =	vmul.f32 $4.096000000e+03, v14;
	v17 =	vmul.f32 $4.096000000e+03, v17  }
0x43e: {  	v15 =	vadd.f32 v15, v15;
	v28 =	vld [tilespmem:s3+$0x4020];
	v3 =	vmul.f32 v12, v3;
	v4 =	vmul.f32 v21, v4  }
0x43f: {  	v29 =	vld [tilespmem:s3+$0x4030];
	v12 =	vadd.f32 $-1.000000000e+00, v16;
	v5 =	vmul.f32 v22, v5;
	v6 =	vmul.f32 v23, v6  }
0x440: {  	v30 =	vld [tilespmem:s3+$0x4050];
	v21 =	vadd.f32 $-1.000000000e+00, v15;
	v7 =	vmul.f32 v24, v7;
	v16 =	vmul.f32 $4.096000000e+03, v16  }
0x441: {  	v38 =	vld [tilespmem:s3+$0x4060];
	v10 =	vmul.f32 $5.120000000e+02, v10;
	v11 =	vmul.f32 $5.120000000e+02, v11;
	v3 =	vsub.f32 $5.120000000e+02, v3  }
0x442: {  	v15 =	vmul.f32 $4.096000000e+03, v15;
	v4 =	vsub.f32 $5.120000000e+02, v4;
	v9 =	vmul.f32 v12, v9  }
0x443: {  	v22 =	vmul.f32 v25, v10;
	v21 =	vmul.f32 v21, v11;
	v12 =	vmax.f32 v3, $0.0e+00  }
0x444: {  	v3 =	vsub.f32 $5.120000000e+02, v5;
	v11 =	vmax.f32 v4, $0.0e+00;
	v4 =	vsub.f32 $5.120000000e+02, v6  }
0x445: {  	v28 =	vmul.f32 $5.120000000e+02, v28;
	v29 =	vmul.f32 $5.120000000e+02, v29;
	v5 =	vmax.f32 v8, v12  }
0x446: {  	v30 =	vmul.f32 $5.120000000e+02, v30;
	v57 =	vmul.f32 $5.120000000e+02, v38;
	v5 =	vmax.f32 v5, v11  }
0x447: {  	v10 =	vmax.f32 v3, $0.0e+00;
	v3 =	vsub.f32 $5.120000000e+02, v7;
	v7 =	vmax.f32 v4, $0.0e+00  }
0x448: {  	v4 =	vsub.f32 $5.120000000e+02, v9;
	v9 =	vsub.f32 $5.120000000e+02, v21;
	v5 =	vmax.f32 v5, v10  }
0x449: {  	v24 =	vmin.f32 v10, $8.191000000e+03;
	v25 =	vmin.f32 v7, $8.191000000e+03;
	v5 =	vmax.f32 v5, v7  }
0x44a: {  	v6 =	vmax.f32 v3, $0.0e+00;
	v3 =	vsub.f32 $5.120000000e+02, v22;
	v22 =	vmin.f32 v11, $8.191000000e+03  }
0x44b: {  	v13 =	vadd.f32 v25, v13;
	v8 =	vmax.f32 v5, v6;
	v5 =	vmax.f32 v4, $0.0e+00  }
0x44c: {  	v31 =	vld [tilespmem:s3+$0xC030];
	v26 =	vmin.f32 v6, $8.191000000e+03;
	v19 =	vadd.f32 v22, v19;
	v4 =	vmax.f32 v3, $0.0e+00  }
0x44d: {  	v25 =	vld [tilespmem:s3+$0xC000];
	v3 =	vmax.f32 v9, $0.0e+00;
	v9 =	vmul.f32 $4.096000000e+03, v20;
	v20 =	vmin.f32 v12, $8.191000000e+03  }
0x44e: {  	v32 =	vld [tilespmem:s3+$0xC040];
	v27 =	vmin.f32 v5, $8.191000000e+03;
	v14 =	vadd.f32 v26, v14;
	v18 =	vadd.f32 v20, v18  }
0x44f: {  	v33 =	vld [tilespmem:s3+$0xC050];
	v20 =	vmin.f32 v4, $8.191000000e+03;
	v16 =	vadd.f32 v27, v16;
	v19 =	vadd.f32 $8.388608000e+06, v19  }
0x450: {  	v23 =	vld [tilespmem:s3+$0x4010];
	v9 =	vadd.f32 v24, v9;
	v24 =	vmin.f32 v3, $8.191000000e+03;
	v17 =	vadd.f32 v20, v17  }
0x451: {  	v22 =	vld [tilespmem:s3+$0x4040];
	v8 =	vmax.f32 v8, v5;
	v15 =	vadd.f32 v24, v15;
	v18 =	vadd.f32 $8.388608000e+06, v18  }
0x452: {  	v26 =	vld [tilespmem:s3+$0xC020];
	v8 =	vmax.f32 v8, v4;
	v16 =	vadd.f32 $8.388608000e+06, v16;
	v37 =	vadd.f32 v25, v25  }
0x453: {  	v24 =	vmax.f32 v8, v3;
	v25 =	vadd.f32 v31, v31;
	v8 =	vadd.f32 $8.388608000e+06, v9  }
0x454: {  	v35 =	vld [tilespmem:s3+$0xC060];
	v19 =	vand.u32 $0x3FF0, v19;
	v9 =	vadd.f32 $8.388608000e+06, v13;
	v13 =	vadd.f32 $8.388608000e+06, v14  }
0x455: {  	v21 =	vld [tilespmem:s3+$0x4000];
	v17 =	vadd.f32 $8.388608000e+06, v17;
	v36 =	vor.u32 v1, v19;
	v19 =	vmul.f32 $5.120000000e+02, v23  }
0x456: {  	v20 =	vld [tilespmem:s3+$0xC010];
	v23 =	vadd.f32 v32, v32;
	v31 =	vmul.f32 $5.120000000e+02, v22;
	v22 =	vadd.f32 v33, v33  }
0x457: {  	v39 =	vld [tilespmem:s3+$0x4070];
	v18 =	vand.u32 $0x3FF0, v18;
	v27 =	vadd.f32 $8.388608000e+06, v15;
	v26 =	vadd.f32 v26, v26  }
0x458: {  	v55 =	vadd.f32 $-1.000000000e+00, v37;
	v14 =	vand.u32 $0x3FF0, v13;
	v13 =	vand.u32 $0x3FF0, v16;
	v16 =	vld [tilespmem:s3+$0xC070]  }
0x459: {  	v58 =	vadd.f32 $-1.000000000e+00, v25;
	v34 =	vand.u32 $0x3FF0, v8;
	v15 =	vand.u32 $0x3FF0, v9  }
0x45a: {  	v9 =	vand.u32 $0x3FF0, v17;
	v17 =	vor.u32 v1, v18;
	v18 =	vmul.f32 $5.120000000e+02, v21  }
0x45b: {  	v21 =	vadd.f32 v35, v35;
	v8 =	vand.u32 $0x3FF0, v27;
	v27 =	vadd.f32 v20, v20  }
0x45c: {  	v39 =	vmul.f32 $5.120000000e+02, v39;
	v59 =	vadd.f32 $-1.000000000e+00, v23;
	v56 =	vadd.f32 $-1.000000000e+00, v26  }
0x45d: {  	v29 =	vmul.f32 v58, v29;
	v20 =	vadd.f32 v16, v16;
	v16 =	vadd.f32 $-1.000000000e+00, v27  }
0x45e: {  	v34 =	vor.u32 v1, v34;
	v18 =	vmul.f32 v55, v18;
	v60 =	vadd.f32 $-1.000000000e+00, v21  }
0x45f: {  	v28 =	vmul.f32 v56, v28;
	v29 =	vsub.f32 $5.120000000e+02, v29;
	v16 =	vmul.f32 v16, v19  }
0x460: {  	v31 =	vmul.f32 v59, v31;
	v18 =	vsub.f32 $5.120000000e+02, v18;
	v19 =	vadd.f32 $-1.000000000e+00, v22  }
0x461: {  	v62 =	vmul.f32 v60, v57;
	v28 =	vsub.f32 $5.120000000e+02, v28;
	[tilespmem:v17+s28+$0x0] =	vst.idx.add.f32.msk $0xffff, v2;
	v16 =	vsub.f32 $5.120000000e+02, v16  }
0x462: {  	[tilespmem:v17+s29+$0x0] =	vst.idx.add.f32.msk $0xffff, v12;
	v17 =	vmax.f32 v29, $0.0e+00;
	v30 =	vmul.f32 v19, v30;
	v19 =	vmax.f32 v18, $0.0e+00  }
0x463: {  	v61 =	vadd.f32 $-1.000000000e+00, v20;
	v24 =	vmax.f32 v24, v19;
	v18 =	vmax.f32 v16, $0.0e+00  }
0x464: {  	v16 =	vmax.f32 v28, $0.0e+00;
	v12 =	vmax.f32 v24, v18;
	v24 =	vsub.f32 $5.120000000e+02, v31  }
0x465: {  	[tilespmem:v36+s28+$0x0] =	vst.idx.add.f32.msk $0xffff, v2;
	v63 =	vmul.f32 v61, v39;
	v28 =	vsub.f32 $5.120000000e+02, v30;
	v12 =	vmax.f32 v12, v16  }
0x466: {  	[tilespmem:v36+s29+$0x0] =	vst.idx.add.f32.msk $0xffff, v11;
	v11 =	vmax.f32 v12, v17;
	v12 =	vmax.f32 v24, $0.0e+00;
	v24 =	vsub.f32 $5.120000000e+02, v62  }
0x467: {  	[tilespmem:v34+s28+$0x0] =	vst.idx.add.f32.msk $0xffff, v2;
	v29 =	vsub.f32 $5.120000000e+02, v63;
	v31 =	vmax.f32 v11, v12;
	v11 =	vmax.f32 v28, $0.0e+00  }
0x468: {  	s31 =	simm.s32 $0x8;
	s4 =	simm.s32 $0x100;
	s3 =	simm.s32 $0x800;
	[tilespmem:v34+s29+$0x0] =	vst.idx.add.f32.msk $0xffff, v10;
	v30 =	vmul.f32 $4.096000000e+03, v37;
	v28 =	vmax.f32 v31, v11;
	v10 =	vmax.f32 v24, $0.0e+00  }
.LBB2_18:
0x469: {  	s5 =	sand.u32 $0x3000, s4;
	s6 =	sand.u32 $0xC00, s3;
	v27 =	vmul.f32 $4.096000000e+03, v27;
	v28 =	vmax.f32 v28, v10;
	v24 =	vmax.f32 v29, $0.0e+00;
	s1 =	sadd.s32 $0x20, s1  }
0x46a: {  	v26 =	vmul.f32 $4.096000000e+03, v26;
	v25 =	vmul.f32 $4.096000000e+03, v25;
	s5 =	sor.u32 s6, s5;
	s6 =	sand.u32 $0x380, s1;
	v28 =	vmax.f32 v28, v24  }
0x46b: {  	v29 =	vmin.f32 v19, $8.191000000e+03;
	v23 =	vmul.f32 $4.096000000e+03, v23;
	v22 =	vmul.f32 $4.096000000e+03, v22;
	s5 =	sor.u32 s6, s5  }
0x46c: {  	v32 =	vmin.f32 v18, $8.191000000e+03;
	v21 =	vmul.f32 $4.096000000e+03, v21;
	v20 =	vmul.f32 $4.096000000e+03, v20;
	v31 =	vld [tilespmem:s5+$0x4000]  }
0x46d: {  	v34 =	vmin.f32 v16, $8.191000000e+03;
	v35 =	vmin.f32 v17, $8.191000000e+03;
	v36 =	vmin.f32 v12, $8.191000000e+03;
	v33 =	vld [tilespmem:s5+$0x4010]  }
0x46e: {  	v38 =	vmin.f32 v11, $8.191000000e+03;
	v39 =	vmin.f32 v10, $8.191000000e+03;
	v40 =	vmin.f32 v24, $8.191000000e+03;
	v37 =	vld [tilespmem:s5+$0x4020]  }
0x46f: {  	v29 =	vadd.f32 v29, v30;
	v30 =	vor.u32 v1, v15;
	v27 =	vadd.f32 v32, v27;
	v41 =	vld [tilespmem:s5+$0x4030]  }
0x470: {  	v15 =	vadd.f32 v34, v26;
	v25 =	vadd.f32 v35, v25;
	v34 =	vor.u32 v1, v14;
	v32 =	vld [tilespmem:s5+$0x4040]  }
0x471: {  	s31 =	sadd.s32 $0x8, s31;
	v14 =	vadd.f32 v36, v23;
	v22 =	vadd.f32 v38, v22;
	v36 =	vor.u32 v1, v13;
	v35 =	vld [tilespmem:s5+$0x4050]  }
0x472: {  	p0 =	slt.u32 s31, $0x3F8;
	v13 =	vadd.f32 v39, v21;
	v20 =	vadd.f32 v40, v20;
	v38 =	vor.u32 v1, v9;
	v23 =	vld [tilespmem:s5+$0xC000]  }
0x473: {  	v39 =	vor.u32 v1, v8;
	v9 =	vadd.f32 $8.388608000e+06, v29;
	v26 =	vadd.f32 $8.388608000e+06, v27;
	v21 =	vld [tilespmem:s5+$0xC010]  }
0x474: {  	v8 =	vadd.f32 $8.388608000e+06, v15;
	v15 =	vadd.f32 $8.388608000e+06, v25;
	v29 =	vld [tilespmem:s5+$0xC020]  }
0x475: {  	v22 =	vadd.f32 $8.388608000e+06, v22;
	v27 =	vand.u32 $0x3FF0, v9;
	v9 =	vadd.f32 $8.388608000e+06, v14;
	v25 =	vld [tilespmem:s5+$0xC030]  }
0x476: {  	v42 =	vadd.f32 $8.388608000e+06, v13;
	v20 =	vadd.f32 $8.388608000e+06, v20;
	v26 =	vand.u32 $0x3FF0, v26;
	v40 =	vld [tilespmem:s5+$0xC040]  }
0x477: {  	v44 =	vand.u32 $0x3FF0, v8;
	v15 =	vand.u32 $0x3FF0, v15;
	v14 =	vand.u32 $0x3FF0, v9;
	v43 =	vld [tilespmem:s5+$0xC050]  }
0x478: {  	v13 =	vand.u32 $0x3FF0, v22;
	v8 =	vand.u32 $0x3FF0, v20;
	v9 =	vand.u32 $0x3FF0, v42;
	v45 =	vld [tilespmem:s5+$0xC060]  }
0x479: {  	v42 =	vor.u32 v1, v27;
	v46 =	vor.u32 v1, v26;
	v44 =	vor.u32 v1, v44;
	v20 =	vld [tilespmem:s5+$0xC070]  }
0x47a: {  	v31 =	vmul.f32 $5.120000000e+02, v31;
	v33 =	vmul.f32 $5.120000000e+02, v33;
	v47 =	vadd.f32 v23, v23;
	v48 =	vld [tilespmem:s5+$0x4060]  }
0x47b: {  	v37 =	vmul.f32 $5.120000000e+02, v37;
	v27 =	vadd.f32 v21, v21;
	v26 =	vadd.f32 v29, v29;
	v29 =	vld [tilespmem:s5+$0x4070]  }
0x47c: {  	v41 =	vmul.f32 $5.120000000e+02, v41;
	v25 =	vadd.f32 v25, v25;
	v23 =	vadd.f32 v40, v40;
	[tilespmem:v30+s28+$0x0] =	vst.idx.add.f32.msk $0xffff, v2  }
0x47d: {  	v32 =	vmul.f32 $5.120000000e+02, v32;
	v22 =	vadd.f32 v43, v43;
	v21 =	vadd.f32 v45, v45;
	[tilespmem:v30+s29+$0x0] =	vst.idx.add.f32.msk $0xffff, v7  }
0x47e: {  	v35 =	vmul.f32 $5.120000000e+02, v35;
	v30 =	vadd.f32 $-1.000000000e+00, v47;
	v7 =	vmovc v17;
	v20 =	vadd.f32 v20, v20;
	[tilespmem:v42+s28+$0x0] =	vst.idx.add.f32.msk $0xffff, v2  }
0x47f: {  	v40 =	vadd.f32 $-1.000000000e+00, v26;
	v17 =	vadd.f32 $-1.000000000e+00, v27;
	v43 =	vmul.f32 $5.120000000e+02, v48;
	[tilespmem:v42+s29+$0x0] =	vst.idx.add.f32.msk $0xffff, v19  }
0x480: {  	v19 =	vadd.f32 $-1.000000000e+00, v25;
	v42 =	vadd.f32 $-1.000000000e+00, v23;
	v29 =	vmul.f32 $5.120000000e+02, v29;
	[tilespmem:v46+s28+$0x0] =	vst.idx.add.f32.msk $0xffff, v2  }
0x481: {  	v30 =	vmul.f32 v30, v31;
	v31 =	vadd.f32 $-1.000000000e+00, v22;
	v45 =	vadd.f32 $-1.000000000e+00, v21;
	[tilespmem:v46+s29+$0x0] =	vst.idx.add.f32.msk $0xffff, v18  }
0x482: {  	v17 =	vmul.f32 v17, v33;
	v33 =	vadd.f32 $-1.000000000e+00, v20;
	v18 =	vmul.f32 v40, v37;
	[tilespmem:v44+s28+$0x0] =	vst.idx.add.f32.msk $0xffff, v2  }
0x483: {  	v30 =	vsub.f32 $5.120000000e+02, v30;
	v37 =	vmul.f32 v19, v41;
	v32 =	vmul.f32 v42, v32;
	[tilespmem:v44+s29+$0x0] =	vst.idx.add.f32.msk $0xffff, v16  }
0x484: {  	v31 =	vmul.f32 v31, v35;
	v35 =	vmul.f32 v45, v43;
	v16 =	vsub.f32 $5.120000000e+02, v17;
	[tilespmem:v34+s28+$0x0] =	vst.idx.add.f32.msk $0xffff, v2  }
0x485: {  	v29 =	vmul.f32 v33, v29;
	v19 =	vmax.f32 v30, $0.0e+00;
	v17 =	vsub.f32 $5.120000000e+02, v18;
	[tilespmem:v34+s29+$0x0] =	vst.idx.add.f32.msk $0xffff, v6;
	v6 =	vmovc v12  }
0x486: {  	v12 =	vmax.f32 v28, v19;
	v18 =	vmax.f32 v16, $0.0e+00;
	v28 =	vsub.f32 $5.120000000e+02, v37;
	[tilespmem:v36+s28+$0x0] =	vst.idx.add.f32.msk $0xffff, v2  }
.Ltmp8:
0x487: {  	v30 =	vsub.f32 $5.120000000e+02, v32;
	v16 =	vmax.f32 v17, $0.0e+00;
	v12 =	vmax.f32 v12, v18;
	[tilespmem:v36+s29+$0x0] =	vst.idx.add.f32.msk $0xffff, v5;
	v5 =	vmovc v11;
	(pc) =	sbr.rel @p0 .LBB2_18-.Ltmp8, $4  }
0x488: {  	v11 =	vmax.f32 v12, v16;
	v17 =	vmax.f32 v28, $0.0e+00;
	v28 =	vsub.f32 $5.120000000e+02, v31;
	[tilespmem:v38+s28+$0x0] =	vst.idx.add.f32.msk $0xffff, v2  }
0x489: {  	v12 =	vmax.f32 v30, $0.0e+00;
	v31 =	vsub.f32 $5.120000000e+02, v35;
	v11 =	vmax.f32 v11, v17;
	[tilespmem:v38+s29+$0x0] =	vst.idx.add.f32.msk $0xffff, v4;
	v4 =	vmovc v10  }
0x48a: {  	v29 =	vsub.f32 $5.120000000e+02, v29;
	v10 =	vmax.f32 v11, v12;
	v11 =	vmax.f32 v28, $0.0e+00;
	[tilespmem:v39+s28+$0x0] =	vst.idx.add.f32.msk $0xffff, v2  }
0x48b: {  	s3 =	sadd.s32 $0x400, s3;
	s4 =	sadd.s32 $0x80, s4;
	v30 =	vmul.f32 $4.096000000e+03, v47;
	v28 =	vmax.f32 v10, v11;
	v10 =	vmax.f32 v31, $0.0e+00;
	[tilespmem:v39+s29+$0x0] =	vst.idx.add.f32.msk $0xffff, v3;
	v3 =	vmovc v24  }
0x48c: {  	v15 =	vor.u32 v1, v15  }
0x48d: {  	v42 =	vor.u32 v1, v14  }
0x48e: {  	v13 =	vor.u32 v1, v13  }
0x48f: {  	v9 =	vor.u32 v1, v9  }
0x490: {  	v24 =	vmin.f32 v19, $8.191000000e+03;
	v27 =	vmul.f32 $4.096000000e+03, v27;
	v8 =	vor.u32 v1, v8  }
0x491: {  	v40 =	vmin.f32 v18, $8.191000000e+03;
	v24 =	vadd.f32 v24, v30;
	[tilespmem:v15+s28+$0x0] =	vst.idx.add.f32.msk $0xffff, v2  }
0x492: {  	v26 =	vmul.f32 $4.096000000e+03, v26;
	v41 =	vmin.f32 v16, $8.191000000e+03;
	v27 =	vadd.f32 v40, v27;
	[tilespmem:v42+s28+$0x0] =	vst.idx.add.f32.msk $0xffff, v2  }
0x493: {  	v43 =	vmul.f32 $4.096000000e+03, v25;
	v44 =	vmin.f32 v17, $8.191000000e+03;
	v24 =	vadd.f32 $8.388608000e+06, v24;
	[tilespmem:v13+s28+$0x0] =	vst.idx.add.f32.msk $0xffff, v2  }
0x494: {  	v46 =	vmax.f32 v29, $0.0e+00;
	v53 =	vmul.f32 $4.096000000e+03, v20;
	v27 =	vadd.f32 $8.388608000e+06, v27;
	[tilespmem:v9+s28+$0x0] =	vst.idx.add.f32.msk $0xffff, v2  }
0x495: {  	v57 =	vmin.f32 v46, $8.191000000e+03;
	v26 =	vadd.f32 v41, v26;
	v24 =	vand.u32 $0x3FF0, v24;
	[tilespmem:v8+s28+$0x0] =	vst.idx.add.f32.msk $0xffff, v2  }
0x496: {  	v14 =	vadd.f32 v44, v43;
	v24 =	vor.u32 v1, v24;
	v27 =	vand.u32 $0x3FF0, v27;
	[tilespmem:v15+s29+$0x0] =	vst.idx.add.f32.msk $0xffff, v7  }
0x497: {  	v59 =	vadd.f32 v57, v53;
	v26 =	vadd.f32 $8.388608000e+06, v26;
	[tilespmem:v42+s29+$0x0] =	vst.idx.add.f32.msk $0xffff, v6;
	v27 =	vor.u32 v1, v27  }
0x498: {  	v45 =	vmul.f32 $4.096000000e+03, v23;
	v14 =	vadd.f32 $8.388608000e+06, v14;
	[tilespmem:v13+s29+$0x0] =	vst.idx.add.f32.msk $0xffff, v5  }
0x499: {  	v48 =	vmul.f32 $4.096000000e+03, v22;
	v61 =	vadd.f32 $8.388608000e+06, v59;
	v26 =	vand.u32 $0x3FF0, v26;
	[tilespmem:v9+s29+$0x0] =	vst.idx.add.f32.msk $0xffff, v4  }
0x49a: {  	v50 =	vmin.f32 v11, $8.191000000e+03;
	v14 =	vand.u32 $0x3FF0, v14;
	[tilespmem:v8+s29+$0x0] =	vst.idx.add.f32.msk $0xffff, v3;
	v26 =	vor.u32 v1, v26  }
0x49b: {  	v51 =	vadd.f32 v50, v48;
	v63 =	vand.u32 $0x3FF0, v61;
	v55 =	vor.u32 v1, v14;
	[tilespmem:v24+s28+$0x0] =	vst.idx.add.f32.msk $0xffff, v2  }
0x49c: {  	v47 =	vmin.f32 v12, $8.191000000e+03;
	v49 =	vmul.f32 $4.096000000e+03, v21;
	v5 =	vor.u32 v1, v63;
	[tilespmem:v27+s28+$0x0] =	vst.idx.add.f32.msk $0xffff, v2  }
0x49d: {  	v54 =	vmin.f32 v10, $8.191000000e+03;
	v6 =	vadd.f32 $8.388608000e+06, v51;
	[tilespmem:v27+s29+$0x0] =	vst.idx.add.f32.msk $0xffff, v18;
	v18 =	vadd.f32 v47, v45  }
0x49e: {  	v56 =	vadd.f32 v54, v49;
	[tilespmem:v24+s29+$0x0] =	vst.idx.add.f32.msk $0xffff, v19  }
0x49f: {  	v6 =	vand.u32 $0x3FF0, v6;
	[tilespmem:v26+s28+$0x0] =	vst.idx.add.f32.msk $0xffff, v2;
	v52 =	vadd.f32 $8.388608000e+06, v18  }
0x4a0: {  	v60 =	vadd.f32 $8.388608000e+06, v56;
	v3 =	vor.u32 v1, v6;
	[tilespmem:v55+s28+$0x0] =	vst.idx.add.f32.msk $0xffff, v2  }
0x4a1: {  	[tilespmem:v5+s28+$0x0] =	vst.idx.add.f32.msk $0xffff, v2;
	v7 =	vand.u32 $0x3FF0, v52  }
0x4a2: {  	v62 =	vand.u32 $0x3FF0, v60;
	[tilespmem:v26+s29+$0x0] =	vst.idx.add.f32.msk $0xffff, v16;
	v58 =	vor.u32 v1, v7  }
0x4a3: {  	[tilespmem:v55+s29+$0x0] =	vst.idx.add.f32.msk $0xffff, v17;
	v7 =	vor.u32 v1, v62  }
0x4a4: {  	[tilespmem:v5+s29+$0x0] =	vst.idx.add.f32.msk $0xffff, v46  }
0x4a5: {  	[tilespmem:v3+s28+$0x0] =	vst.idx.add.f32.msk $0xffff, v2  }
0x4a6: {  	[tilespmem:v3+s29+$0x0] =	vst.idx.add.f32.msk $0xffff, v11  }
0x4a7: {  	[tilespmem:v58+s28+$0x0] =	vst.idx.add.f32.msk $0xffff, v2  }
0x4a8: {  	[tilespmem:v7+s28+$0x0] =	vst.idx.add.f32.msk $0xffff, v2  }
0x4a9: {  	v3 =	vmax.f32 v28, v10;
	[tilespmem:v58+s29+$0x0] =	vst.idx.add.f32.msk $0xffff, v12  }
0x4aa: {  	v3 =	vmax.f32 v3, v46;
	[tilespmem:v7+s29+$0x0] =	vst.idx.add.f32.msk $0xffff, v10  }
0x4ab: {  	[tilespmem:$0x18000] =	vst v3  }
0x4ac: {  	[hbm4b:s19+s2] =	stream.linear.scatter [tilespmem:s28], [sflag:$0x1], $0x4000, $0x38;
	[tilespmem:$0x18080] =	vst v63  }
0x4ad: {  	_ = 	snop  }
0x4ae: {  	[hbm4b:s20+s2] =	stream.linear.scatter [tilespmem:s29], [sflag:$0x2], $0x4000, $0x38;
	[tilespmem:$0x18080] =	vst v63  }
0x4af: {  	s1 =	simm.s32 $0x18000  }
0x4b0: {  	[hbm4b:s21+s2] =	stream.linear.scatter [tilespmem:s1], [sflag:$0x1], $0x10, $0x38;
	[tilespmem:$0x18080] =	vst v63  }
0x4b1: {  	_ =	swait.ge [sflag:s26], $0x4000  }
0x4b2: {  	[sflag:s26] =	ssyncset.done $0x0  }
0x4b3: {  	s0 =	sadd.s32 $0x1, s0;
	[sflag:s26] =	ssyncadd.s32 $0xFFFFC000  }
0x4b4: {  	p0 =	sne.s32 s0, s22;
	_ =	swait.ge [sflag:s30], $0x4000  }
.Ltmp9:
0x4b5: {  	[sflag:s30] =	ssyncset.done $0x0;
	(pc) =	sbr.rel @p0 .LBB2_1-.Ltmp9, $4  }
0x4b6: {  	[sflag:s30] =	ssyncadd.s32 $0xFFFFC000  }
0x4b7: {  	_ =	swait.ge [sflag:s26], $0x10  }
0x4b8: {  	[sflag:s26] =	ssyncset.done $0x0  }
0x4b9: {  	[sflag:s26] =	ssyncadd.s32 $0xFFFFFFF0  }
0x4ba: {  	_ =	sfence.sel $0x180000  }
0x4bb: {  	[bflag:$0x0] =	sbarrier.arrive $0xFFFF  }
0x4bc: {  	_ =	strace $0x90000047  }
0x4bd: {  	s0 =	stileid.u32;
	[bflag:$0x2] =	sbarrier.arrive $0xFFFF  }
0x4be: {  	p0 =	sne.s32 s0, $0x0;
	s0 =	rddreg [dreg:$0x3]  }
0x4bf: {  	s0 =	sadd.s32 @!p0 $0x100000, s0  }
0x4c0: {  	[sflag:s0] =	ssyncadd.tile.s32 @!p0 $0x1;
	_ =	shalt  }
.Lfunc_end2:
_tile_overlayer_lowered:
.L_overlay_start_2:
0x4c1: {  	(tag) =	ssettag $0x2  }
0x4c2: {  	s0 =	rddreg [dreg:$0x0];
	s2 =	stileid.u32  }
0x4c3: {  	s1 =	rddreg [dreg:$0x1];
	p0 =	sne.s32 s2, $0x0  }
0x4c4: {  	s3 =	rddreg [dreg:$0x2];
	[bflag:$0x3] =	sbarrier.arrive $0xFFFF;
	s2 =	simm.s32 @!p0 $0x1C03  }
0x4c5: {  	[timem:s3], [sflag:s2] =	dma.local @!p0 [hbm:s0], s1  }
0x4c6: {  	s0 =	simm.s32 @!p0 $0x3  }
0x4c7: {  	_ =	swait.ge @!p0 [sflag:s0], s1  }
0x4c8: {  	s1 =	ssub.s32 @!p0 $0x0, s1;
	[sflag:s0] =	ssyncset.done @!p0 $0x0  }
0x4c9: {  	[sflag:s0] =	ssyncadd.s32 @!p0 s1  }
0x4ca: {  	[bflag:$0x3] =	sbarrier.arrive $0xFFFF  }
0x4cb: {  	_ =	shalt  }

</sc_bundles>
